<compile_context>
chip_gen: v7x
topology: tpu7x:2x2x1
jax: 0.10.2.dev20260603
libtpu: 0.0.44.dev20260713+nightly
codegen_flags: <defaults>
</compile_context>

<pallas_src>
import functools
import math

import jax
import jax.numpy as jnp
from jax import lax
from jax.experimental import pallas as pl
from jax.experimental.pallas import tpu as pltpu
from jax.experimental.pallas import tpu_sc as plsc

BINS = 10
B = 16384
C = 1000

SC_ROWS = 8192
TC_ROWS = B - SC_ROWS

SCN = SC_ROWS * C
NC, NS, LANES = 2, 16, 16
NW = NC * NS
PERW = SCN // NW
CHE = 16_000
NCHUNK = PERW // CHE
NPAIR = NCHUNK // 2
VPC = CHE // LANES
NREP = 4
ACCW = 2 * BINS * LANES

BLK = 256
RCH = 8
NACC = 2 * (BINS - 1) + 1
_THRESH = [math.log(k / (BINS - k)) for k in range(1, BINS)]
_COLS = [(ci * 128, 128) for ci in range(7)] + [(896, 104)]

_L1P = [9.975032552456131e-06, 0.999235483833275, -0.4902307234234118,
        0.2852726810905759, -0.13158182508875882, 0.030449004538667168]

_mesh = plsc.VectorSubcoreMesh(core_axis_name="c", subcore_axis_name="s")


@functools.partial(
    pl.kernel,
    out_type=jax.ShapeDtypeStruct((NW * NREP * ACCW,), jnp.float32),
    mesh=_mesh,
    scratch_types=[
        pltpu.VMEM((CHE,), jnp.float32),
        pltpu.VMEM((CHE,), jnp.float32),
        pltpu.VMEM((CHE,), jnp.float32),
        pltpu.VMEM((CHE,), jnp.float32),
        pltpu.VMEM((NREP * ACCW,), jnp.float32),
        pltpu.SemaphoreType.DMA,
        pltpu.SemaphoreType.DMA,
        pltpu.SemaphoreType.DMA,
        pltpu.SemaphoreType.DMA,
    ],
    compiler_params=pltpu.CompilerParams(needs_layout_passes=False),
)
def _sc_main(x_hbm, t_hbm, out_hbm, xb0, tb0, xb1, tb1, acc,
             sx0, st0, sx1, st1):
    wid = lax.axis_index("s") * NC + lax.axis_index("c")
    base = wid * PERW

    zeros = jnp.zeros((LANES,), jnp.float32)
    ones = jnp.ones((LANES,), jnp.float32)
    lane = lax.iota(jnp.int32, LANES)
    for k in range(NREP * 2 * BINS):
        acc[pl.ds(k * LANES, LANES)] = zeros

    def start(off, xb, tb, sx, st):
        pltpu.make_async_copy(x_hbm.at[pl.ds(off, CHE)], xb, sx).start()
        pltpu.make_async_copy(t_hbm.at[pl.ds(off, CHE)], tb, st).start()

    def wait(off, xb, tb, sx, st):
        pltpu.make_async_copy(x_hbm.at[pl.ds(off, CHE)], xb, sx).wait()
        pltpu.make_async_copy(t_hbm.at[pl.ds(off, CHE)], tb, st).wait()

    def compute(xb, tb):
        @plsc.parallel_loop(0, VPC, 1, unroll=8)
        def _vec(j):
            o = j * LANES
            x = xb[pl.ds(o, LANES)]
            t = tb[pl.ds(o, LANES)]
            y = jnp.where(t > 0.5, -x, x)
            u = jnp.exp(-jnp.abs(y))
            p = jnp.float32(_L1P[5])
            for c in (4, 3, 2, 1, 0):
                p = p * u + jnp.float32(_L1P[c])
            bce = jnp.maximum(y, 0.0) + p
            sig = jnp.where(y >= 0.0, 1.0, u) / (1.0 + u)
            bidx = jnp.minimum((sig * BINS).astype(jnp.int32), BINS - 1)
            rep = (j % NREP) * ACCW
            idx = bidx * LANES + lane + rep
            plsc.addupdate_scatter(acc, [idx], bce)
            plsc.addupdate_scatter(acc, [idx + BINS * LANES], ones)

    start(base, xb0, tb0, sx0, st0)

    def pair_body(i, carry):
        off0 = base + (2 * i) * CHE
        off1 = off0 + CHE
        start(off1, xb1, tb1, sx1, st1)
        wait(off0, xb0, tb0, sx0, st0)
        compute(xb0, tb0)

        @pl.when(i < NPAIR - 1)
        def _prefetch_even():
            start(off1 + CHE, xb0, tb0, sx0, st0)

        wait(off1, xb1, tb1, sx1, st1)
        compute(xb1, tb1)
        return carry

    lax.fori_loop(0, NPAIR, pair_body, 0)
    pltpu.sync_copy(acc, out_hbm.at[pl.ds(wid * NREP * ACCW, NREP * ACCW)])


def _tc_body(x_ref, t_ref, a_ref, out_ref, acc_ref):
    i = pl.program_id(0)
    nsteps = pl.num_programs(0)

    def init_accs():
        return tuple(jnp.zeros((RCH, 128), jnp.float32) for _ in range(NACC))

    def load_accs():
        return tuple(acc_ref[k] for k in range(NACC))

    accs = jax.lax.cond(i == 0, init_accs, load_accs)

    def row_chunk(r, accs):
        accs = list(accs)
        for c0, w in _COLS:
            x = x_ref[pl.ds(r * RCH, RCH), pl.ds(c0, w)]
            t = t_ref[pl.ds(r * RCH, RCH), pl.ds(c0, w)]
            if w < 128:
                x = jnp.concatenate(
                    [x, jnp.full((RCH, 128 - w), jnp.inf, jnp.float32)], axis=1)
                t = jnp.concatenate(
                    [t, jnp.ones((RCH, 128 - w), jnp.float32)], axis=1)
            y = jnp.where(t > 0.5, -x, x)
            bce = jnp.maximum(y, 0.0) + jnp.log1p(jnp.exp(-jnp.abs(y)))
            accs[0] = accs[0] + bce
            for k in range(1, BINS):
                m = y >= _THRESH[k - 1]
                accs[2 * k - 1] = accs[2 * k - 1] + m.astype(jnp.float32)
                accs[2 * k] = accs[2 * k] + jnp.where(m, bce, 0.0)
        return tuple(accs)

    accs = jax.lax.fori_loop(0, BLK // RCH, row_chunk, accs)
    for k in range(NACC):
        acc_ref[k] = accs[k]

    @pl.when(i == nsteps - 1)
    def _finalize():
        a = a_ref[...]
        ccum = [jnp.float32(TC_ROWS * C)]
        scum = [jnp.sum(acc_ref[0])]
        for k in range(1, BINS):
            ccum.append(jnp.sum(acc_ref[2 * k - 1]))
            scum.append(jnp.sum(acc_ref[2 * k]))
        ccum.append(jnp.float32(0.0))
        scum.append(jnp.float32(0.0))
        n = jnp.float32(0.0)
        s = jnp.float32(0.0)
        for b in range(BINS):
            sb = jnp.sum(a[:, 16 * b:16 * b + 16]) + (scum[b] - scum[b + 1])
            cnt = jnp.sum(a[:, 160 + 16 * b:160 + 16 * b + 16]) \
                + (ccum[b] - ccum[b + 1])
            nonempty = cnt > 0.0
            n += jnp.where(nonempty, 1.0, 0.0)
            s += jnp.where(nonempty, sb / jnp.maximum(cnt, 1.0), 0.0)
        out_ref[0] = s / jnp.maximum(n, 1.0)


@jax.jit
def kernel(input, target):
    sc_accs = _sc_main(input[:SC_ROWS].reshape(-1),
                       target[:SC_ROWS].reshape(-1))
    out = pl.pallas_call(
        _tc_body,
        grid=(TC_ROWS // BLK,),
        in_specs=[
            pl.BlockSpec((BLK, C), lambda i: (i + SC_ROWS // BLK, 0)),
            pl.BlockSpec((BLK, C), lambda i: (i + SC_ROWS // BLK, 0)),
            pl.BlockSpec((NW * NREP, ACCW), lambda i: (0, 0)),
        ],
        out_specs=pl.BlockSpec(memory_space=pltpu.SMEM),
        out_shape=jax.ShapeDtypeStruct((1,), jnp.float32),
        scratch_shapes=[pltpu.VMEM((NACC, RCH, 128), jnp.float32)],
    )(input, target, sc_accs.reshape(NW * NREP, ACCW))
    return out[0]

# --- scband reference (transcript-rebuilt; emitter-appended) ---
"""Pipeline reference for scband-ghmcloss-5128190952067 (READ-ONLY COPY).

The authoritative reference and input builder live on the scoring server;
editing this copy changes nothing except your own understanding.
"""

import jax, jax.numpy as jnp
import numpy as np

BINS = 10
B = 16384
C = 1000

def setup_inputs(seed: int = 0) -> dict:
    key = jax.random.key(seed)
    k1, k2 = jax.random.split(key)
    inp = jax.random.normal(k1, (B, C), dtype=jnp.float32)
    target = jax.random.randint(k2, (B, C), 0, 2).astype(jnp.float32)
    return {"input": inp, "target": target}

def reference(input, target):
    bins = BINS
    tot = input.shape[0]  # torch: len(input) == batch_num
    # g = |sigmoid(input).detach() - target|
    g = jnp.abs(jax.nn.sigmoid(jax.lax.stop_gradient(input)) - jax.lax.stop_gradient(target))
    # edges are uniform [i/bins]; last edge bumped by 1e-6 so g==1 lands in last bin.
    # floor-based binning with clip reproduces that exactly.
    bin_idx = jnp.clip(jnp.floor(g * bins).astype(jnp.int32), 0, bins - 1)
    counts = jnp.bincount(bin_idx.reshape(-1), length=bins)
    n = jnp.sum(counts > 0)
    per_bin_w = jnp.where(counts > 0,
                          tot / jnp.maximum(counts, 1).astype(jnp.float32),
                          0.0)
    weights = per_bin_w[bin_idx]
    weights = jnp.where(n > 0, weights / jnp.maximum(n, 1).astype(jnp.float32), weights)
    weights = jax.lax.stop_gradient(weights)
    # binary_cross_entropy_with_logits, weighted, reduction='sum'
    x = input
    t = target
    bce = jnp.maximum(x, 0.0) - x * t + jnp.log1p(jnp.exp(-jnp.abs(x)))
    loss = jnp.sum(weights * bce) / tot
    return loss

if __name__ == "__main__":
    import jax
    _d = setup_inputs()
    print(jax.jit(kernel)(*tuple(_d.values())))

</pallas_src>

<mosaic_0001>
#map = affine_map<(d0, d1) -> (0)>
module attributes {stable_mosaic.version = 14 : i64} {
  func.func @_sc_main(%arg0: i32, %arg1: i32, %arg2: memref<8192000xf32, #tpu.memory_space<hbm>>, %arg3: memref<8192000xf32, #tpu.memory_space<hbm>>, %arg4: memref<40960xf32, #tpu.memory_space<hbm>>, %arg5: memref<16000xf32, #tpu.memory_space<vmem>>, %arg6: memref<16000xf32, #tpu.memory_space<vmem>>, %arg7: memref<16000xf32, #tpu.memory_space<vmem>>, %arg8: memref<16000xf32, #tpu.memory_space<vmem>>, %arg9: memref<1280xf32, #tpu.memory_space<vmem>>, %arg10: memref<!tpu.dma_semaphore, #tpu.memory_space<semaphore_mem>>, %arg11: memref<!tpu.dma_semaphore, #tpu.memory_space<semaphore_mem>>, %arg12: memref<!tpu.dma_semaphore, #tpu.memory_space<semaphore_mem>>, %arg13: memref<!tpu.dma_semaphore, #tpu.memory_space<semaphore_mem>>) attributes {dimension_semantics = [#tpu.dimension_semantics<core_parallel>, #tpu.dimension_semantics<subcore_parallel>], iteration_bounds = array<i64: 2, 16>, scalar_prefetch = 0 : i64, scratch_operands = 9 : i64, tpu.core_type = #tpu.core_type<sc_vector_subcore>, window_params = [{transform_indices = #map}, {transform_indices = #map}, {transform_indices = #map}]} {
    %mul3A = arith.constant 2 : i32
    %mul3A_0 = arith.muli %arg1, %mul3A : i32
    %add3A = arith.addi %mul3A_0, %arg0 : i32
    %mul3A_1 = arith.constant 256000 : i32
    %mul3A_2 = arith.muli %add3A, %mul3A_1 : i32
    %broadcast_in_dim3A = arith.constant 0.000000e+00 : f32
    %broadcast_in_dim3A_3 = vector.broadcast %broadcast_in_dim3A : f32 to vector<16xf32>
    %broadcast_in_dim3A_4 = arith.constant 1.000000e+00 : f32
    %broadcast_in_dim3A_5 = vector.broadcast %broadcast_in_dim3A_4 : f32 to vector<16xf32>
    %iota3A = tpu.iota {dimensions = array<i32: 0>} : vector<16xi32>
    %swap3A = arith.constant 0 : index
    %swap3A_6 = tpu.vector_load %arg9[%swap3A] {strides = array<i32>} : memref<1280xf32, #tpu.memory_space<vmem>>, vector<16xf32>,
    tpu.vector_store %arg9[%swap3A], %broadcast_in_dim3A_3 {strides = array<i32>} : memref<1280xf32, #tpu.memory_space<vmem>>, vector<16xf32>,
    %swap3A_7 = arith.constant 16 : index
    %swap3A_8 = tpu.vector_load %arg9[%swap3A_7] {strides = array<i32>} : memref<1280xf32, #tpu.memory_space<vmem>>, vector<16xf32>,
    tpu.vector_store %arg9[%swap3A_7], %broadcast_in_dim3A_3 {strides = array<i32>} : memref<1280xf32, #tpu.memory_space<vmem>>, vector<16xf32>,
    %swap3A_9 = arith.constant 32 : index
    %swap3A_10 = tpu.vector_load %arg9[%swap3A_9] {strides = array<i32>} : memref<1280xf32, #tpu.memory_space<vmem>>, vector<16xf32>,
    tpu.vector_store %arg9[%swap3A_9], %broadcast_in_dim3A_3 {strides = array<i32>} : memref<1280xf32, #tpu.memory_space<vmem>>, vector<16xf32>,
    %swap3A_11 = arith.constant 48 : index
    %swap3A_12 = tpu.vector_load %arg9[%swap3A_11] {strides = array<i32>} : memref<1280xf32, #tpu.memory_space<vmem>>, vector<16xf32>,
    tpu.vector_store %arg9[%swap3A_11], %broadcast_in_dim3A_3 {strides = array<i32>} : memref<1280xf32, #tpu.memory_space<vmem>>, vector<16xf32>,
    %swap3A_13 = arith.constant 64 : index
    %swap3A_14 = tpu.vector_load %arg9[%swap3A_13] {strides = array<i32>} : memref<1280xf32, #tpu.memory_space<vmem>>, vector<16xf32>,
    tpu.vector_store %arg9[%swap3A_13], %broadcast_in_dim3A_3 {strides = array<i32>} : memref<1280xf32, #tpu.memory_space<vmem>>, vector<16xf32>,
    %swap3A_15 = arith.constant 80 : index
    %swap3A_16 = tpu.vector_load %arg9[%swap3A_15] {strides = array<i32>} : memref<1280xf32, #tpu.memory_space<vmem>>, vector<16xf32>,
    tpu.vector_store %arg9[%swap3A_15], %broadcast_in_dim3A_3 {strides = array<i32>} : memref<1280xf32, #tpu.memory_space<vmem>>, vector<16xf32>,
    %swap3A_17 = arith.constant 96 : index
    %swap3A_18 = tpu.vector_load %arg9[%swap3A_17] {strides = array<i32>} : memref<1280xf32, #tpu.memory_space<vmem>>, vector<16xf32>,
    tpu.vector_store %arg9[%swap3A_17], %broadcast_in_dim3A_3 {strides = array<i32>} : memref<1280xf32, #tpu.memory_space<vmem>>, vector<16xf32>,
    %swap3A_19 = arith.constant 112 : index
    %swap3A_20 = tpu.vector_load %arg9[%swap3A_19] {strides = array<i32>} : memref<1280xf32, #tpu.memory_space<vmem>>, vector<16xf32>,
    tpu.vector_store %arg9[%swap3A_19], %broadcast_in_dim3A_3 {strides = array<i32>} : memref<1280xf32, #tpu.memory_space<vmem>>, vector<16xf32>,
    %swap3A_21 = arith.constant 128 : index
    %swap3A_22 = tpu.vector_load %arg9[%swap3A_21] {strides = array<i32>} : memref<1280xf32, #tpu.memory_space<vmem>>, vector<16xf32>,
    tpu.vector_store %arg9[%swap3A_21], %broadcast_in_dim3A_3 {strides = array<i32>} : memref<1280xf32, #tpu.memory_space<vmem>>, vector<16xf32>,
    %swap3A_23 = arith.constant 144 : index
    %swap3A_24 = tpu.vector_load %arg9[%swap3A_23] {strides = array<i32>} : memref<1280xf32, #tpu.memory_space<vmem>>, vector<16xf32>,
    tpu.vector_store %arg9[%swap3A_23], %broadcast_in_dim3A_3 {strides = array<i32>} : memref<1280xf32, #tpu.memory_space<vmem>>, vector<16xf32>,
    %swap3A_25 = arith.constant 160 : index
    %swap3A_26 = tpu.vector_load %arg9[%swap3A_25] {strides = array<i32>} : memref<1280xf32, #tpu.memory_space<vmem>>, vector<16xf32>,
    tpu.vector_store %arg9[%swap3A_25], %broadcast_in_dim3A_3 {strides = array<i32>} : memref<1280xf32, #tpu.memory_space<vmem>>, vector<16xf32>,
    %swap3A_27 = arith.constant 176 : index
    %swap3A_28 = tpu.vector_load %arg9[%swap3A_27] {strides = array<i32>} : memref<1280xf32, #tpu.memory_space<vmem>>, vector<16xf32>,
    tpu.vector_store %arg9[%swap3A_27], %broadcast_in_dim3A_3 {strides = array<i32>} : memref<1280xf32, #tpu.memory_space<vmem>>, vector<16xf32>,
    %swap3A_29 = arith.constant 192 : index
    %swap3A_30 = tpu.vector_load %arg9[%swap3A_29] {strides = array<i32>} : memref<1280xf32, #tpu.memory_space<vmem>>, vector<16xf32>,
    tpu.vector_store %arg9[%swap3A_29], %broadcast_in_dim3A_3 {strides = array<i32>} : memref<1280xf32, #tpu.memory_space<vmem>>, vector<16xf32>,
    %swap3A_31 = arith.constant 208 : index
    %swap3A_32 = tpu.vector_load %arg9[%swap3A_31] {strides = array<i32>} : memref<1280xf32, #tpu.memory_space<vmem>>, vector<16xf32>,
    tpu.vector_store %arg9[%swap3A_31], %broadcast_in_dim3A_3 {strides = array<i32>} : memref<1280xf32, #tpu.memory_space<vmem>>, vector<16xf32>,
    %swap3A_33 = arith.constant 224 : index
    %swap3A_34 = tpu.vector_load %arg9[%swap3A_33] {strides = array<i32>} : memref<1280xf32, #tpu.memory_space<vmem>>, vector<16xf32>,
    tpu.vector_store %arg9[%swap3A_33], %broadcast_in_dim3A_3 {strides = array<i32>} : memref<1280xf32, #tpu.memory_space<vmem>>, vector<16xf32>,
    %swap3A_35 = arith.constant 240 : index
    %swap3A_36 = tpu.vector_load %arg9[%swap3A_35] {strides = array<i32>} : memref<1280xf32, #tpu.memory_space<vmem>>, vector<16xf32>,
    tpu.vector_store %arg9[%swap3A_35], %broadcast_in_dim3A_3 {strides = array<i32>} : memref<1280xf32, #tpu.memory_space<vmem>>, vector<16xf32>,
    %swap3A_37 = arith.constant 256 : index
    %swap3A_38 = tpu.vector_load %arg9[%swap3A_37] {strides = array<i32>} : memref<1280xf32, #tpu.memory_space<vmem>>, vector<16xf32>,
    tpu.vector_store %arg9[%swap3A_37], %broadcast_in_dim3A_3 {strides = array<i32>} : memref<1280xf32, #tpu.memory_space<vmem>>, vector<16xf32>,
    %swap3A_39 = arith.constant 272 : index
    %swap3A_40 = tpu.vector_load %arg9[%swap3A_39] {strides = array<i32>} : memref<1280xf32, #tpu.memory_space<vmem>>, vector<16xf32>,
    tpu.vector_store %arg9[%swap3A_39], %broadcast_in_dim3A_3 {strides = array<i32>} : memref<1280xf32, #tpu.memory_space<vmem>>, vector<16xf32>,
    %swap3A_41 = arith.constant 288 : index
    %swap3A_42 = tpu.vector_load %arg9[%swap3A_41] {strides = array<i32>} : memref<1280xf32, #tpu.memory_space<vmem>>, vector<16xf32>,
    tpu.vector_store %arg9[%swap3A_41], %broadcast_in_dim3A_3 {strides = array<i32>} : memref<1280xf32, #tpu.memory_space<vmem>>, vector<16xf32>,
    %swap3A_43 = arith.constant 304 : index
    %swap3A_44 = tpu.vector_load %arg9[%swap3A_43] {strides = array<i32>} : memref<1280xf32, #tpu.memory_space<vmem>>, vector<16xf32>,
    tpu.vector_store %arg9[%swap3A_43], %broadcast_in_dim3A_3 {strides = array<i32>} : memref<1280xf32, #tpu.memory_space<vmem>>, vector<16xf32>,
    %swap3A_45 = arith.constant 320 : index
    %swap3A_46 = tpu.vector_load %arg9[%swap3A_45] {strides = array<i32>} : memref<1280xf32, #tpu.memory_space<vmem>>, vector<16xf32>,
    tpu.vector_store %arg9[%swap3A_45], %broadcast_in_dim3A_3 {strides = array<i32>} : memref<1280xf32, #tpu.memory_space<vmem>>, vector<16xf32>,
    %swap3A_47 = arith.constant 336 : index
    %swap3A_48 = tpu.vector_load %arg9[%swap3A_47] {strides = array<i32>} : memref<1280xf32, #tpu.memory_space<vmem>>, vector<16xf32>,
    tpu.vector_store %arg9[%swap3A_47], %broadcast_in_dim3A_3 {strides = array<i32>} : memref<1280xf32, #tpu.memory_space<vmem>>, vector<16xf32>,
    %swap3A_49 = arith.constant 352 : index
    %swap3A_50 = tpu.vector_load %arg9[%swap3A_49] {strides = array<i32>} : memref<1280xf32, #tpu.memory_space<vmem>>, vector<16xf32>,
    tpu.vector_store %arg9[%swap3A_49], %broadcast_in_dim3A_3 {strides = array<i32>} : memref<1280xf32, #tpu.memory_space<vmem>>, vector<16xf32>,
    %swap3A_51 = arith.constant 368 : index
    %swap3A_52 = tpu.vector_load %arg9[%swap3A_51] {strides = array<i32>} : memref<1280xf32, #tpu.memory_space<vmem>>, vector<16xf32>,
    tpu.vector_store %arg9[%swap3A_51], %broadcast_in_dim3A_3 {strides = array<i32>} : memref<1280xf32, #tpu.memory_space<vmem>>, vector<16xf32>,
    %swap3A_53 = arith.constant 384 : index
    %swap3A_54 = tpu.vector_load %arg9[%swap3A_53] {strides = array<i32>} : memref<1280xf32, #tpu.memory_space<vmem>>, vector<16xf32>,
    tpu.vector_store %arg9[%swap3A_53], %broadcast_in_dim3A_3 {strides = array<i32>} : memref<1280xf32, #tpu.memory_space<vmem>>, vector<16xf32>,
    %swap3A_55 = arith.constant 400 : index
    %swap3A_56 = tpu.vector_load %arg9[%swap3A_55] {strides = array<i32>} : memref<1280xf32, #tpu.memory_space<vmem>>, vector<16xf32>,
    tpu.vector_store %arg9[%swap3A_55], %broadcast_in_dim3A_3 {strides = array<i32>} : memref<1280xf32, #tpu.memory_space<vmem>>, vector<16xf32>,
    %swap3A_57 = arith.constant 416 : index
    %swap3A_58 = tpu.vector_load %arg9[%swap3A_57] {strides = array<i32>} : memref<1280xf32, #tpu.memory_space<vmem>>, vector<16xf32>,
    tpu.vector_store %arg9[%swap3A_57], %broadcast_in_dim3A_3 {strides = array<i32>} : memref<1280xf32, #tpu.memory_space<vmem>>, vector<16xf32>,
    %swap3A_59 = arith.constant 432 : index
    %swap3A_60 = tpu.vector_load %arg9[%swap3A_59] {strides = array<i32>} : memref<1280xf32, #tpu.memory_space<vmem>>, vector<16xf32>,
    tpu.vector_store %arg9[%swap3A_59], %broadcast_in_dim3A_3 {strides = array<i32>} : memref<1280xf32, #tpu.memory_space<vmem>>, vector<16xf32>,
    %swap3A_61 = arith.constant 448 : index
    %swap3A_62 = tpu.vector_load %arg9[%swap3A_61] {strides = array<i32>} : memref<1280xf32, #tpu.memory_space<vmem>>, vector<16xf32>,
    tpu.vector_store %arg9[%swap3A_61], %broadcast_in_dim3A_3 {strides = array<i32>} : memref<1280xf32, #tpu.memory_space<vmem>>, vector<16xf32>,
    %swap3A_63 = arith.constant 464 : index
    %swap3A_64 = tpu.vector_load %arg9[%swap3A_63] {strides = array<i32>} : memref<1280xf32, #tpu.memory_space<vmem>>, vector<16xf32>,
    tpu.vector_store %arg9[%swap3A_63], %broadcast_in_dim3A_3 {strides = array<i32>} : memref<1280xf32, #tpu.memory_space<vmem>>, vector<16xf32>,
    %swap3A_65 = arith.constant 480 : index
    %swap3A_66 = tpu.vector_load %arg9[%swap3A_65] {strides = array<i32>} : memref<1280xf32, #tpu.memory_space<vmem>>, vector<16xf32>,
    tpu.vector_store %arg9[%swap3A_65], %broadcast_in_dim3A_3 {strides = array<i32>} : memref<1280xf32, #tpu.memory_space<vmem>>, vector<16xf32>,
    %swap3A_67 = arith.constant 496 : index
    %swap3A_68 = tpu.vector_load %arg9[%swap3A_67] {strides = array<i32>} : memref<1280xf32, #tpu.memory_space<vmem>>, vector<16xf32>,
    tpu.vector_store %arg9[%swap3A_67], %broadcast_in_dim3A_3 {strides = array<i32>} : memref<1280xf32, #tpu.memory_space<vmem>>, vector<16xf32>,
    %swap3A_69 = arith.constant 512 : index
    %swap3A_70 = tpu.vector_load %arg9[%swap3A_69] {strides = array<i32>} : memref<1280xf32, #tpu.memory_space<vmem>>, vector<16xf32>,
    tpu.vector_store %arg9[%swap3A_69], %broadcast_in_dim3A_3 {strides = array<i32>} : memref<1280xf32, #tpu.memory_space<vmem>>, vector<16xf32>,
    %swap3A_71 = arith.constant 528 : index
    %swap3A_72 = tpu.vector_load %arg9[%swap3A_71] {strides = array<i32>} : memref<1280xf32, #tpu.memory_space<vmem>>, vector<16xf32>,
    tpu.vector_store %arg9[%swap3A_71], %broadcast_in_dim3A_3 {strides = array<i32>} : memref<1280xf32, #tpu.memory_space<vmem>>, vector<16xf32>,
    %swap3A_73 = arith.constant 544 : index
    %swap3A_74 = tpu.vector_load %arg9[%swap3A_73] {strides = array<i32>} : memref<1280xf32, #tpu.memory_space<vmem>>, vector<16xf32>,
    tpu.vector_store %arg9[%swap3A_73], %broadcast_in_dim3A_3 {strides = array<i32>} : memref<1280xf32, #tpu.memory_space<vmem>>, vector<16xf32>,
    %swap3A_75 = arith.constant 560 : index
    %swap3A_76 = tpu.vector_load %arg9[%swap3A_75] {strides = array<i32>} : memref<1280xf32, #tpu.memory_space<vmem>>, vector<16xf32>,
    tpu.vector_store %arg9[%swap3A_75], %broadcast_in_dim3A_3 {strides = array<i32>} : memref<1280xf32, #tpu.memory_space<vmem>>, vector<16xf32>,
    %swap3A_77 = arith.constant 576 : index
    %swap3A_78 = tpu.vector_load %arg9[%swap3A_77] {strides = array<i32>} : memref<1280xf32, #tpu.memory_space<vmem>>, vector<16xf32>,
    tpu.vector_store %arg9[%swap3A_77], %broadcast_in_dim3A_3 {strides = array<i32>} : memref<1280xf32, #tpu.memory_space<vmem>>, vector<16xf32>,
    %swap3A_79 = arith.constant 592 : index
    %swap3A_80 = tpu.vector_load %arg9[%swap3A_79] {strides = array<i32>} : memref<1280xf32, #tpu.memory_space<vmem>>, vector<16xf32>,
    tpu.vector_store %arg9[%swap3A_79], %broadcast_in_dim3A_3 {strides = array<i32>} : memref<1280xf32, #tpu.memory_space<vmem>>, vector<16xf32>,
    %swap3A_81 = arith.constant 608 : index
    %swap3A_82 = tpu.vector_load %arg9[%swap3A_81] {strides = array<i32>} : memref<1280xf32, #tpu.memory_space<vmem>>, vector<16xf32>,
    tpu.vector_store %arg9[%swap3A_81], %broadcast_in_dim3A_3 {strides = array<i32>} : memref<1280xf32, #tpu.memory_space<vmem>>, vector<16xf32>,
    %swap3A_83 = arith.constant 624 : index
    %swap3A_84 = tpu.vector_load %arg9[%swap3A_83] {strides = array<i32>} : memref<1280xf32, #tpu.memory_space<vmem>>, vector<16xf32>,
    tpu.vector_store %arg9[%swap3A_83], %broadcast_in_dim3A_3 {strides = array<i32>} : memref<1280xf32, #tpu.memory_space<vmem>>, vector<16xf32>,
    %swap3A_85 = arith.constant 640 : index
    %swap3A_86 = tpu.vector_load %arg9[%swap3A_85] {strides = array<i32>} : memref<1280xf32, #tpu.memory_space<vmem>>, vector<16xf32>,
    tpu.vector_store %arg9[%swap3A_85], %broadcast_in_dim3A_3 {strides = array<i32>} : memref<1280xf32, #tpu.memory_space<vmem>>, vector<16xf32>,
    %swap3A_87 = arith.constant 656 : index
    %swap3A_88 = tpu.vector_load %arg9[%swap3A_87] {strides = array<i32>} : memref<1280xf32, #tpu.memory_space<vmem>>, vector<16xf32>,
    tpu.vector_store %arg9[%swap3A_87], %broadcast_in_dim3A_3 {strides = array<i32>} : memref<1280xf32, #tpu.memory_space<vmem>>, vector<16xf32>,
    %swap3A_89 = arith.constant 672 : index
    %swap3A_90 = tpu.vector_load %arg9[%swap3A_89] {strides = array<i32>} : memref<1280xf32, #tpu.memory_space<vmem>>, vector<16xf32>,
    tpu.vector_store %arg9[%swap3A_89], %broadcast_in_dim3A_3 {strides = array<i32>} : memref<1280xf32, #tpu.memory_space<vmem>>, vector<16xf32>,
    %swap3A_91 = arith.constant 688 : index
    %swap3A_92 = tpu.vector_load %arg9[%swap3A_91] {strides = array<i32>} : memref<1280xf32, #tpu.memory_space<vmem>>, vector<16xf32>,
    tpu.vector_store %arg9[%swap3A_91], %broadcast_in_dim3A_3 {strides = array<i32>} : memref<1280xf32, #tpu.memory_space<vmem>>, vector<16xf32>,
    %swap3A_93 = arith.constant 704 : index
    %swap3A_94 = tpu.vector_load %arg9[%swap3A_93] {strides = array<i32>} : memref<1280xf32, #tpu.memory_space<vmem>>, vector<16xf32>,
    tpu.vector_store %arg9[%swap3A_93], %broadcast_in_dim3A_3 {strides = array<i32>} : memref<1280xf32, #tpu.memory_space<vmem>>, vector<16xf32>,
    %swap3A_95 = arith.constant 720 : index
    %swap3A_96 = tpu.vector_load %arg9[%swap3A_95] {strides = array<i32>} : memref<1280xf32, #tpu.memory_space<vmem>>, vector<16xf32>,
    tpu.vector_store %arg9[%swap3A_95], %broadcast_in_dim3A_3 {strides = array<i32>} : memref<1280xf32, #tpu.memory_space<vmem>>, vector<16xf32>,
    %swap3A_97 = arith.constant 736 : index
    %swap3A_98 = tpu.vector_load %arg9[%swap3A_97] {strides = array<i32>} : memref<1280xf32, #tpu.memory_space<vmem>>, vector<16xf32>,
    tpu.vector_store %arg9[%swap3A_97], %broadcast_in_dim3A_3 {strides = array<i32>} : memref<1280xf32, #tpu.memory_space<vmem>>, vector<16xf32>,
    %swap3A_99 = arith.constant 752 : index
    %swap3A_100 = tpu.vector_load %arg9[%swap3A_99] {strides = array<i32>} : memref<1280xf32, #tpu.memory_space<vmem>>, vector<16xf32>,
    tpu.vector_store %arg9[%swap3A_99], %broadcast_in_dim3A_3 {strides = array<i32>} : memref<1280xf32, #tpu.memory_space<vmem>>, vector<16xf32>,
    %swap3A_101 = arith.constant 768 : index
    %swap3A_102 = tpu.vector_load %arg9[%swap3A_101] {strides = array<i32>} : memref<1280xf32, #tpu.memory_space<vmem>>, vector<16xf32>,
    tpu.vector_store %arg9[%swap3A_101], %broadcast_in_dim3A_3 {strides = array<i32>} : memref<1280xf32, #tpu.memory_space<vmem>>, vector<16xf32>,
    %swap3A_103 = arith.constant 784 : index
    %swap3A_104 = tpu.vector_load %arg9[%swap3A_103] {strides = array<i32>} : memref<1280xf32, #tpu.memory_space<vmem>>, vector<16xf32>,
    tpu.vector_store %arg9[%swap3A_103], %broadcast_in_dim3A_3 {strides = array<i32>} : memref<1280xf32, #tpu.memory_space<vmem>>, vector<16xf32>,
    %swap3A_105 = arith.constant 800 : index
    %swap3A_106 = tpu.vector_load %arg9[%swap3A_105] {strides = array<i32>} : memref<1280xf32, #tpu.memory_space<vmem>>, vector<16xf32>,
    tpu.vector_store %arg9[%swap3A_105], %broadcast_in_dim3A_3 {strides = array<i32>} : memref<1280xf32, #tpu.memory_space<vmem>>, vector<16xf32>,
    %swap3A_107 = arith.constant 816 : index
    %swap3A_108 = tpu.vector_load %arg9[%swap3A_107] {strides = array<i32>} : memref<1280xf32, #tpu.memory_space<vmem>>, vector<16xf32>,
    tpu.vector_store %arg9[%swap3A_107], %broadcast_in_dim3A_3 {strides = array<i32>} : memref<1280xf32, #tpu.memory_space<vmem>>, vector<16xf32>,
    %swap3A_109 = arith.constant 832 : index
    %swap3A_110 = tpu.vector_load %arg9[%swap3A_109] {strides = array<i32>} : memref<1280xf32, #tpu.memory_space<vmem>>, vector<16xf32>,
    tpu.vector_store %arg9[%swap3A_109], %broadcast_in_dim3A_3 {strides = array<i32>} : memref<1280xf32, #tpu.memory_space<vmem>>, vector<16xf32>,
    %swap3A_111 = arith.constant 848 : index
    %swap3A_112 = tpu.vector_load %arg9[%swap3A_111] {strides = array<i32>} : memref<1280xf32, #tpu.memory_space<vmem>>, vector<16xf32>,
    tpu.vector_store %arg9[%swap3A_111], %broadcast_in_dim3A_3 {strides = array<i32>} : memref<1280xf32, #tpu.memory_space<vmem>>, vector<16xf32>,
    %swap3A_113 = arith.constant 864 : index
    %swap3A_114 = tpu.vector_load %arg9[%swap3A_113] {strides = array<i32>} : memref<1280xf32, #tpu.memory_space<vmem>>, vector<16xf32>,
    tpu.vector_store %arg9[%swap3A_113], %broadcast_in_dim3A_3 {strides = array<i32>} : memref<1280xf32, #tpu.memory_space<vmem>>, vector<16xf32>,
    %swap3A_115 = arith.constant 880 : index
    %swap3A_116 = tpu.vector_load %arg9[%swap3A_115] {strides = array<i32>} : memref<1280xf32, #tpu.memory_space<vmem>>, vector<16xf32>,
    tpu.vector_store %arg9[%swap3A_115], %broadcast_in_dim3A_3 {strides = array<i32>} : memref<1280xf32, #tpu.memory_space<vmem>>, vector<16xf32>,
    %swap3A_117 = arith.constant 896 : index
    %swap3A_118 = tpu.vector_load %arg9[%swap3A_117] {strides = array<i32>} : memref<1280xf32, #tpu.memory_space<vmem>>, vector<16xf32>,
    tpu.vector_store %arg9[%swap3A_117], %broadcast_in_dim3A_3 {strides = array<i32>} : memref<1280xf32, #tpu.memory_space<vmem>>, vector<16xf32>,
    %swap3A_119 = arith.constant 912 : index
    %swap3A_120 = tpu.vector_load %arg9[%swap3A_119] {strides = array<i32>} : memref<1280xf32, #tpu.memory_space<vmem>>, vector<16xf32>,
    tpu.vector_store %arg9[%swap3A_119], %broadcast_in_dim3A_3 {strides = array<i32>} : memref<1280xf32, #tpu.memory_space<vmem>>, vector<16xf32>,
    %swap3A_121 = arith.constant 928 : index
    %swap3A_122 = tpu.vector_load %arg9[%swap3A_121] {strides = array<i32>} : memref<1280xf32, #tpu.memory_space<vmem>>, vector<16xf32>,
    tpu.vector_store %arg9[%swap3A_121], %broadcast_in_dim3A_3 {strides = array<i32>} : memref<1280xf32, #tpu.memory_space<vmem>>, vector<16xf32>,
    %swap3A_123 = arith.constant 944 : index
    %swap3A_124 = tpu.vector_load %arg9[%swap3A_123] {strides = array<i32>} : memref<1280xf32, #tpu.memory_space<vmem>>, vector<16xf32>,
    tpu.vector_store %arg9[%swap3A_123], %broadcast_in_dim3A_3 {strides = array<i32>} : memref<1280xf32, #tpu.memory_space<vmem>>, vector<16xf32>,
    %swap3A_125 = arith.constant 960 : index
    %swap3A_126 = tpu.vector_load %arg9[%swap3A_125] {strides = array<i32>} : memref<1280xf32, #tpu.memory_space<vmem>>, vector<16xf32>,
    tpu.vector_store %arg9[%swap3A_125], %broadcast_in_dim3A_3 {strides = array<i32>} : memref<1280xf32, #tpu.memory_space<vmem>>, vector<16xf32>,
    %swap3A_127 = arith.constant 976 : index
    %swap3A_128 = tpu.vector_load %arg9[%swap3A_127] {strides = array<i32>} : memref<1280xf32, #tpu.memory_space<vmem>>, vector<16xf32>,
    tpu.vector_store %arg9[%swap3A_127], %broadcast_in_dim3A_3 {strides = array<i32>} : memref<1280xf32, #tpu.memory_space<vmem>>, vector<16xf32>,
    %swap3A_129 = arith.constant 992 : index
    %swap3A_130 = tpu.vector_load %arg9[%swap3A_129] {strides = array<i32>} : memref<1280xf32, #tpu.memory_space<vmem>>, vector<16xf32>,
    tpu.vector_store %arg9[%swap3A_129], %broadcast_in_dim3A_3 {strides = array<i32>} : memref<1280xf32, #tpu.memory_space<vmem>>, vector<16xf32>,
    %swap3A_131 = arith.constant 1008 : index
    %swap3A_132 = tpu.vector_load %arg9[%swap3A_131] {strides = array<i32>} : memref<1280xf32, #tpu.memory_space<vmem>>, vector<16xf32>,
    tpu.vector_store %arg9[%swap3A_131], %broadcast_in_dim3A_3 {strides = array<i32>} : memref<1280xf32, #tpu.memory_space<vmem>>, vector<16xf32>,
    %swap3A_133 = arith.constant 1024 : index
    %swap3A_134 = tpu.vector_load %arg9[%swap3A_133] {strides = array<i32>} : memref<1280xf32, #tpu.memory_space<vmem>>, vector<16xf32>,
    tpu.vector_store %arg9[%swap3A_133], %broadcast_in_dim3A_3 {strides = array<i32>} : memref<1280xf32, #tpu.memory_space<vmem>>, vector<16xf32>,
    %swap3A_135 = arith.constant 1040 : index
    %swap3A_136 = tpu.vector_load %arg9[%swap3A_135] {strides = array<i32>} : memref<1280xf32, #tpu.memory_space<vmem>>, vector<16xf32>,
    tpu.vector_store %arg9[%swap3A_135], %broadcast_in_dim3A_3 {strides = array<i32>} : memref<1280xf32, #tpu.memory_space<vmem>>, vector<16xf32>,
    %swap3A_137 = arith.constant 1056 : index
    %swap3A_138 = tpu.vector_load %arg9[%swap3A_137] {strides = array<i32>} : memref<1280xf32, #tpu.memory_space<vmem>>, vector<16xf32>,
    tpu.vector_store %arg9[%swap3A_137], %broadcast_in_dim3A_3 {strides = array<i32>} : memref<1280xf32, #tpu.memory_space<vmem>>, vector<16xf32>,
    %swap3A_139 = arith.constant 1072 : index
    %swap3A_140 = tpu.vector_load %arg9[%swap3A_139] {strides = array<i32>} : memref<1280xf32, #tpu.memory_space<vmem>>, vector<16xf32>,
    tpu.vector_store %arg9[%swap3A_139], %broadcast_in_dim3A_3 {strides = array<i32>} : memref<1280xf32, #tpu.memory_space<vmem>>, vector<16xf32>,
    %swap3A_141 = arith.constant 1088 : index
    %swap3A_142 = tpu.vector_load %arg9[%swap3A_141] {strides = array<i32>} : memref<1280xf32, #tpu.memory_space<vmem>>, vector<16xf32>,
    tpu.vector_store %arg9[%swap3A_141], %broadcast_in_dim3A_3 {strides = array<i32>} : memref<1280xf32, #tpu.memory_space<vmem>>, vector<16xf32>,
    %swap3A_143 = arith.constant 1104 : index
    %swap3A_144 = tpu.vector_load %arg9[%swap3A_143] {strides = array<i32>} : memref<1280xf32, #tpu.memory_space<vmem>>, vector<16xf32>,
    tpu.vector_store %arg9[%swap3A_143], %broadcast_in_dim3A_3 {strides = array<i32>} : memref<1280xf32, #tpu.memory_space<vmem>>, vector<16xf32>,
    %swap3A_145 = arith.constant 1120 : index
    %swap3A_146 = tpu.vector_load %arg9[%swap3A_145] {strides = array<i32>} : memref<1280xf32, #tpu.memory_space<vmem>>, vector<16xf32>,
    tpu.vector_store %arg9[%swap3A_145], %broadcast_in_dim3A_3 {strides = array<i32>} : memref<1280xf32, #tpu.memory_space<vmem>>, vector<16xf32>,
    %swap3A_147 = arith.constant 1136 : index
    %swap3A_148 = tpu.vector_load %arg9[%swap3A_147] {strides = array<i32>} : memref<1280xf32, #tpu.memory_space<vmem>>, vector<16xf32>,
    tpu.vector_store %arg9[%swap3A_147], %broadcast_in_dim3A_3 {strides = array<i32>} : memref<1280xf32, #tpu.memory_space<vmem>>, vector<16xf32>,
    %swap3A_149 = arith.constant 1152 : index
    %swap3A_150 = tpu.vector_load %arg9[%swap3A_149] {strides = array<i32>} : memref<1280xf32, #tpu.memory_space<vmem>>, vector<16xf32>,
    tpu.vector_store %arg9[%swap3A_149], %broadcast_in_dim3A_3 {strides = array<i32>} : memref<1280xf32, #tpu.memory_space<vmem>>, vector<16xf32>,
    %swap3A_151 = arith.constant 1168 : index
    %swap3A_152 = tpu.vector_load %arg9[%swap3A_151] {strides = array<i32>} : memref<1280xf32, #tpu.memory_space<vmem>>, vector<16xf32>,
    tpu.vector_store %arg9[%swap3A_151], %broadcast_in_dim3A_3 {strides = array<i32>} : memref<1280xf32, #tpu.memory_space<vmem>>, vector<16xf32>,
    %swap3A_153 = arith.constant 1184 : index
    %swap3A_154 = tpu.vector_load %arg9[%swap3A_153] {strides = array<i32>} : memref<1280xf32, #tpu.memory_space<vmem>>, vector<16xf32>,
    tpu.vector_store %arg9[%swap3A_153], %broadcast_in_dim3A_3 {strides = array<i32>} : memref<1280xf32, #tpu.memory_space<vmem>>, vector<16xf32>,
    %swap3A_155 = arith.constant 1200 : index
    %swap3A_156 = tpu.vector_load %arg9[%swap3A_155] {strides = array<i32>} : memref<1280xf32, #tpu.memory_space<vmem>>, vector<16xf32>,
    tpu.vector_store %arg9[%swap3A_155], %broadcast_in_dim3A_3 {strides = array<i32>} : memref<1280xf32, #tpu.memory_space<vmem>>, vector<16xf32>,
    %swap3A_157 = arith.constant 1216 : index
    %swap3A_158 = tpu.vector_load %arg9[%swap3A_157] {strides = array<i32>} : memref<1280xf32, #tpu.memory_space<vmem>>, vector<16xf32>,
    tpu.vector_store %arg9[%swap3A_157], %broadcast_in_dim3A_3 {strides = array<i32>} : memref<1280xf32, #tpu.memory_space<vmem>>, vector<16xf32>,
    %swap3A_159 = arith.constant 1232 : index
    %swap3A_160 = tpu.vector_load %arg9[%swap3A_159] {strides = array<i32>} : memref<1280xf32, #tpu.memory_space<vmem>>, vector<16xf32>,
    tpu.vector_store %arg9[%swap3A_159], %broadcast_in_dim3A_3 {strides = array<i32>} : memref<1280xf32, #tpu.memory_space<vmem>>, vector<16xf32>,
    %swap3A_161 = arith.constant 1248 : index
    %swap3A_162 = tpu.vector_load %arg9[%swap3A_161] {strides = array<i32>} : memref<1280xf32, #tpu.memory_space<vmem>>, vector<16xf32>,
    tpu.vector_store %arg9[%swap3A_161], %broadcast_in_dim3A_3 {strides = array<i32>} : memref<1280xf32, #tpu.memory_space<vmem>>, vector<16xf32>,
    %swap3A_163 = arith.constant 1264 : index
    %swap3A_164 = tpu.vector_load %arg9[%swap3A_163] {strides = array<i32>} : memref<1280xf32, #tpu.memory_space<vmem>>, vector<16xf32>,
    tpu.vector_store %arg9[%swap3A_163], %broadcast_in_dim3A_3 {strides = array<i32>} : memref<1280xf32, #tpu.memory_space<vmem>>, vector<16xf32>,
    %dma_start3A = tpu.memref_slice %arg2[%mul3A_2] : memref<8192000xf32, #tpu.memory_space<hbm>> -> memref<16000xf32, #tpu.memory_space<hbm>>
    %dma_start3A_165 = tpu.memref_slice %arg2[%mul3A_2] : memref<8192000xf32, #tpu.memory_space<hbm>> -> memref<16000xf32, #tpu.memory_space<hbm>>
    tpu.enqueue_dma source(%dma_start3A_165 : memref<16000xf32, #tpu.memory_space<hbm>>) target(%arg5 : memref<16000xf32, #tpu.memory_space<vmem>>) target_semaphore(%arg10 : memref<!tpu.dma_semaphore, #tpu.memory_space<semaphore_mem>>)
    %dma_start3A_166 = tpu.memref_slice %arg3[%mul3A_2] : memref<8192000xf32, #tpu.memory_space<hbm>> -> memref<16000xf32, #tpu.memory_space<hbm>>
    %dma_start3A_167 = tpu.memref_slice %arg3[%mul3A_2] : memref<8192000xf32, #tpu.memory_space<hbm>> -> memref<16000xf32, #tpu.memory_space<hbm>>
    tpu.enqueue_dma source(%dma_start3A_167 : memref<16000xf32, #tpu.memory_space<hbm>>) target(%arg6 : memref<16000xf32, #tpu.memory_space<vmem>>) target_semaphore(%arg11 : memref<!tpu.dma_semaphore, #tpu.memory_space<semaphore_mem>>)
    %scan3A = arith.constant 0 : i32
    %scan3A_168 = arith.constant 0 : i32
    %scan3A_169 = arith.constant 8 : i32
    %scan3A_170 = arith.addi %scan3A_168, %scan3A_169 : i32
    %scan3A_171 = arith.constant 1 : i32
    scf.for %scan3A_177 = %scan3A_168 to %scan3A_170 step %scan3A_171  : i32 {
      %mul3A_178 = arith.constant 2 : i32
      %mul3A_179 = arith.muli %mul3A_178, %scan3A_177 : i32
      %mul3A_180 = arith.constant 16000 : i32
      %mul3A_181 = arith.muli %mul3A_179, %mul3A_180 : i32
      %add3A_182 = arith.addi %mul3A_2, %mul3A_181 : i32
      %add3A_183 = arith.constant 16000 : i32
      %add3A_184 = arith.addi %add3A_182, %add3A_183 : i32
      %dma_start3A_185 = tpu.memref_slice %arg2[%add3A_184] : memref<8192000xf32, #tpu.memory_space<hbm>> -> memref<16000xf32, #tpu.memory_space<hbm>>
      %dma_start3A_186 = tpu.memref_slice %arg2[%add3A_184] : memref<8192000xf32, #tpu.memory_space<hbm>> -> memref<16000xf32, #tpu.memory_space<hbm>>
      tpu.enqueue_dma source(%dma_start3A_186 : memref<16000xf32, #tpu.memory_space<hbm>>) target(%arg7 : memref<16000xf32, #tpu.memory_space<vmem>>) target_semaphore(%arg12 : memref<!tpu.dma_semaphore, #tpu.memory_space<semaphore_mem>>)
      %dma_start3A_187 = tpu.memref_slice %arg3[%add3A_184] : memref<8192000xf32, #tpu.memory_space<hbm>> -> memref<16000xf32, #tpu.memory_space<hbm>>
      %dma_start3A_188 = tpu.memref_slice %arg3[%add3A_184] : memref<8192000xf32, #tpu.memory_space<hbm>> -> memref<16000xf32, #tpu.memory_space<hbm>>
      tpu.enqueue_dma source(%dma_start3A_188 : memref<16000xf32, #tpu.memory_space<hbm>>) target(%arg8 : memref<16000xf32, #tpu.memory_space<vmem>>) target_semaphore(%arg13 : memref<!tpu.dma_semaphore, #tpu.memory_space<semaphore_mem>>)
      %dma_wait3A = tpu.memref_slice %arg2[%add3A_182] : memref<8192000xf32, #tpu.memory_space<hbm>> -> memref<16000xf32, #tpu.memory_space<hbm>>
      %dma_wait3A_189 = tpu.memref_slice %arg2[%add3A_182] : memref<8192000xf32, #tpu.memory_space<hbm>> -> memref<16000xf32, #tpu.memory_space<hbm>>
      tpu.wait_dma2 semaphore(%arg10 : memref<!tpu.dma_semaphore, #tpu.memory_space<semaphore_mem>>) src(%dma_wait3A_189 : memref<16000xf32, #tpu.memory_space<hbm>>) dst(%arg5 : memref<16000xf32, #tpu.memory_space<vmem>>)
      %dma_wait3A_190 = tpu.memref_slice %arg3[%add3A_182] : memref<8192000xf32, #tpu.memory_space<hbm>> -> memref<16000xf32, #tpu.memory_space<hbm>>
      %dma_wait3A_191 = tpu.memref_slice %arg3[%add3A_182] : memref<8192000xf32, #tpu.memory_space<hbm>> -> memref<16000xf32, #tpu.memory_space<hbm>>
      tpu.wait_dma2 semaphore(%arg11 : memref<!tpu.dma_semaphore, #tpu.memory_space<semaphore_mem>>) src(%dma_wait3A_191 : memref<16000xf32, #tpu.memory_space<hbm>>) dst(%arg6 : memref<16000xf32, #tpu.memory_space<vmem>>)
      %parallel_loop3A = arith.constant 0 : i32
      %parallel_loop3A_192 = arith.constant 1000 : i32
      %parallel_loop3A_193 = arith.constant 1 : i32
      scf.for %parallel_loop3A_203 = %parallel_loop3A to %parallel_loop3A_192 step %parallel_loop3A_193  : i32 {
        %parallel_loop3A_204 = arith.constant 16 : i32
        %parallel_loop3A_205 = arith.muli %parallel_loop3A_203, %parallel_loop3A_204 : i32
        %parallel_loop3A_206 = arith.index_cast %parallel_loop3A_205 : i32 to index
        %parallel_loop3A_207 = tpu.vector_load %arg5[%parallel_loop3A_206] {strides = array<i32>} : memref<16000xf32, #tpu.memory_space<vmem>>, vector<16xf32>,
        %parallel_loop3A_208 = arith.index_cast %parallel_loop3A_205 : i32 to index
        %parallel_loop3A_209 = tpu.vector_load %arg6[%parallel_loop3A_208] {strides = array<i32>} : memref<16000xf32, #tpu.memory_space<vmem>>, vector<16xf32>,
        %parallel_loop3A_210 = arith.constant 5.000000e-01 : f32
        %parallel_loop3A_211 = vector.broadcast %parallel_loop3A_210 : f32 to vector<16xf32>
        %parallel_loop3A_212 = arith.cmpf ogt, %parallel_loop3A_209, %parallel_loop3A_211 : vector<16xf32>
        %parallel_loop3A_213 = arith.constant 0.000000e+00 : f32
        %parallel_loop3A_214 = vector.broadcast %parallel_loop3A_213 : f32 to vector<16xf32>
        %parallel_loop3A_215 = arith.subf %parallel_loop3A_214, %parallel_loop3A_207 : vector<16xf32>
        %parallel_loop3A_216 = arith.select %parallel_loop3A_212, %parallel_loop3A_215, %parallel_loop3A_207 : vector<16xi1>, vector<16xf32>
        %parallel_loop3A_217 = math.absf %parallel_loop3A_216 : vector<16xf32>
        %parallel_loop3A_218 = arith.constant 0.000000e+00 : f32
        %parallel_loop3A_219 = vector.broadcast %parallel_loop3A_218 : f32 to vector<16xf32>
        %parallel_loop3A_220 = arith.subf %parallel_loop3A_219, %parallel_loop3A_217 : vector<16xf32>
        %parallel_loop3A_221 = math.exp %parallel_loop3A_220 : vector<16xf32>
        %parallel_loop3A_222 = arith.constant 0.0304490048 : f32
        %parallel_loop3A_223 = vector.broadcast %parallel_loop3A_222 : f32 to vector<16xf32>
        %parallel_loop3A_224 = arith.mulf %parallel_loop3A_223, %parallel_loop3A_221 : vector<16xf32>
        %parallel_loop3A_225 = arith.constant -0.131581828 : f32
        %parallel_loop3A_226 = vector.broadcast %parallel_loop3A_225 : f32 to vector<16xf32>
        %parallel_loop3A_227 = arith.addf %parallel_loop3A_224, %parallel_loop3A_226 : vector<16xf32>
        %parallel_loop3A_228 = arith.mulf %parallel_loop3A_227, %parallel_loop3A_221 : vector<16xf32>
        %parallel_loop3A_229 = arith.constant 0.285272688 : f32
        %parallel_loop3A_230 = vector.broadcast %parallel_loop3A_229 : f32 to vector<16xf32>
        %parallel_loop3A_231 = arith.addf %parallel_loop3A_228, %parallel_loop3A_230 : vector<16xf32>
        %parallel_loop3A_232 = arith.mulf %parallel_loop3A_231, %parallel_loop3A_221 : vector<16xf32>
        %parallel_loop3A_233 = arith.constant -0.490230709 : f32
        %parallel_loop3A_234 = vector.broadcast %parallel_loop3A_233 : f32 to vector<16xf32>
        %parallel_loop3A_235 = arith.addf %parallel_loop3A_232, %parallel_loop3A_234 : vector<16xf32>
        %parallel_loop3A_236 = arith.mulf %parallel_loop3A_235, %parallel_loop3A_221 : vector<16xf32>
        %parallel_loop3A_237 = arith.constant 0.99923551 : f32
        %parallel_loop3A_238 = vector.broadcast %parallel_loop3A_237 : f32 to vector<16xf32>
        %parallel_loop3A_239 = arith.addf %parallel_loop3A_236, %parallel_loop3A_238 : vector<16xf32>
        %parallel_loop3A_240 = arith.mulf %parallel_loop3A_239, %parallel_loop3A_221 : vector<16xf32>
        %parallel_loop3A_241 = arith.constant 9.9750323E-6 : f32
        %parallel_loop3A_242 = vector.broadcast %parallel_loop3A_241 : f32 to vector<16xf32>
        %parallel_loop3A_243 = arith.addf %parallel_loop3A_240, %parallel_loop3A_242 : vector<16xf32>
        %parallel_loop3A_244 = arith.constant 0.000000e+00 : f32
        %parallel_loop3A_245 = vector.broadcast %parallel_loop3A_244 : f32 to vector<16xf32>
        %parallel_loop3A_246 = arith.maximumf %parallel_loop3A_216, %parallel_loop3A_245 : vector<16xf32>
        %parallel_loop3A_247 = arith.addf %parallel_loop3A_246, %parallel_loop3A_243 : vector<16xf32>
        %parallel_loop3A_248 = arith.constant 0.000000e+00 : f32
        %parallel_loop3A_249 = vector.broadcast %parallel_loop3A_248 : f32 to vector<16xf32>
        %parallel_loop3A_250 = arith.cmpf oge, %parallel_loop3A_216, %parallel_loop3A_249 : vector<16xf32>
        %parallel_loop3A_251 = arith.constant 1.000000e+00 : f32
        %parallel_loop3A_252 = vector.broadcast %parallel_loop3A_251 : f32 to vector<16xf32>
        %parallel_loop3A_253 = arith.select %parallel_loop3A_250, %parallel_loop3A_252, %parallel_loop3A_221 : vector<16xi1>, vector<16xf32>
        %parallel_loop3A_254 = arith.constant 1.000000e+00 : f32
        %parallel_loop3A_255 = vector.broadcast %parallel_loop3A_254 : f32 to vector<16xf32>
        %parallel_loop3A_256 = arith.addf %parallel_loop3A_255, %parallel_loop3A_221 : vector<16xf32>
        %parallel_loop3A_257 = arith.divf %parallel_loop3A_253, %parallel_loop3A_256 : vector<16xf32>
        %parallel_loop3A_258 = arith.constant 1.000000e+01 : f32
        %parallel_loop3A_259 = vector.broadcast %parallel_loop3A_258 : f32 to vector<16xf32>
        %parallel_loop3A_260 = arith.mulf %parallel_loop3A_257, %parallel_loop3A_259 : vector<16xf32>
        %parallel_loop3A_261 = arith.fptosi %parallel_loop3A_260 : vector<16xf32> to vector<16xi32>
        %parallel_loop3A_262 = arith.constant 9 : i32
        %parallel_loop3A_263 = vector.broadcast %parallel_loop3A_262 : i32 to vector<16xi32>
        %parallel_loop3A_264 = arith.minsi %parallel_loop3A_261, %parallel_loop3A_263 : vector<16xi32>
        %parallel_loop3A_265 = arith.constant 4 : i32
        %parallel_loop3A_266 = arith.constant 0 : i32
        %parallel_loop3A_267 = arith.cmpi eq, %parallel_loop3A_265, %parallel_loop3A_266 : i32
        %parallel_loop3A_268 = arith.constant 1 : i32
        %parallel_loop3A_269 = arith.select %parallel_loop3A_267, %parallel_loop3A_268, %parallel_loop3A_265 : i32
        %parallel_loop3A_270 = arith.remsi %parallel_loop3A_203, %parallel_loop3A_269 : i32
        %parallel_loop3A_271 = arith.constant 0 : i32
        %parallel_loop3A_272 = arith.cmpi ne, %parallel_loop3A_270, %parallel_loop3A_271 : i32
        %parallel_loop3A_273 = arith.constant 0 : i32
        %parallel_loop3A_274 = arith.cmpi slt, %parallel_loop3A_270, %parallel_loop3A_273 : i32
        %parallel_loop3A_275 = arith.constant 0 : i32
        %parallel_loop3A_276 = arith.cmpi slt, %parallel_loop3A_269, %parallel_loop3A_275 : i32
        %parallel_loop3A_277 = arith.xori %parallel_loop3A_274, %parallel_loop3A_276 : i1
        %parallel_loop3A_278 = arith.andi %parallel_loop3A_277, %parallel_loop3A_272 : i1
        %parallel_loop3A_279 = arith.addi %parallel_loop3A_270, %parallel_loop3A_269 : i32
        %parallel_loop3A_280 = arith.select %parallel_loop3A_278, %parallel_loop3A_279, %parallel_loop3A_270 : i32
        %parallel_loop3A_281 = arith.constant 320 : i32
        %parallel_loop3A_282 = arith.muli %parallel_loop3A_280, %parallel_loop3A_281 : i32
        %parallel_loop3A_283 = arith.constant 16 : i32
        %parallel_loop3A_284 = vector.broadcast %parallel_loop3A_283 : i32 to vector<16xi32>
        %parallel_loop3A_285 = arith.muli %parallel_loop3A_264, %parallel_loop3A_284 : vector<16xi32>
        %parallel_loop3A_286 = arith.addi %parallel_loop3A_285, %iota3A : vector<16xi32>
        %parallel_loop3A_287 = vector.broadcast %parallel_loop3A_282 : i32 to vector<16xi32>
        %parallel_loop3A_288 = arith.addi %parallel_loop3A_286, %parallel_loop3A_287 : vector<16xi32>
        tpu.vector_store_idx %arg9[%parallel_loop3A_288], %parallel_loop3A_247 {add = true} : memref<1280xf32, #tpu.memory_space<vmem>>[vector<16xi32>], vector<16xf32>,
        %parallel_loop3A_289 = arith.constant 160 : i32
        %parallel_loop3A_290 = vector.broadcast %parallel_loop3A_289 : i32 to vector<16xi32>
        %parallel_loop3A_291 = arith.addi %parallel_loop3A_288, %parallel_loop3A_290 : vector<16xi32>
        tpu.vector_store_idx %arg9[%parallel_loop3A_291], %broadcast_in_dim3A_5 {add = true} : memref<1280xf32, #tpu.memory_space<vmem>>[vector<16xi32>], vector<16xf32>,
      } {sc.loop_unroll_factor = 8 : i64, sc.parallel_access}
      %lt3A = arith.constant 7 : i32
      %lt3A_194 = arith.cmpi slt, %scan3A_177, %lt3A : i32
      %convert_element_type3A = arith.extui %lt3A_194 : i1 to i32
      %cond3A = arith.constant 0 : i32
      %cond3A_195 = arith.cmpi ne, %convert_element_type3A, %cond3A : i32
      scf.if %cond3A_195 {
        %add3A_203 = arith.constant 16000 : i32
        %add3A_204 = arith.addi %add3A_184, %add3A_203 : i32
        %dma_start3A_205 = tpu.memref_slice %arg2[%add3A_204] : memref<8192000xf32, #tpu.memory_space<hbm>> -> memref<16000xf32, #tpu.memory_space<hbm>>
        %dma_start3A_206 = tpu.memref_slice %arg2[%add3A_204] : memref<8192000xf32, #tpu.memory_space<hbm>> -> memref<16000xf32, #tpu.memory_space<hbm>>
        tpu.enqueue_dma source(%dma_start3A_206 : memref<16000xf32, #tpu.memory_space<hbm>>) target(%arg5 : memref<16000xf32, #tpu.memory_space<vmem>>) target_semaphore(%arg10 : memref<!tpu.dma_semaphore, #tpu.memory_space<semaphore_mem>>)
        %dma_start3A_207 = tpu.memref_slice %arg3[%add3A_204] : memref<8192000xf32, #tpu.memory_space<hbm>> -> memref<16000xf32, #tpu.memory_space<hbm>>
        %dma_start3A_208 = tpu.memref_slice %arg3[%add3A_204] : memref<8192000xf32, #tpu.memory_space<hbm>> -> memref<16000xf32, #tpu.memory_space<hbm>>
        tpu.enqueue_dma source(%dma_start3A_208 : memref<16000xf32, #tpu.memory_space<hbm>>) target(%arg6 : memref<16000xf32, #tpu.memory_space<vmem>>) target_semaphore(%arg11 : memref<!tpu.dma_semaphore, #tpu.memory_space<semaphore_mem>>)
      } else {
      }
      %dma_wait3A_196 = tpu.memref_slice %arg2[%add3A_184] : memref<8192000xf32, #tpu.memory_space<hbm>> -> memref<16000xf32, #tpu.memory_space<hbm>>
      %dma_wait3A_197 = tpu.memref_slice %arg2[%add3A_184] : memref<8192000xf32, #tpu.memory_space<hbm>> -> memref<16000xf32, #tpu.memory_space<hbm>>
      tpu.wait_dma2 semaphore(%arg12 : memref<!tpu.dma_semaphore, #tpu.memory_space<semaphore_mem>>) src(%dma_wait3A_197 : memref<16000xf32, #tpu.memory_space<hbm>>) dst(%arg7 : memref<16000xf32, #tpu.memory_space<vmem>>)
      %dma_wait3A_198 = tpu.memref_slice %arg3[%add3A_184] : memref<8192000xf32, #tpu.memory_space<hbm>> -> memref<16000xf32, #tpu.memory_space<hbm>>
      %dma_wait3A_199 = tpu.memref_slice %arg3[%add3A_184] : memref<8192000xf32, #tpu.memory_space<hbm>> -> memref<16000xf32, #tpu.memory_space<hbm>>
      tpu.wait_dma2 semaphore(%arg13 : memref<!tpu.dma_semaphore, #tpu.memory_space<semaphore_mem>>) src(%dma_wait3A_199 : memref<16000xf32, #tpu.memory_space<hbm>>) dst(%arg8 : memref<16000xf32, #tpu.memory_space<vmem>>)
      %parallel_loop3A_200 = arith.constant 0 : i32
      %parallel_loop3A_201 = arith.constant 1000 : i32
      %parallel_loop3A_202 = arith.constant 1 : i32
      scf.for %parallel_loop3A_203 = %parallel_loop3A_200 to %parallel_loop3A_201 step %parallel_loop3A_202  : i32 {
        %parallel_loop3A_204 = arith.constant 16 : i32
        %parallel_loop3A_205 = arith.muli %parallel_loop3A_203, %parallel_loop3A_204 : i32
        %parallel_loop3A_206 = arith.index_cast %parallel_loop3A_205 : i32 to index
        %parallel_loop3A_207 = tpu.vector_load %arg7[%parallel_loop3A_206] {strides = array<i32>} : memref<16000xf32, #tpu.memory_space<vmem>>, vector<16xf32>,
        %parallel_loop3A_208 = arith.index_cast %parallel_loop3A_205 : i32 to index
        %parallel_loop3A_209 = tpu.vector_load %arg8[%parallel_loop3A_208] {strides = array<i32>} : memref<16000xf32, #tpu.memory_space<vmem>>, vector<16xf32>,
        %parallel_loop3A_210 = arith.constant 5.000000e-01 : f32
        %parallel_loop3A_211 = vector.broadcast %parallel_loop3A_210 : f32 to vector<16xf32>
        %parallel_loop3A_212 = arith.cmpf ogt, %parallel_loop3A_209, %parallel_loop3A_211 : vector<16xf32>
        %parallel_loop3A_213 = arith.constant 0.000000e+00 : f32
        %parallel_loop3A_214 = vector.broadcast %parallel_loop3A_213 : f32 to vector<16xf32>
        %parallel_loop3A_215 = arith.subf %parallel_loop3A_214, %parallel_loop3A_207 : vector<16xf32>
        %parallel_loop3A_216 = arith.select %parallel_loop3A_212, %parallel_loop3A_215, %parallel_loop3A_207 : vector<16xi1>, vector<16xf32>
        %parallel_loop3A_217 = math.absf %parallel_loop3A_216 : vector<16xf32>
        %parallel_loop3A_218 = arith.constant 0.000000e+00 : f32
        %parallel_loop3A_219 = vector.broadcast %parallel_loop3A_218 : f32 to vector<16xf32>
        %parallel_loop3A_220 = arith.subf %parallel_loop3A_219, %parallel_loop3A_217 : vector<16xf32>
        %parallel_loop3A_221 = math.exp %parallel_loop3A_220 : vector<16xf32>
        %parallel_loop3A_222 = arith.constant 0.0304490048 : f32
        %parallel_loop3A_223 = vector.broadcast %parallel_loop3A_222 : f32 to vector<16xf32>
        %parallel_loop3A_224 = arith.mulf %parallel_loop3A_223, %parallel_loop3A_221 : vector<16xf32>
        %parallel_loop3A_225 = arith.constant -0.131581828 : f32
        %parallel_loop3A_226 = vector.broadcast %parallel_loop3A_225 : f32 to vector<16xf32>
        %parallel_loop3A_227 = arith.addf %parallel_loop3A_224, %parallel_loop3A_226 : vector<16xf32>
        %parallel_loop3A_228 = arith.mulf %parallel_loop3A_227, %parallel_loop3A_221 : vector<16xf32>
        %parallel_loop3A_229 = arith.constant 0.285272688 : f32
        %parallel_loop3A_230 = vector.broadcast %parallel_loop3A_229 : f32 to vector<16xf32>
        %parallel_loop3A_231 = arith.addf %parallel_loop3A_228, %parallel_loop3A_230 : vector<16xf32>
        %parallel_loop3A_232 = arith.mulf %parallel_loop3A_231, %parallel_loop3A_221 : vector<16xf32>
        %parallel_loop3A_233 = arith.constant -0.490230709 : f32
        %parallel_loop3A_234 = vector.broadcast %parallel_loop3A_233 : f32 to vector<16xf32>
        %parallel_loop3A_235 = arith.addf %parallel_loop3A_232, %parallel_loop3A_234 : vector<16xf32>
        %parallel_loop3A_236 = arith.mulf %parallel_loop3A_235, %parallel_loop3A_221 : vector<16xf32>
        %parallel_loop3A_237 = arith.constant 0.99923551 : f32
        %parallel_loop3A_238 = vector.broadcast %parallel_loop3A_237 : f32 to vector<16xf32>
        %parallel_loop3A_239 = arith.addf %parallel_loop3A_236, %parallel_loop3A_238 : vector<16xf32>
        %parallel_loop3A_240 = arith.mulf %parallel_loop3A_239, %parallel_loop3A_221 : vector<16xf32>
        %parallel_loop3A_241 = arith.constant 9.9750323E-6 : f32
        %parallel_loop3A_242 = vector.broadcast %parallel_loop3A_241 : f32 to vector<16xf32>
        %parallel_loop3A_243 = arith.addf %parallel_loop3A_240, %parallel_loop3A_242 : vector<16xf32>
        %parallel_loop3A_244 = arith.constant 0.000000e+00 : f32
        %parallel_loop3A_245 = vector.broadcast %parallel_loop3A_244 : f32 to vector<16xf32>
        %parallel_loop3A_246 = arith.maximumf %parallel_loop3A_216, %parallel_loop3A_245 : vector<16xf32>
        %parallel_loop3A_247 = arith.addf %parallel_loop3A_246, %parallel_loop3A_243 : vector<16xf32>
        %parallel_loop3A_248 = arith.constant 0.000000e+00 : f32
        %parallel_loop3A_249 = vector.broadcast %parallel_loop3A_248 : f32 to vector<16xf32>
        %parallel_loop3A_250 = arith.cmpf oge, %parallel_loop3A_216, %parallel_loop3A_249 : vector<16xf32>
        %parallel_loop3A_251 = arith.constant 1.000000e+00 : f32
        %parallel_loop3A_252 = vector.broadcast %parallel_loop3A_251 : f32 to vector<16xf32>
        %parallel_loop3A_253 = arith.select %parallel_loop3A_250, %parallel_loop3A_252, %parallel_loop3A_221 : vector<16xi1>, vector<16xf32>
        %parallel_loop3A_254 = arith.constant 1.000000e+00 : f32
        %parallel_loop3A_255 = vector.broadcast %parallel_loop3A_254 : f32 to vector<16xf32>
        %parallel_loop3A_256 = arith.addf %parallel_loop3A_255, %parallel_loop3A_221 : vector<16xf32>
        %parallel_loop3A_257 = arith.divf %parallel_loop3A_253, %parallel_loop3A_256 : vector<16xf32>
        %parallel_loop3A_258 = arith.constant 1.000000e+01 : f32
        %parallel_loop3A_259 = vector.broadcast %parallel_loop3A_258 : f32 to vector<16xf32>
        %parallel_loop3A_260 = arith.mulf %parallel_loop3A_257, %parallel_loop3A_259 : vector<16xf32>
        %parallel_loop3A_261 = arith.fptosi %parallel_loop3A_260 : vector<16xf32> to vector<16xi32>
        %parallel_loop3A_262 = arith.constant 9 : i32
        %parallel_loop3A_263 = vector.broadcast %parallel_loop3A_262 : i32 to vector<16xi32>
        %parallel_loop3A_264 = arith.minsi %parallel_loop3A_261, %parallel_loop3A_263 : vector<16xi32>
        %parallel_loop3A_265 = arith.constant 4 : i32
        %parallel_loop3A_266 = arith.constant 0 : i32
        %parallel_loop3A_267 = arith.cmpi eq, %parallel_loop3A_265, %parallel_loop3A_266 : i32
        %parallel_loop3A_268 = arith.constant 1 : i32
        %parallel_loop3A_269 = arith.select %parallel_loop3A_267, %parallel_loop3A_268, %parallel_loop3A_265 : i32
        %parallel_loop3A_270 = arith.remsi %parallel_loop3A_203, %parallel_loop3A_269 : i32
        %parallel_loop3A_271 = arith.constant 0 : i32
        %parallel_loop3A_272 = arith.cmpi ne, %parallel_loop3A_270, %parallel_loop3A_271 : i32
        %parallel_loop3A_273 = arith.constant 0 : i32
        %parallel_loop3A_274 = arith.cmpi slt, %parallel_loop3A_270, %parallel_loop3A_273 : i32
        %parallel_loop3A_275 = arith.constant 0 : i32
        %parallel_loop3A_276 = arith.cmpi slt, %parallel_loop3A_269, %parallel_loop3A_275 : i32
        %parallel_loop3A_277 = arith.xori %parallel_loop3A_274, %parallel_loop3A_276 : i1
        %parallel_loop3A_278 = arith.andi %parallel_loop3A_277, %parallel_loop3A_272 : i1
        %parallel_loop3A_279 = arith.addi %parallel_loop3A_270, %parallel_loop3A_269 : i32
        %parallel_loop3A_280 = arith.select %parallel_loop3A_278, %parallel_loop3A_279, %parallel_loop3A_270 : i32
        %parallel_loop3A_281 = arith.constant 320 : i32
        %parallel_loop3A_282 = arith.muli %parallel_loop3A_280, %parallel_loop3A_281 : i32
        %parallel_loop3A_283 = arith.constant 16 : i32
        %parallel_loop3A_284 = vector.broadcast %parallel_loop3A_283 : i32 to vector<16xi32>
        %parallel_loop3A_285 = arith.muli %parallel_loop3A_264, %parallel_loop3A_284 : vector<16xi32>
        %parallel_loop3A_286 = arith.addi %parallel_loop3A_285, %iota3A : vector<16xi32>
        %parallel_loop3A_287 = vector.broadcast %parallel_loop3A_282 : i32 to vector<16xi32>
        %parallel_loop3A_288 = arith.addi %parallel_loop3A_286, %parallel_loop3A_287 : vector<16xi32>
        tpu.vector_store_idx %arg9[%parallel_loop3A_288], %parallel_loop3A_247 {add = true} : memref<1280xf32, #tpu.memory_space<vmem>>[vector<16xi32>], vector<16xf32>,
        %parallel_loop3A_289 = arith.constant 160 : i32
        %parallel_loop3A_290 = vector.broadcast %parallel_loop3A_289 : i32 to vector<16xi32>
        %parallel_loop3A_291 = arith.addi %parallel_loop3A_288, %parallel_loop3A_290 : vector<16xi32>
        tpu.vector_store_idx %arg9[%parallel_loop3A_291], %broadcast_in_dim3A_5 {add = true} : memref<1280xf32, #tpu.memory_space<vmem>>[vector<16xi32>], vector<16xf32>,
      } {sc.loop_unroll_factor = 8 : i64, sc.parallel_access}
    }
    %scan3A_172 = arith.constant 8 : i32
    %mul3A_173 = arith.constant 4 : i32
    %mul3A_174 = arith.muli %add3A, %mul3A_173 : i32
    %mul3A_175 = arith.constant 320 : i32
    %mul3A_176 = arith.muli %mul3A_174, %mul3A_175 : i32
    "tpu.region"() ({
      %run_scoped3A = tpu.sem_alloc : memref<!tpu.dma_semaphore, #tpu.memory_space<semaphore_mem>>
      %dma_start3A_177 = tpu.memref_slice %arg4[%mul3A_176] : memref<40960xf32, #tpu.memory_space<hbm>> -> memref<1280xf32, #tpu.memory_space<hbm>>
      %dma_start3A_178 = tpu.memref_slice %arg4[%mul3A_176] : memref<40960xf32, #tpu.memory_space<hbm>> -> memref<1280xf32, #tpu.memory_space<hbm>>
      tpu.enqueue_dma source(%arg9 : memref<1280xf32, #tpu.memory_space<vmem>>) target(%dma_start3A_178 : memref<1280xf32, #tpu.memory_space<hbm>>) target_semaphore(%run_scoped3A : memref<!tpu.dma_semaphore, #tpu.memory_space<semaphore_mem>>)
      %dma_wait3A = tpu.memref_slice %arg4[%mul3A_176] : memref<40960xf32, #tpu.memory_space<hbm>> -> memref<1280xf32, #tpu.memory_space<hbm>>
      %dma_wait3A_179 = tpu.memref_slice %arg4[%mul3A_176] : memref<40960xf32, #tpu.memory_space<hbm>> -> memref<1280xf32, #tpu.memory_space<hbm>>
      tpu.wait_dma2 semaphore(%run_scoped3A : memref<!tpu.dma_semaphore, #tpu.memory_space<semaphore_mem>>) src(%arg9 : memref<1280xf32, #tpu.memory_space<vmem>>) dst(%dma_wait3A_179 : memref<1280xf32, #tpu.memory_space<hbm>>)
      tpu.yield
    }) : () -> ()
    return
  }
}

module attributes {stable_mosaic.version = 14 : i64} {
  func.func @_tc_body(%arg0: i32, %arg1: memref<256x1000xf32, #tpu.memory_space<vmem>>, %arg2: memref<256x1000xf32, #tpu.memory_space<vmem>>, %arg3: memref<128x320xf32, #tpu.memory_space<vmem>>, %arg4: memref<1xf32, #tpu.memory_space<smem>>, %arg5: memref<19x8x128xf32, #tpu.memory_space<vmem>>) attributes {dimension_semantics = [#tpu.dimension_semantics<arbitrary>], iteration_bounds = array<i64: 32>, scalar_prefetch = 0 : i64, scratch_operands = 1 : i64, tpu.core_type = #tpu.core_type<tc>, window_params = [{transform_indices = @transform_0, window_bounds = array<i64: 256, 1000>}, {transform_indices = @transform_1, window_bounds = array<i64: 256, 1000>}, {pipeline_mode = #tpu.pipeline_mode<synchronous>, transform_indices = @transform_2, window_bounds = array<i64: 128, 320>}, {transform_indices = @transform_3, window_bounds = array<i64: 1>}]} {
    %eq3A = arith.constant 0 : i32
    %eq3A_0 = arith.cmpi eq, %arg0, %eq3A : i32
    %convert_element_type3A = arith.extui %eq3A_0 : i1 to i32
    %cond3A = arith.constant 0 : i32
    %cond3A_1 = arith.cmpi ne, %convert_element_type3A, %cond3A : i32
    %cond3A_2:19 = scf.if %cond3A_1 -> (vector<8x128xf32>, vector<8x128xf32>, vector<8x128xf32>, vector<8x128xf32>, vector<8x128xf32>, vector<8x128xf32>, vector<8x128xf32>, vector<8x128xf32>, vector<8x128xf32>, vector<8x128xf32>, vector<8x128xf32>, vector<8x128xf32>, vector<8x128xf32>, vector<8x128xf32>, vector<8x128xf32>, vector<8x128xf32>, vector<8x128xf32>, vector<8x128xf32>, vector<8x128xf32>) {
      %broadcast_in_dim3A = arith.constant 0.000000e+00 : f32
      %broadcast_in_dim3A_126 = vector.broadcast %broadcast_in_dim3A : f32 to vector<8x128xf32>
      %broadcast_in_dim3A_127 = arith.constant 0.000000e+00 : f32
      %broadcast_in_dim3A_128 = vector.broadcast %broadcast_in_dim3A_127 : f32 to vector<8x128xf32>
      %broadcast_in_dim3A_129 = arith.constant 0.000000e+00 : f32
      %broadcast_in_dim3A_130 = vector.broadcast %broadcast_in_dim3A_129 : f32 to vector<8x128xf32>
      %broadcast_in_dim3A_131 = arith.constant 0.000000e+00 : f32
      %broadcast_in_dim3A_132 = vector.broadcast %broadcast_in_dim3A_131 : f32 to vector<8x128xf32>
      %broadcast_in_dim3A_133 = arith.constant 0.000000e+00 : f32
      %broadcast_in_dim3A_134 = vector.broadcast %broadcast_in_dim3A_133 : f32 to vector<8x128xf32>
      %broadcast_in_dim3A_135 = arith.constant 0.000000e+00 : f32
      %broadcast_in_dim3A_136 = vector.broadcast %broadcast_in_dim3A_135 : f32 to vector<8x128xf32>
      %broadcast_in_dim3A_137 = arith.constant 0.000000e+00 : f32
      %broadcast_in_dim3A_138 = vector.broadcast %broadcast_in_dim3A_137 : f32 to vector<8x128xf32>
      %broadcast_in_dim3A_139 = arith.constant 0.000000e+00 : f32
      %broadcast_in_dim3A_140 = vector.broadcast %broadcast_in_dim3A_139 : f32 to vector<8x128xf32>
      %broadcast_in_dim3A_141 = arith.constant 0.000000e+00 : f32
      %broadcast_in_dim3A_142 = vector.broadcast %broadcast_in_dim3A_141 : f32 to vector<8x128xf32>
      %broadcast_in_dim3A_143 = arith.constant 0.000000e+00 : f32
      %broadcast_in_dim3A_144 = vector.broadcast %broadcast_in_dim3A_143 : f32 to vector<8x128xf32>
      %broadcast_in_dim3A_145 = arith.constant 0.000000e+00 : f32
      %broadcast_in_dim3A_146 = vector.broadcast %broadcast_in_dim3A_145 : f32 to vector<8x128xf32>
      %broadcast_in_dim3A_147 = arith.constant 0.000000e+00 : f32
      %broadcast_in_dim3A_148 = vector.broadcast %broadcast_in_dim3A_147 : f32 to vector<8x128xf32>
      %broadcast_in_dim3A_149 = arith.constant 0.000000e+00 : f32
      %broadcast_in_dim3A_150 = vector.broadcast %broadcast_in_dim3A_149 : f32 to vector<8x128xf32>
      %broadcast_in_dim3A_151 = arith.constant 0.000000e+00 : f32
      %broadcast_in_dim3A_152 = vector.broadcast %broadcast_in_dim3A_151 : f32 to vector<8x128xf32>
      %broadcast_in_dim3A_153 = arith.constant 0.000000e+00 : f32
      %broadcast_in_dim3A_154 = vector.broadcast %broadcast_in_dim3A_153 : f32 to vector<8x128xf32>
      %broadcast_in_dim3A_155 = arith.constant 0.000000e+00 : f32
      %broadcast_in_dim3A_156 = vector.broadcast %broadcast_in_dim3A_155 : f32 to vector<8x128xf32>
      %broadcast_in_dim3A_157 = arith.constant 0.000000e+00 : f32
      %broadcast_in_dim3A_158 = vector.broadcast %broadcast_in_dim3A_157 : f32 to vector<8x128xf32>
      %broadcast_in_dim3A_159 = arith.constant 0.000000e+00 : f32
      %broadcast_in_dim3A_160 = vector.broadcast %broadcast_in_dim3A_159 : f32 to vector<8x128xf32>
      %broadcast_in_dim3A_161 = arith.constant 0.000000e+00 : f32
      %broadcast_in_dim3A_162 = vector.broadcast %broadcast_in_dim3A_161 : f32 to vector<8x128xf32>
      scf.yield %broadcast_in_dim3A_126, %broadcast_in_dim3A_128, %broadcast_in_dim3A_130, %broadcast_in_dim3A_132, %broadcast_in_dim3A_134, %broadcast_in_dim3A_136, %broadcast_in_dim3A_138, %broadcast_in_dim3A_140, %broadcast_in_dim3A_142, %broadcast_in_dim3A_144, %broadcast_in_dim3A_146, %broadcast_in_dim3A_148, %broadcast_in_dim3A_150, %broadcast_in_dim3A_152, %broadcast_in_dim3A_154, %broadcast_in_dim3A_156, %broadcast_in_dim3A_158, %broadcast_in_dim3A_160, %broadcast_in_dim3A_162 : vector<8x128xf32>, vector<8x128xf32>, vector<8x128xf32>, vector<8x128xf32>, vector<8x128xf32>, vector<8x128xf32>, vector<8x128xf32>, vector<8x128xf32>, vector<8x128xf32>, vector<8x128xf32>, vector<8x128xf32>, vector<8x128xf32>, vector<8x128xf32>, vector<8x128xf32>, vector<8x128xf32>, vector<8x128xf32>, vector<8x128xf32>, vector<8x128xf32>, vector<8x128xf32>
    } else {
      %get3A = arith.constant 0 : index
      %get3A_126 = arith.constant 0 : index
      %get3A_127 = arith.constant 0 : index
      %get3A_128 = vector.load %arg5[%get3A, %get3A_126, %get3A_127] : memref<19x8x128xf32, #tpu.memory_space<vmem>>, vector<1x8x128xf32>
      %get3A_129 = vector.shape_cast %get3A_128 : vector<1x8x128xf32> to vector<8x128xf32>
      %get3A_130 = arith.constant 1 : index
      %get3A_131 = arith.constant 0 : index
      %get3A_132 = arith.constant 0 : index
      %get3A_133 = vector.load %arg5[%get3A_130, %get3A_131, %get3A_132] : memref<19x8x128xf32, #tpu.memory_space<vmem>>, vector<1x8x128xf32>
      %get3A_134 = vector.shape_cast %get3A_133 : vector<1x8x128xf32> to vector<8x128xf32>
      %get3A_135 = arith.constant 2 : index
      %get3A_136 = arith.constant 0 : index
      %get3A_137 = arith.constant 0 : index
      %get3A_138 = vector.load %arg5[%get3A_135, %get3A_136, %get3A_137] : memref<19x8x128xf32, #tpu.memory_space<vmem>>, vector<1x8x128xf32>
      %get3A_139 = vector.shape_cast %get3A_138 : vector<1x8x128xf32> to vector<8x128xf32>
      %get3A_140 = arith.constant 3 : index
      %get3A_141 = arith.constant 0 : index
      %get3A_142 = arith.constant 0 : index
      %get3A_143 = vector.load %arg5[%get3A_140, %get3A_141, %get3A_142] : memref<19x8x128xf32, #tpu.memory_space<vmem>>, vector<1x8x128xf32>
      %get3A_144 = vector.shape_cast %get3A_143 : vector<1x8x128xf32> to vector<8x128xf32>
      %get3A_145 = arith.constant 4 : index
      %get3A_146 = arith.constant 0 : index
      %get3A_147 = arith.constant 0 : index
      %get3A_148 = vector.load %arg5[%get3A_145, %get3A_146, %get3A_147] : memref<19x8x128xf32, #tpu.memory_space<vmem>>, vector<1x8x128xf32>
      %get3A_149 = vector.shape_cast %get3A_148 : vector<1x8x128xf32> to vector<8x128xf32>
      %get3A_150 = arith.constant 5 : index
      %get3A_151 = arith.constant 0 : index
      %get3A_152 = arith.constant 0 : index
      %get3A_153 = vector.load %arg5[%get3A_150, %get3A_151, %get3A_152] : memref<19x8x128xf32, #tpu.memory_space<vmem>>, vector<1x8x128xf32>
      %get3A_154 = vector.shape_cast %get3A_153 : vector<1x8x128xf32> to vector<8x128xf32>
      %get3A_155 = arith.constant 6 : index
      %get3A_156 = arith.constant 0 : index
      %get3A_157 = arith.constant 0 : index
      %get3A_158 = vector.load %arg5[%get3A_155, %get3A_156, %get3A_157] : memref<19x8x128xf32, #tpu.memory_space<vmem>>, vector<1x8x128xf32>
      %get3A_159 = vector.shape_cast %get3A_158 : vector<1x8x128xf32> to vector<8x128xf32>
      %get3A_160 = arith.constant 7 : index
      %get3A_161 = arith.constant 0 : index
      %get3A_162 = arith.constant 0 : index
      %get3A_163 = vector.load %arg5[%get3A_160, %get3A_161, %get3A_162] : memref<19x8x128xf32, #tpu.memory_space<vmem>>, vector<1x8x128xf32>
      %get3A_164 = vector.shape_cast %get3A_163 : vector<1x8x128xf32> to vector<8x128xf32>
      %get3A_165 = arith.constant 8 : index
      %get3A_166 = arith.constant 0 : index
      %get3A_167 = arith.constant 0 : index
      %get3A_168 = vector.load %arg5[%get3A_165, %get3A_166, %get3A_167] : memref<19x8x128xf32, #tpu.memory_space<vmem>>, vector<1x8x128xf32>
      %get3A_169 = vector.shape_cast %get3A_168 : vector<1x8x128xf32> to vector<8x128xf32>
      %get3A_170 = arith.constant 9 : index
      %get3A_171 = arith.constant 0 : index
      %get3A_172 = arith.constant 0 : index
      %get3A_173 = vector.load %arg5[%get3A_170, %get3A_171, %get3A_172] : memref<19x8x128xf32, #tpu.memory_space<vmem>>, vector<1x8x128xf32>
      %get3A_174 = vector.shape_cast %get3A_173 : vector<1x8x128xf32> to vector<8x128xf32>
      %get3A_175 = arith.constant 10 : index
      %get3A_176 = arith.constant 0 : index
      %get3A_177 = arith.constant 0 : index
      %get3A_178 = vector.load %arg5[%get3A_175, %get3A_176, %get3A_177] : memref<19x8x128xf32, #tpu.memory_space<vmem>>, vector<1x8x128xf32>
      %get3A_179 = vector.shape_cast %get3A_178 : vector<1x8x128xf32> to vector<8x128xf32>
      %get3A_180 = arith.constant 11 : index
      %get3A_181 = arith.constant 0 : index
      %get3A_182 = arith.constant 0 : index
      %get3A_183 = vector.load %arg5[%get3A_180, %get3A_181, %get3A_182] : memref<19x8x128xf32, #tpu.memory_space<vmem>>, vector<1x8x128xf32>
      %get3A_184 = vector.shape_cast %get3A_183 : vector<1x8x128xf32> to vector<8x128xf32>
      %get3A_185 = arith.constant 12 : index
      %get3A_186 = arith.constant 0 : index
      %get3A_187 = arith.constant 0 : index
      %get3A_188 = vector.load %arg5[%get3A_185, %get3A_186, %get3A_187] : memref<19x8x128xf32, #tpu.memory_space<vmem>>, vector<1x8x128xf32>
      %get3A_189 = vector.shape_cast %get3A_188 : vector<1x8x128xf32> to vector<8x128xf32>
      %get3A_190 = arith.constant 13 : index
      %get3A_191 = arith.constant 0 : index
      %get3A_192 = arith.constant 0 : index
      %get3A_193 = vector.load %arg5[%get3A_190, %get3A_191, %get3A_192] : memref<19x8x128xf32, #tpu.memory_space<vmem>>, vector<1x8x128xf32>
      %get3A_194 = vector.shape_cast %get3A_193 : vector<1x8x128xf32> to vector<8x128xf32>
      %get3A_195 = arith.constant 14 : index
      %get3A_196 = arith.constant 0 : index
      %get3A_197 = arith.constant 0 : index
      %get3A_198 = vector.load %arg5[%get3A_195, %get3A_196, %get3A_197] : memref<19x8x128xf32, #tpu.memory_space<vmem>>, vector<1x8x128xf32>
      %get3A_199 = vector.shape_cast %get3A_198 : vector<1x8x128xf32> to vector<8x128xf32>
      %get3A_200 = arith.constant 15 : index
      %get3A_201 = arith.constant 0 : index
      %get3A_202 = arith.constant 0 : index
      %get3A_203 = vector.load %arg5[%get3A_200, %get3A_201, %get3A_202] : memref<19x8x128xf32, #tpu.memory_space<vmem>>, vector<1x8x128xf32>
      %get3A_204 = vector.shape_cast %get3A_203 : vector<1x8x128xf32> to vector<8x128xf32>
      %get3A_205 = arith.constant 16 : index
      %get3A_206 = arith.constant 0 : index
      %get3A_207 = arith.constant 0 : index
      %get3A_208 = vector.load %arg5[%get3A_205, %get3A_206, %get3A_207] : memref<19x8x128xf32, #tpu.memory_space<vmem>>, vector<1x8x128xf32>
      %get3A_209 = vector.shape_cast %get3A_208 : vector<1x8x128xf32> to vector<8x128xf32>
      %get3A_210 = arith.constant 17 : index
      %get3A_211 = arith.constant 0 : index
      %get3A_212 = arith.constant 0 : index
      %get3A_213 = vector.load %arg5[%get3A_210, %get3A_211, %get3A_212] : memref<19x8x128xf32, #tpu.memory_space<vmem>>, vector<1x8x128xf32>
      %get3A_214 = vector.shape_cast %get3A_213 : vector<1x8x128xf32> to vector<8x128xf32>
      %get3A_215 = arith.constant 18 : index
      %get3A_216 = arith.constant 0 : index
      %get3A_217 = arith.constant 0 : index
      %get3A_218 = vector.load %arg5[%get3A_215, %get3A_216, %get3A_217] : memref<19x8x128xf32, #tpu.memory_space<vmem>>, vector<1x8x128xf32>
      %get3A_219 = vector.shape_cast %get3A_218 : vector<1x8x128xf32> to vector<8x128xf32>
      scf.yield %get3A_129, %get3A_134, %get3A_139, %get3A_144, %get3A_149, %get3A_154, %get3A_159, %get3A_164, %get3A_169, %get3A_174, %get3A_179, %get3A_184, %get3A_189, %get3A_194, %get3A_199, %get3A_204, %get3A_209, %get3A_214, %get3A_219 : vector<8x128xf32>, vector<8x128xf32>, vector<8x128xf32>, vector<8x128xf32>, vector<8x128xf32>, vector<8x128xf32>, vector<8x128xf32>, vector<8x128xf32>, vector<8x128xf32>, vector<8x128xf32>, vector<8x128xf32>, vector<8x128xf32>, vector<8x128xf32>, vector<8x128xf32>, vector<8x128xf32>, vector<8x128xf32>, vector<8x128xf32>, vector<8x128xf32>, vector<8x128xf32>
    }
    %scan3A = arith.constant 0 : i32
    %scan3A_3 = arith.constant 32 : i32
    %scan3A_4 = arith.addi %scan3A, %scan3A_3 : i32
    %scan3A_5 = arith.constant 1 : i32
    %scan3A_6:19 = scf.for %scan3A_126 = %scan3A to %scan3A_4 step %scan3A_5 iter_args(%scan3A_127 = %cond3A_2#0, %scan3A_128 = %cond3A_2#1, %scan3A_129 = %cond3A_2#2, %scan3A_130 = %cond3A_2#3, %scan3A_131 = %cond3A_2#4, %scan3A_132 = %cond3A_2#5, %scan3A_133 = %cond3A_2#6, %scan3A_134 = %cond3A_2#7, %scan3A_135 = %cond3A_2#8, %scan3A_136 = %cond3A_2#9, %scan3A_137 = %cond3A_2#10, %scan3A_138 = %cond3A_2#11, %scan3A_139 = %cond3A_2#12, %scan3A_140 = %cond3A_2#13, %scan3A_141 = %cond3A_2#14, %scan3A_142 = %cond3A_2#15, %scan3A_143 = %cond3A_2#16, %scan3A_144 = %cond3A_2#17, %scan3A_145 = %cond3A_2#18) -> (vector<8x128xf32>, vector<8x128xf32>, vector<8x128xf32>, vector<8x128xf32>, vector<8x128xf32>, vector<8x128xf32>, vector<8x128xf32>, vector<8x128xf32>, vector<8x128xf32>, vector<8x128xf32>, vector<8x128xf32>, vector<8x128xf32>, vector<8x128xf32>, vector<8x128xf32>, vector<8x128xf32>, vector<8x128xf32>, vector<8x128xf32>, vector<8x128xf32>, vector<8x128xf32>)  : i32 {
      %mul3A = arith.constant 8 : i32
      %mul3A_146 = arith.muli %scan3A_126, %mul3A : i32
      %get3A = arith.index_cast %mul3A_146 : i32 to index
      %get3A_147 = arith.constant 0 : index
      %get3A_148 = vector.load %arg1[%get3A, %get3A_147] : memref<256x1000xf32, #tpu.memory_space<vmem>>, vector<8x128xf32>
      %mul3A_149 = arith.constant 8 : i32
      %mul3A_150 = arith.muli %scan3A_126, %mul3A_149 : i32
      %get3A_151 = arith.index_cast %mul3A_150 : i32 to index
      %get3A_152 = arith.constant 0 : index
      %get3A_153 = vector.load %arg2[%get3A_151, %get3A_152] : memref<256x1000xf32, #tpu.memory_space<vmem>>, vector<8x128xf32>
      %gt3A = arith.constant 5.000000e-01 : f32
      %gt3A_154 = vector.broadcast %gt3A : f32 to vector<8x128xf32>
      %gt3A_155 = arith.cmpf ogt, %get3A_153, %gt3A_154 : vector<8x128xf32>
      %neg3A = arith.constant 0.000000e+00 : f32
      %neg3A_156 = vector.broadcast %neg3A : f32 to vector<8x128xf32>
      %neg3A_157 = arith.subf %neg3A_156, %get3A_148 : vector<8x128xf32>
      %select_n3A = arith.select %gt3A_155, %neg3A_157, %get3A_148 : vector<8x128xi1>, vector<8x128xf32>
      %max3A = arith.constant 0.000000e+00 : f32
      %max3A_158 = vector.broadcast %max3A : f32 to vector<8x128xf32>
      %max3A_159 = arith.maximumf %select_n3A, %max3A_158 : vector<8x128xf32>
      %abs3A = math.absf %select_n3A : vector<8x128xf32>
      %neg3A_160 = arith.constant 0.000000e+00 : f32
      %neg3A_161 = vector.broadcast %neg3A_160 : f32 to vector<8x128xf32>
      %neg3A_162 = arith.subf %neg3A_161, %abs3A : vector<8x128xf32>
      %exp3A = math.exp %neg3A_162 : vector<8x128xf32>
      %log1p3A = math.log1p %exp3A : vector<8x128xf32>
      %add3A = arith.addf %max3A_159, %log1p3A : vector<8x128xf32>
      %add3A_163 = arith.addf %scan3A_127, %add3A : vector<8x128xf32>
      %ge3A = arith.constant -2.19722462 : f32
      %ge3A_164 = vector.broadcast %ge3A : f32 to vector<8x128xf32>
      %ge3A_165 = arith.cmpf oge, %select_n3A, %ge3A_164 : vector<8x128xf32>
      %convert_element_type3A_166 = arith.extui %ge3A_165 : vector<8x128xi1> to vector<8x128xi32>
      %convert_element_type3A_167 = arith.sitofp %convert_element_type3A_166 : vector<8x128xi32> to vector<8x128xf32>
      %add3A_168 = arith.addf %scan3A_128, %convert_element_type3A_167 : vector<8x128xf32>
      %jit3A = arith.constant 0.000000e+00 : f32
      %broadcast_in_dim3A = vector.broadcast %jit3A : f32 to vector<8x128xf32>
      %select_n3A_169 = arith.select %ge3A_165, %add3A, %broadcast_in_dim3A : vector<8x128xi1>, vector<8x128xf32>
      %add3A_170 = arith.addf %scan3A_129, %select_n3A_169 : vector<8x128xf32>
      %ge3A_171 = arith.constant -1.38629436 : f32
      %ge3A_172 = vector.broadcast %ge3A_171 : f32 to vector<8x128xf32>
      %ge3A_173 = arith.cmpf oge, %select_n3A, %ge3A_172 : vector<8x128xf32>
      %convert_element_type3A_174 = arith.extui %ge3A_173 : vector<8x128xi1> to vector<8x128xi32>
      %convert_element_type3A_175 = arith.sitofp %convert_element_type3A_174 : vector<8x128xi32> to vector<8x128xf32>
      %add3A_176 = arith.addf %scan3A_130, %convert_element_type3A_175 : vector<8x128xf32>
      %jit3A_177 = arith.constant 0.000000e+00 : f32
      %broadcast_in_dim3A_178 = vector.broadcast %jit3A_177 : f32 to vector<8x128xf32>
      %select_n3A_179 = arith.select %ge3A_173, %add3A, %broadcast_in_dim3A_178 : vector<8x128xi1>, vector<8x128xf32>
      %add3A_180 = arith.addf %scan3A_131, %select_n3A_179 : vector<8x128xf32>
      %ge3A_181 = arith.constant -0.847297847 : f32
      %ge3A_182 = vector.broadcast %ge3A_181 : f32 to vector<8x128xf32>
      %ge3A_183 = arith.cmpf oge, %select_n3A, %ge3A_182 : vector<8x128xf32>
      %convert_element_type3A_184 = arith.extui %ge3A_183 : vector<8x128xi1> to vector<8x128xi32>
      %convert_element_type3A_185 = arith.sitofp %convert_element_type3A_184 : vector<8x128xi32> to vector<8x128xf32>
      %add3A_186 = arith.addf %scan3A_132, %convert_element_type3A_185 : vector<8x128xf32>
      %jit3A_187 = arith.constant 0.000000e+00 : f32
      %broadcast_in_dim3A_188 = vector.broadcast %jit3A_187 : f32 to vector<8x128xf32>
      %select_n3A_189 = arith.select %ge3A_183, %add3A, %broadcast_in_dim3A_188 : vector<8x128xi1>, vector<8x128xf32>
      %add3A_190 = arith.addf %scan3A_133, %select_n3A_189 : vector<8x128xf32>
      %ge3A_191 = arith.constant -0.405465096 : f32
      %ge3A_192 = vector.broadcast %ge3A_191 : f32 to vector<8x128xf32>
      %ge3A_193 = arith.cmpf oge, %select_n3A, %ge3A_192 : vector<8x128xf32>
      %convert_element_type3A_194 = arith.extui %ge3A_193 : vector<8x128xi1> to vector<8x128xi32>
      %convert_element_type3A_195 = arith.sitofp %convert_element_type3A_194 : vector<8x128xi32> to vector<8x128xf32>
      %add3A_196 = arith.addf %scan3A_134, %convert_element_type3A_195 : vector<8x128xf32>
      %jit3A_197 = arith.constant 0.000000e+00 : f32
      %broadcast_in_dim3A_198 = vector.broadcast %jit3A_197 : f32 to vector<8x128xf32>
      %select_n3A_199 = arith.select %ge3A_193, %add3A, %broadcast_in_dim3A_198 : vector<8x128xi1>, vector<8x128xf32>
      %add3A_200 = arith.addf %scan3A_135, %select_n3A_199 : vector<8x128xf32>
      %ge3A_201 = arith.constant 0.000000e+00 : f32
      %ge3A_202 = vector.broadcast %ge3A_201 : f32 to vector<8x128xf32>
      %ge3A_203 = arith.cmpf oge, %select_n3A, %ge3A_202 : vector<8x128xf32>
      %convert_element_type3A_204 = arith.extui %ge3A_203 : vector<8x128xi1> to vector<8x128xi32>
      %convert_element_type3A_205 = arith.sitofp %convert_element_type3A_204 : vector<8x128xi32> to vector<8x128xf32>
      %add3A_206 = arith.addf %scan3A_136, %convert_element_type3A_205 : vector<8x128xf32>
      %jit3A_207 = arith.constant 0.000000e+00 : f32
      %broadcast_in_dim3A_208 = vector.broadcast %jit3A_207 : f32 to vector<8x128xf32>
      %select_n3A_209 = arith.select %ge3A_203, %add3A, %broadcast_in_dim3A_208 : vector<8x128xi1>, vector<8x128xf32>
      %add3A_210 = arith.addf %scan3A_137, %select_n3A_209 : vector<8x128xf32>
      %ge3A_211 = arith.constant 0.405465096 : f32
      %ge3A_212 = vector.broadcast %ge3A_211 : f32 to vector<8x128xf32>
      %ge3A_213 = arith.cmpf oge, %select_n3A, %ge3A_212 : vector<8x128xf32>
      %convert_element_type3A_214 = arith.extui %ge3A_213 : vector<8x128xi1> to vector<8x128xi32>
      %convert_element_type3A_215 = arith.sitofp %convert_element_type3A_214 : vector<8x128xi32> to vector<8x128xf32>
      %add3A_216 = arith.addf %scan3A_138, %convert_element_type3A_215 : vector<8x128xf32>
      %jit3A_217 = arith.constant 0.000000e+00 : f32
      %broadcast_in_dim3A_218 = vector.broadcast %jit3A_217 : f32 to vector<8x128xf32>
      %select_n3A_219 = arith.select %ge3A_213, %add3A, %broadcast_in_dim3A_218 : vector<8x128xi1>, vector<8x128xf32>
      %add3A_220 = arith.addf %scan3A_139, %select_n3A_219 : vector<8x128xf32>
      %ge3A_221 = arith.constant 0.847297847 : f32
      %ge3A_222 = vector.broadcast %ge3A_221 : f32 to vector<8x128xf32>
      %ge3A_223 = arith.cmpf oge, %select_n3A, %ge3A_222 : vector<8x128xf32>
      %convert_element_type3A_224 = arith.extui %ge3A_223 : vector<8x128xi1> to vector<8x128xi32>
      %convert_element_type3A_225 = arith.sitofp %convert_element_type3A_224 : vector<8x128xi32> to vector<8x128xf32>
      %add3A_226 = arith.addf %scan3A_140, %convert_element_type3A_225 : vector<8x128xf32>
      %jit3A_227 = arith.constant 0.000000e+00 : f32
      %broadcast_in_dim3A_228 = vector.broadcast %jit3A_227 : f32 to vector<8x128xf32>
      %select_n3A_229 = arith.select %ge3A_223, %add3A, %broadcast_in_dim3A_228 : vector<8x128xi1>, vector<8x128xf32>
      %add3A_230 = arith.addf %scan3A_141, %select_n3A_229 : vector<8x128xf32>
      %ge3A_231 = arith.constant 1.38629436 : f32
      %ge3A_232 = vector.broadcast %ge3A_231 : f32 to vector<8x128xf32>
      %ge3A_233 = arith.cmpf oge, %select_n3A, %ge3A_232 : vector<8x128xf32>
      %convert_element_type3A_234 = arith.extui %ge3A_233 : vector<8x128xi1> to vector<8x128xi32>
      %convert_element_type3A_235 = arith.sitofp %convert_element_type3A_234 : vector<8x128xi32> to vector<8x128xf32>
      %add3A_236 = arith.addf %scan3A_142, %convert_element_type3A_235 : vector<8x128xf32>
      %jit3A_237 = arith.constant 0.000000e+00 : f32
      %broadcast_in_dim3A_238 = vector.broadcast %jit3A_237 : f32 to vector<8x128xf32>
      %select_n3A_239 = arith.select %ge3A_233, %add3A, %broadcast_in_dim3A_238 : vector<8x128xi1>, vector<8x128xf32>
      %add3A_240 = arith.addf %scan3A_143, %select_n3A_239 : vector<8x128xf32>
      %ge3A_241 = arith.constant 2.19722462 : f32
      %ge3A_242 = vector.broadcast %ge3A_241 : f32 to vector<8x128xf32>
      %ge3A_243 = arith.cmpf oge, %select_n3A, %ge3A_242 : vector<8x128xf32>
      %convert_element_type3A_244 = arith.extui %ge3A_243 : vector<8x128xi1> to vector<8x128xi32>
      %convert_element_type3A_245 = arith.sitofp %convert_element_type3A_244 : vector<8x128xi32> to vector<8x128xf32>
      %add3A_246 = arith.addf %scan3A_144, %convert_element_type3A_245 : vector<8x128xf32>
      %jit3A_247 = arith.constant 0.000000e+00 : f32
      %broadcast_in_dim3A_248 = vector.broadcast %jit3A_247 : f32 to vector<8x128xf32>
      %select_n3A_249 = arith.select %ge3A_243, %add3A, %broadcast_in_dim3A_248 : vector<8x128xi1>, vector<8x128xf32>
      %add3A_250 = arith.addf %scan3A_145, %select_n3A_249 : vector<8x128xf32>
      %mul3A_251 = arith.constant 8 : i32
      %mul3A_252 = arith.muli %scan3A_126, %mul3A_251 : i32
      %get3A_253 = arith.index_cast %mul3A_252 : i32 to index
      %get3A_254 = arith.constant 128 : index
      %get3A_255 = vector.load %arg1[%get3A_253, %get3A_254] : memref<256x1000xf32, #tpu.memory_space<vmem>>, vector<8x128xf32>
      %mul3A_256 = arith.constant 8 : i32
      %mul3A_257 = arith.muli %scan3A_126, %mul3A_256 : i32
      %get3A_258 = arith.index_cast %mul3A_257 : i32 to index
      %get3A_259 = arith.constant 128 : index
      %get3A_260 = vector.load %arg2[%get3A_258, %get3A_259] : memref<256x1000xf32, #tpu.memory_space<vmem>>, vector<8x128xf32>
      %gt3A_261 = arith.constant 5.000000e-01 : f32
      %gt3A_262 = vector.broadcast %gt3A_261 : f32 to vector<8x128xf32>
      %gt3A_263 = arith.cmpf ogt, %get3A_260, %gt3A_262 : vector<8x128xf32>
      %neg3A_264 = arith.constant 0.000000e+00 : f32
      %neg3A_265 = vector.broadcast %neg3A_264 : f32 to vector<8x128xf32>
      %neg3A_266 = arith.subf %neg3A_265, %get3A_255 : vector<8x128xf32>
      %select_n3A_267 = arith.select %gt3A_263, %neg3A_266, %get3A_255 : vector<8x128xi1>, vector<8x128xf32>
      %max3A_268 = arith.constant 0.000000e+00 : f32
      %max3A_269 = vector.broadcast %max3A_268 : f32 to vector<8x128xf32>
      %max3A_270 = arith.maximumf %select_n3A_267, %max3A_269 : vector<8x128xf32>
      %abs3A_271 = math.absf %select_n3A_267 : vector<8x128xf32>
      %neg3A_272 = arith.constant 0.000000e+00 : f32
      %neg3A_273 = vector.broadcast %neg3A_272 : f32 to vector<8x128xf32>
      %neg3A_274 = arith.subf %neg3A_273, %abs3A_271 : vector<8x128xf32>
      %exp3A_275 = math.exp %neg3A_274 : vector<8x128xf32>
      %log1p3A_276 = math.log1p %exp3A_275 : vector<8x128xf32>
      %add3A_277 = arith.addf %max3A_270, %log1p3A_276 : vector<8x128xf32>
      %add3A_278 = arith.addf %add3A_163, %add3A_277 : vector<8x128xf32>
      %ge3A_279 = arith.constant -2.19722462 : f32
      %ge3A_280 = vector.broadcast %ge3A_279 : f32 to vector<8x128xf32>
      %ge3A_281 = arith.cmpf oge, %select_n3A_267, %ge3A_280 : vector<8x128xf32>
      %convert_element_type3A_282 = arith.extui %ge3A_281 : vector<8x128xi1> to vector<8x128xi32>
      %convert_element_type3A_283 = arith.sitofp %convert_element_type3A_282 : vector<8x128xi32> to vector<8x128xf32>
      %add3A_284 = arith.addf %add3A_168, %convert_element_type3A_283 : vector<8x128xf32>
      %jit3A_285 = arith.constant 0.000000e+00 : f32
      %broadcast_in_dim3A_286 = vector.broadcast %jit3A_285 : f32 to vector<8x128xf32>
      %select_n3A_287 = arith.select %ge3A_281, %add3A_277, %broadcast_in_dim3A_286 : vector<8x128xi1>, vector<8x128xf32>
      %add3A_288 = arith.addf %add3A_170, %select_n3A_287 : vector<8x128xf32>
      %ge3A_289 = arith.constant -1.38629436 : f32
      %ge3A_290 = vector.broadcast %ge3A_289 : f32 to vector<8x128xf32>
      %ge3A_291 = arith.cmpf oge, %select_n3A_267, %ge3A_290 : vector<8x128xf32>
      %convert_element_type3A_292 = arith.extui %ge3A_291 : vector<8x128xi1> to vector<8x128xi32>
      %convert_element_type3A_293 = arith.sitofp %convert_element_type3A_292 : vector<8x128xi32> to vector<8x128xf32>
      %add3A_294 = arith.addf %add3A_176, %convert_element_type3A_293 : vector<8x128xf32>
      %jit3A_295 = arith.constant 0.000000e+00 : f32
      %broadcast_in_dim3A_296 = vector.broadcast %jit3A_295 : f32 to vector<8x128xf32>
      %select_n3A_297 = arith.select %ge3A_291, %add3A_277, %broadcast_in_dim3A_296 : vector<8x128xi1>, vector<8x128xf32>
      %add3A_298 = arith.addf %add3A_180, %select_n3A_297 : vector<8x128xf32>
      %ge3A_299 = arith.constant -0.847297847 : f32
      %ge3A_300 = vector.broadcast %ge3A_299 : f32 to vector<8x128xf32>
      %ge3A_301 = arith.cmpf oge, %select_n3A_267, %ge3A_300 : vector<8x128xf32>
      %convert_element_type3A_302 = arith.extui %ge3A_301 : vector<8x128xi1> to vector<8x128xi32>
      %convert_element_type3A_303 = arith.sitofp %convert_element_type3A_302 : vector<8x128xi32> to vector<8x128xf32>
      %add3A_304 = arith.addf %add3A_186, %convert_element_type3A_303 : vector<8x128xf32>
      %jit3A_305 = arith.constant 0.000000e+00 : f32
      %broadcast_in_dim3A_306 = vector.broadcast %jit3A_305 : f32 to vector<8x128xf32>
      %select_n3A_307 = arith.select %ge3A_301, %add3A_277, %broadcast_in_dim3A_306 : vector<8x128xi1>, vector<8x128xf32>
      %add3A_308 = arith.addf %add3A_190, %select_n3A_307 : vector<8x128xf32>
      %ge3A_309 = arith.constant -0.405465096 : f32
      %ge3A_310 = vector.broadcast %ge3A_309 : f32 to vector<8x128xf32>
      %ge3A_311 = arith.cmpf oge, %select_n3A_267, %ge3A_310 : vector<8x128xf32>
      %convert_element_type3A_312 = arith.extui %ge3A_311 : vector<8x128xi1> to vector<8x128xi32>
      %convert_element_type3A_313 = arith.sitofp %convert_element_type3A_312 : vector<8x128xi32> to vector<8x128xf32>
      %add3A_314 = arith.addf %add3A_196, %convert_element_type3A_313 : vector<8x128xf32>
      %jit3A_315 = arith.constant 0.000000e+00 : f32
      %broadcast_in_dim3A_316 = vector.broadcast %jit3A_315 : f32 to vector<8x128xf32>
      %select_n3A_317 = arith.select %ge3A_311, %add3A_277, %broadcast_in_dim3A_316 : vector<8x128xi1>, vector<8x128xf32>
      %add3A_318 = arith.addf %add3A_200, %select_n3A_317 : vector<8x128xf32>
      %ge3A_319 = arith.constant 0.000000e+00 : f32
      %ge3A_320 = vector.broadcast %ge3A_319 : f32 to vector<8x128xf32>
      %ge3A_321 = arith.cmpf oge, %select_n3A_267, %ge3A_320 : vector<8x128xf32>
      %convert_element_type3A_322 = arith.extui %ge3A_321 : vector<8x128xi1> to vector<8x128xi32>
      %convert_element_type3A_323 = arith.sitofp %convert_element_type3A_322 : vector<8x128xi32> to vector<8x128xf32>
      %add3A_324 = arith.addf %add3A_206, %convert_element_type3A_323 : vector<8x128xf32>
      %jit3A_325 = arith.constant 0.000000e+00 : f32
      %broadcast_in_dim3A_326 = vector.broadcast %jit3A_325 : f32 to vector<8x128xf32>
      %select_n3A_327 = arith.select %ge3A_321, %add3A_277, %broadcast_in_dim3A_326 : vector<8x128xi1>, vector<8x128xf32>
      %add3A_328 = arith.addf %add3A_210, %select_n3A_327 : vector<8x128xf32>
      %ge3A_329 = arith.constant 0.405465096 : f32
      %ge3A_330 = vector.broadcast %ge3A_329 : f32 to vector<8x128xf32>
      %ge3A_331 = arith.cmpf oge, %select_n3A_267, %ge3A_330 : vector<8x128xf32>
      %convert_element_type3A_332 = arith.extui %ge3A_331 : vector<8x128xi1> to vector<8x128xi32>
      %convert_element_type3A_333 = arith.sitofp %convert_element_type3A_332 : vector<8x128xi32> to vector<8x128xf32>
      %add3A_334 = arith.addf %add3A_216, %convert_element_type3A_333 : vector<8x128xf32>
      %jit3A_335 = arith.constant 0.000000e+00 : f32
      %broadcast_in_dim3A_336 = vector.broadcast %jit3A_335 : f32 to vector<8x128xf32>
      %select_n3A_337 = arith.select %ge3A_331, %add3A_277, %broadcast_in_dim3A_336 : vector<8x128xi1>, vector<8x128xf32>
      %add3A_338 = arith.addf %add3A_220, %select_n3A_337 : vector<8x128xf32>
      %ge3A_339 = arith.constant 0.847297847 : f32
      %ge3A_340 = vector.broadcast %ge3A_339 : f32 to vector<8x128xf32>
      %ge3A_341 = arith.cmpf oge, %select_n3A_267, %ge3A_340 : vector<8x128xf32>
      %convert_element_type3A_342 = arith.extui %ge3A_341 : vector<8x128xi1> to vector<8x128xi32>
      %convert_element_type3A_343 = arith.sitofp %convert_element_type3A_342 : vector<8x128xi32> to vector<8x128xf32>
      %add3A_344 = arith.addf %add3A_226, %convert_element_type3A_343 : vector<8x128xf32>
      %jit3A_345 = arith.constant 0.000000e+00 : f32
      %broadcast_in_dim3A_346 = vector.broadcast %jit3A_345 : f32 to vector<8x128xf32>
      %select_n3A_347 = arith.select %ge3A_341, %add3A_277, %broadcast_in_dim3A_346 : vector<8x128xi1>, vector<8x128xf32>
      %add3A_348 = arith.addf %add3A_230, %select_n3A_347 : vector<8x128xf32>
      %ge3A_349 = arith.constant 1.38629436 : f32
      %ge3A_350 = vector.broadcast %ge3A_349 : f32 to vector<8x128xf32>
      %ge3A_351 = arith.cmpf oge, %select_n3A_267, %ge3A_350 : vector<8x128xf32>
      %convert_element_type3A_352 = arith.extui %ge3A_351 : vector<8x128xi1> to vector<8x128xi32>
      %convert_element_type3A_353 = arith.sitofp %convert_element_type3A_352 : vector<8x128xi32> to vector<8x128xf32>
      %add3A_354 = arith.addf %add3A_236, %convert_element_type3A_353 : vector<8x128xf32>
      %jit3A_355 = arith.constant 0.000000e+00 : f32
      %broadcast_in_dim3A_356 = vector.broadcast %jit3A_355 : f32 to vector<8x128xf32>
      %select_n3A_357 = arith.select %ge3A_351, %add3A_277, %broadcast_in_dim3A_356 : vector<8x128xi1>, vector<8x128xf32>
      %add3A_358 = arith.addf %add3A_240, %select_n3A_357 : vector<8x128xf32>
      %ge3A_359 = arith.constant 2.19722462 : f32
      %ge3A_360 = vector.broadcast %ge3A_359 : f32 to vector<8x128xf32>
      %ge3A_361 = arith.cmpf oge, %select_n3A_267, %ge3A_360 : vector<8x128xf32>
      %convert_element_type3A_362 = arith.extui %ge3A_361 : vector<8x128xi1> to vector<8x128xi32>
      %convert_element_type3A_363 = arith.sitofp %convert_element_type3A_362 : vector<8x128xi32> to vector<8x128xf32>
      %add3A_364 = arith.addf %add3A_246, %convert_element_type3A_363 : vector<8x128xf32>
      %jit3A_365 = arith.constant 0.000000e+00 : f32
      %broadcast_in_dim3A_366 = vector.broadcast %jit3A_365 : f32 to vector<8x128xf32>
      %select_n3A_367 = arith.select %ge3A_361, %add3A_277, %broadcast_in_dim3A_366 : vector<8x128xi1>, vector<8x128xf32>
      %add3A_368 = arith.addf %add3A_250, %select_n3A_367 : vector<8x128xf32>
      %mul3A_369 = arith.constant 8 : i32
      %mul3A_370 = arith.muli %scan3A_126, %mul3A_369 : i32
      %get3A_371 = arith.index_cast %mul3A_370 : i32 to index
      %get3A_372 = arith.constant 256 : index
      %get3A_373 = vector.load %arg1[%get3A_371, %get3A_372] : memref<256x1000xf32, #tpu.memory_space<vmem>>, vector<8x128xf32>
      %mul3A_374 = arith.constant 8 : i32
      %mul3A_375 = arith.muli %scan3A_126, %mul3A_374 : i32
      %get3A_376 = arith.index_cast %mul3A_375 : i32 to index
      %get3A_377 = arith.constant 256 : index
      %get3A_378 = vector.load %arg2[%get3A_376, %get3A_377] : memref<256x1000xf32, #tpu.memory_space<vmem>>, vector<8x128xf32>
      %gt3A_379 = arith.constant 5.000000e-01 : f32
      %gt3A_380 = vector.broadcast %gt3A_379 : f32 to vector<8x128xf32>
      %gt3A_381 = arith.cmpf ogt, %get3A_378, %gt3A_380 : vector<8x128xf32>
      %neg3A_382 = arith.constant 0.000000e+00 : f32
      %neg3A_383 = vector.broadcast %neg3A_382 : f32 to vector<8x128xf32>
      %neg3A_384 = arith.subf %neg3A_383, %get3A_373 : vector<8x128xf32>
      %select_n3A_385 = arith.select %gt3A_381, %neg3A_384, %get3A_373 : vector<8x128xi1>, vector<8x128xf32>
      %max3A_386 = arith.constant 0.000000e+00 : f32
      %max3A_387 = vector.broadcast %max3A_386 : f32 to vector<8x128xf32>
      %max3A_388 = arith.maximumf %select_n3A_385, %max3A_387 : vector<8x128xf32>
      %abs3A_389 = math.absf %select_n3A_385 : vector<8x128xf32>
      %neg3A_390 = arith.constant 0.000000e+00 : f32
      %neg3A_391 = vector.broadcast %neg3A_390 : f32 to vector<8x128xf32>
      %neg3A_392 = arith.subf %neg3A_391, %abs3A_389 : vector<8x128xf32>
      %exp3A_393 = math.exp %neg3A_392 : vector<8x128xf32>
      %log1p3A_394 = math.log1p %exp3A_393 : vector<8x128xf32>
      %add3A_395 = arith.addf %max3A_388, %log1p3A_394 : vector<8x128xf32>
      %add3A_396 = arith.addf %add3A_278, %add3A_395 : vector<8x128xf32>
      %ge3A_397 = arith.constant -2.19722462 : f32
      %ge3A_398 = vector.broadcast %ge3A_397 : f32 to vector<8x128xf32>
      %ge3A_399 = arith.cmpf oge, %select_n3A_385, %ge3A_398 : vector<8x128xf32>
      %convert_element_type3A_400 = arith.extui %ge3A_399 : vector<8x128xi1> to vector<8x128xi32>
      %convert_element_type3A_401 = arith.sitofp %convert_element_type3A_400 : vector<8x128xi32> to vector<8x128xf32>
      %add3A_402 = arith.addf %add3A_284, %convert_element_type3A_401 : vector<8x128xf32>
      %jit3A_403 = arith.constant 0.000000e+00 : f32
      %broadcast_in_dim3A_404 = vector.broadcast %jit3A_403 : f32 to vector<8x128xf32>
      %select_n3A_405 = arith.select %ge3A_399, %add3A_395, %broadcast_in_dim3A_404 : vector<8x128xi1>, vector<8x128xf32>
      %add3A_406 = arith.addf %add3A_288, %select_n3A_405 : vector<8x128xf32>
      %ge3A_407 = arith.constant -1.38629436 : f32
      %ge3A_408 = vector.broadcast %ge3A_407 : f32 to vector<8x128xf32>
      %ge3A_409 = arith.cmpf oge, %select_n3A_385, %ge3A_408 : vector<8x128xf32>
      %convert_element_type3A_410 = arith.extui %ge3A_409 : vector<8x128xi1> to vector<8x128xi32>
      %convert_element_type3A_411 = arith.sitofp %convert_element_type3A_410 : vector<8x128xi32> to vector<8x128xf32>
      %add3A_412 = arith.addf %add3A_294, %convert_element_type3A_411 : vector<8x128xf32>
      %jit3A_413 = arith.constant 0.000000e+00 : f32
      %broadcast_in_dim3A_414 = vector.broadcast %jit3A_413 : f32 to vector<8x128xf32>
      %select_n3A_415 = arith.select %ge3A_409, %add3A_395, %broadcast_in_dim3A_414 : vector<8x128xi1>, vector<8x128xf32>
      %add3A_416 = arith.addf %add3A_298, %select_n3A_415 : vector<8x128xf32>
      %ge3A_417 = arith.constant -0.847297847 : f32
      %ge3A_418 = vector.broadcast %ge3A_417 : f32 to vector<8x128xf32>
      %ge3A_419 = arith.cmpf oge, %select_n3A_385, %ge3A_418 : vector<8x128xf32>
      %convert_element_type3A_420 = arith.extui %ge3A_419 : vector<8x128xi1> to vector<8x128xi32>
      %convert_element_type3A_421 = arith.sitofp %convert_element_type3A_420 : vector<8x128xi32> to vector<8x128xf32>
      %add3A_422 = arith.addf %add3A_304, %convert_element_type3A_421 : vector<8x128xf32>
      %jit3A_423 = arith.constant 0.000000e+00 : f32
      %broadcast_in_dim3A_424 = vector.broadcast %jit3A_423 : f32 to vector<8x128xf32>
      %select_n3A_425 = arith.select %ge3A_419, %add3A_395, %broadcast_in_dim3A_424 : vector<8x128xi1>, vector<8x128xf32>
      %add3A_426 = arith.addf %add3A_308, %select_n3A_425 : vector<8x128xf32>
      %ge3A_427 = arith.constant -0.405465096 : f32
      %ge3A_428 = vector.broadcast %ge3A_427 : f32 to vector<8x128xf32>
      %ge3A_429 = arith.cmpf oge, %select_n3A_385, %ge3A_428 : vector<8x128xf32>
      %convert_element_type3A_430 = arith.extui %ge3A_429 : vector<8x128xi1> to vector<8x128xi32>
      %convert_element_type3A_431 = arith.sitofp %convert_element_type3A_430 : vector<8x128xi32> to vector<8x128xf32>
      %add3A_432 = arith.addf %add3A_314, %convert_element_type3A_431 : vector<8x128xf32>
      %jit3A_433 = arith.constant 0.000000e+00 : f32
      %broadcast_in_dim3A_434 = vector.broadcast %jit3A_433 : f32 to vector<8x128xf32>
      %select_n3A_435 = arith.select %ge3A_429, %add3A_395, %broadcast_in_dim3A_434 : vector<8x128xi1>, vector<8x128xf32>
      %add3A_436 = arith.addf %add3A_318, %select_n3A_435 : vector<8x128xf32>
      %ge3A_437 = arith.constant 0.000000e+00 : f32
      %ge3A_438 = vector.broadcast %ge3A_437 : f32 to vector<8x128xf32>
      %ge3A_439 = arith.cmpf oge, %select_n3A_385, %ge3A_438 : vector<8x128xf32>
      %convert_element_type3A_440 = arith.extui %ge3A_439 : vector<8x128xi1> to vector<8x128xi32>
      %convert_element_type3A_441 = arith.sitofp %convert_element_type3A_440 : vector<8x128xi32> to vector<8x128xf32>
      %add3A_442 = arith.addf %add3A_324, %convert_element_type3A_441 : vector<8x128xf32>
      %jit3A_443 = arith.constant 0.000000e+00 : f32
      %broadcast_in_dim3A_444 = vector.broadcast %jit3A_443 : f32 to vector<8x128xf32>
      %select_n3A_445 = arith.select %ge3A_439, %add3A_395, %broadcast_in_dim3A_444 : vector<8x128xi1>, vector<8x128xf32>
      %add3A_446 = arith.addf %add3A_328, %select_n3A_445 : vector<8x128xf32>
      %ge3A_447 = arith.constant 0.405465096 : f32
      %ge3A_448 = vector.broadcast %ge3A_447 : f32 to vector<8x128xf32>
      %ge3A_449 = arith.cmpf oge, %select_n3A_385, %ge3A_448 : vector<8x128xf32>
      %convert_element_type3A_450 = arith.extui %ge3A_449 : vector<8x128xi1> to vector<8x128xi32>
      %convert_element_type3A_451 = arith.sitofp %convert_element_type3A_450 : vector<8x128xi32> to vector<8x128xf32>
      %add3A_452 = arith.addf %add3A_334, %convert_element_type3A_451 : vector<8x128xf32>
      %jit3A_453 = arith.constant 0.000000e+00 : f32
      %broadcast_in_dim3A_454 = vector.broadcast %jit3A_453 : f32 to vector<8x128xf32>
      %select_n3A_455 = arith.select %ge3A_449, %add3A_395, %broadcast_in_dim3A_454 : vector<8x128xi1>, vector<8x128xf32>
      %add3A_456 = arith.addf %add3A_338, %select_n3A_455 : vector<8x128xf32>
      %ge3A_457 = arith.constant 0.847297847 : f32
      %ge3A_458 = vector.broadcast %ge3A_457 : f32 to vector<8x128xf32>
      %ge3A_459 = arith.cmpf oge, %select_n3A_385, %ge3A_458 : vector<8x128xf32>
      %convert_element_type3A_460 = arith.extui %ge3A_459 : vector<8x128xi1> to vector<8x128xi32>
      %convert_element_type3A_461 = arith.sitofp %convert_element_type3A_460 : vector<8x128xi32> to vector<8x128xf32>
      %add3A_462 = arith.addf %add3A_344, %convert_element_type3A_461 : vector<8x128xf32>
      %jit3A_463 = arith.constant 0.000000e+00 : f32
      %broadcast_in_dim3A_464 = vector.broadcast %jit3A_463 : f32 to vector<8x128xf32>
      %select_n3A_465 = arith.select %ge3A_459, %add3A_395, %broadcast_in_dim3A_464 : vector<8x128xi1>, vector<8x128xf32>
      %add3A_466 = arith.addf %add3A_348, %select_n3A_465 : vector<8x128xf32>
      %ge3A_467 = arith.constant 1.38629436 : f32
      %ge3A_468 = vector.broadcast %ge3A_467 : f32 to vector<8x128xf32>
      %ge3A_469 = arith.cmpf oge, %select_n3A_385, %ge3A_468 : vector<8x128xf32>
      %convert_element_type3A_470 = arith.extui %ge3A_469 : vector<8x128xi1> to vector<8x128xi32>
      %convert_element_type3A_471 = arith.sitofp %convert_element_type3A_470 : vector<8x128xi32> to vector<8x128xf32>
      %add3A_472 = arith.addf %add3A_354, %convert_element_type3A_471 : vector<8x128xf32>
      %jit3A_473 = arith.constant 0.000000e+00 : f32
      %broadcast_in_dim3A_474 = vector.broadcast %jit3A_473 : f32 to vector<8x128xf32>
      %select_n3A_475 = arith.select %ge3A_469, %add3A_395, %broadcast_in_dim3A_474 : vector<8x128xi1>, vector<8x128xf32>
      %add3A_476 = arith.addf %add3A_358, %select_n3A_475 : vector<8x128xf32>
      %ge3A_477 = arith.constant 2.19722462 : f32
      %ge3A_478 = vector.broadcast %ge3A_477 : f32 to vector<8x128xf32>
      %ge3A_479 = arith.cmpf oge, %select_n3A_385, %ge3A_478 : vector<8x128xf32>
      %convert_element_type3A_480 = arith.extui %ge3A_479 : vector<8x128xi1> to vector<8x128xi32>
      %convert_element_type3A_481 = arith.sitofp %convert_element_type3A_480 : vector<8x128xi32> to vector<8x128xf32>
      %add3A_482 = arith.addf %add3A_364, %convert_element_type3A_481 : vector<8x128xf32>
      %jit3A_483 = arith.constant 0.000000e+00 : f32
      %broadcast_in_dim3A_484 = vector.broadcast %jit3A_483 : f32 to vector<8x128xf32>
      %select_n3A_485 = arith.select %ge3A_479, %add3A_395, %broadcast_in_dim3A_484 : vector<8x128xi1>, vector<8x128xf32>
      %add3A_486 = arith.addf %add3A_368, %select_n3A_485 : vector<8x128xf32>
      %mul3A_487 = arith.constant 8 : i32
      %mul3A_488 = arith.muli %scan3A_126, %mul3A_487 : i32
      %get3A_489 = arith.index_cast %mul3A_488 : i32 to index
      %get3A_490 = arith.constant 384 : index
      %get3A_491 = vector.load %arg1[%get3A_489, %get3A_490] : memref<256x1000xf32, #tpu.memory_space<vmem>>, vector<8x128xf32>
      %mul3A_492 = arith.constant 8 : i32
      %mul3A_493 = arith.muli %scan3A_126, %mul3A_492 : i32
      %get3A_494 = arith.index_cast %mul3A_493 : i32 to index
      %get3A_495 = arith.constant 384 : index
      %get3A_496 = vector.load %arg2[%get3A_494, %get3A_495] : memref<256x1000xf32, #tpu.memory_space<vmem>>, vector<8x128xf32>
      %gt3A_497 = arith.constant 5.000000e-01 : f32
      %gt3A_498 = vector.broadcast %gt3A_497 : f32 to vector<8x128xf32>
      %gt3A_499 = arith.cmpf ogt, %get3A_496, %gt3A_498 : vector<8x128xf32>
      %neg3A_500 = arith.constant 0.000000e+00 : f32
      %neg3A_501 = vector.broadcast %neg3A_500 : f32 to vector<8x128xf32>
      %neg3A_502 = arith.subf %neg3A_501, %get3A_491 : vector<8x128xf32>
      %select_n3A_503 = arith.select %gt3A_499, %neg3A_502, %get3A_491 : vector<8x128xi1>, vector<8x128xf32>
      %max3A_504 = arith.constant 0.000000e+00 : f32
      %max3A_505 = vector.broadcast %max3A_504 : f32 to vector<8x128xf32>
      %max3A_506 = arith.maximumf %select_n3A_503, %max3A_505 : vector<8x128xf32>
      %abs3A_507 = math.absf %select_n3A_503 : vector<8x128xf32>
      %neg3A_508 = arith.constant 0.000000e+00 : f32
      %neg3A_509 = vector.broadcast %neg3A_508 : f32 to vector<8x128xf32>
      %neg3A_510 = arith.subf %neg3A_509, %abs3A_507 : vector<8x128xf32>
      %exp3A_511 = math.exp %neg3A_510 : vector<8x128xf32>
      %log1p3A_512 = math.log1p %exp3A_511 : vector<8x128xf32>
      %add3A_513 = arith.addf %max3A_506, %log1p3A_512 : vector<8x128xf32>
      %add3A_514 = arith.addf %add3A_396, %add3A_513 : vector<8x128xf32>
      %ge3A_515 = arith.constant -2.19722462 : f32
      %ge3A_516 = vector.broadcast %ge3A_515 : f32 to vector<8x128xf32>
      %ge3A_517 = arith.cmpf oge, %select_n3A_503, %ge3A_516 : vector<8x128xf32>
      %convert_element_type3A_518 = arith.extui %ge3A_517 : vector<8x128xi1> to vector<8x128xi32>
      %convert_element_type3A_519 = arith.sitofp %convert_element_type3A_518 : vector<8x128xi32> to vector<8x128xf32>
      %add3A_520 = arith.addf %add3A_402, %convert_element_type3A_519 : vector<8x128xf32>
      %jit3A_521 = arith.constant 0.000000e+00 : f32
      %broadcast_in_dim3A_522 = vector.broadcast %jit3A_521 : f32 to vector<8x128xf32>
      %select_n3A_523 = arith.select %ge3A_517, %add3A_513, %broadcast_in_dim3A_522 : vector<8x128xi1>, vector<8x128xf32>
      %add3A_524 = arith.addf %add3A_406, %select_n3A_523 : vector<8x128xf32>
      %ge3A_525 = arith.constant -1.38629436 : f32
      %ge3A_526 = vector.broadcast %ge3A_525 : f32 to vector<8x128xf32>
      %ge3A_527 = arith.cmpf oge, %select_n3A_503, %ge3A_526 : vector<8x128xf32>
      %convert_element_type3A_528 = arith.extui %ge3A_527 : vector<8x128xi1> to vector<8x128xi32>
      %convert_element_type3A_529 = arith.sitofp %convert_element_type3A_528 : vector<8x128xi32> to vector<8x128xf32>
      %add3A_530 = arith.addf %add3A_412, %convert_element_type3A_529 : vector<8x128xf32>
      %jit3A_531 = arith.constant 0.000000e+00 : f32
      %broadcast_in_dim3A_532 = vector.broadcast %jit3A_531 : f32 to vector<8x128xf32>
      %select_n3A_533 = arith.select %ge3A_527, %add3A_513, %broadcast_in_dim3A_532 : vector<8x128xi1>, vector<8x128xf32>
      %add3A_534 = arith.addf %add3A_416, %select_n3A_533 : vector<8x128xf32>
      %ge3A_535 = arith.constant -0.847297847 : f32
      %ge3A_536 = vector.broadcast %ge3A_535 : f32 to vector<8x128xf32>
      %ge3A_537 = arith.cmpf oge, %select_n3A_503, %ge3A_536 : vector<8x128xf32>
      %convert_element_type3A_538 = arith.extui %ge3A_537 : vector<8x128xi1> to vector<8x128xi32>
      %convert_element_type3A_539 = arith.sitofp %convert_element_type3A_538 : vector<8x128xi32> to vector<8x128xf32>
      %add3A_540 = arith.addf %add3A_422, %convert_element_type3A_539 : vector<8x128xf32>
      %jit3A_541 = arith.constant 0.000000e+00 : f32
      %broadcast_in_dim3A_542 = vector.broadcast %jit3A_541 : f32 to vector<8x128xf32>
      %select_n3A_543 = arith.select %ge3A_537, %add3A_513, %broadcast_in_dim3A_542 : vector<8x128xi1>, vector<8x128xf32>
      %add3A_544 = arith.addf %add3A_426, %select_n3A_543 : vector<8x128xf32>
      %ge3A_545 = arith.constant -0.405465096 : f32
      %ge3A_546 = vector.broadcast %ge3A_545 : f32 to vector<8x128xf32>
      %ge3A_547 = arith.cmpf oge, %select_n3A_503, %ge3A_546 : vector<8x128xf32>
      %convert_element_type3A_548 = arith.extui %ge3A_547 : vector<8x128xi1> to vector<8x128xi32>
      %convert_element_type3A_549 = arith.sitofp %convert_element_type3A_548 : vector<8x128xi32> to vector<8x128xf32>
      %add3A_550 = arith.addf %add3A_432, %convert_element_type3A_549 : vector<8x128xf32>
      %jit3A_551 = arith.constant 0.000000e+00 : f32
      %broadcast_in_dim3A_552 = vector.broadcast %jit3A_551 : f32 to vector<8x128xf32>
      %select_n3A_553 = arith.select %ge3A_547, %add3A_513, %broadcast_in_dim3A_552 : vector<8x128xi1>, vector<8x128xf32>
      %add3A_554 = arith.addf %add3A_436, %select_n3A_553 : vector<8x128xf32>
      %ge3A_555 = arith.constant 0.000000e+00 : f32
      %ge3A_556 = vector.broadcast %ge3A_555 : f32 to vector<8x128xf32>
      %ge3A_557 = arith.cmpf oge, %select_n3A_503, %ge3A_556 : vector<8x128xf32>
      %convert_element_type3A_558 = arith.extui %ge3A_557 : vector<8x128xi1> to vector<8x128xi32>
      %convert_element_type3A_559 = arith.sitofp %convert_element_type3A_558 : vector<8x128xi32> to vector<8x128xf32>
      %add3A_560 = arith.addf %add3A_442, %convert_element_type3A_559 : vector<8x128xf32>
      %jit3A_561 = arith.constant 0.000000e+00 : f32
      %broadcast_in_dim3A_562 = vector.broadcast %jit3A_561 : f32 to vector<8x128xf32>
      %select_n3A_563 = arith.select %ge3A_557, %add3A_513, %broadcast_in_dim3A_562 : vector<8x128xi1>, vector<8x128xf32>
      %add3A_564 = arith.addf %add3A_446, %select_n3A_563 : vector<8x128xf32>
      %ge3A_565 = arith.constant 0.405465096 : f32
      %ge3A_566 = vector.broadcast %ge3A_565 : f32 to vector<8x128xf32>
      %ge3A_567 = arith.cmpf oge, %select_n3A_503, %ge3A_566 : vector<8x128xf32>
      %convert_element_type3A_568 = arith.extui %ge3A_567 : vector<8x128xi1> to vector<8x128xi32>
      %convert_element_type3A_569 = arith.sitofp %convert_element_type3A_568 : vector<8x128xi32> to vector<8x128xf32>
      %add3A_570 = arith.addf %add3A_452, %convert_element_type3A_569 : vector<8x128xf32>
      %jit3A_571 = arith.constant 0.000000e+00 : f32
      %broadcast_in_dim3A_572 = vector.broadcast %jit3A_571 : f32 to vector<8x128xf32>
      %select_n3A_573 = arith.select %ge3A_567, %add3A_513, %broadcast_in_dim3A_572 : vector<8x128xi1>, vector<8x128xf32>
      %add3A_574 = arith.addf %add3A_456, %select_n3A_573 : vector<8x128xf32>
      %ge3A_575 = arith.constant 0.847297847 : f32
      %ge3A_576 = vector.broadcast %ge3A_575 : f32 to vector<8x128xf32>
      %ge3A_577 = arith.cmpf oge, %select_n3A_503, %ge3A_576 : vector<8x128xf32>
      %convert_element_type3A_578 = arith.extui %ge3A_577 : vector<8x128xi1> to vector<8x128xi32>
      %convert_element_type3A_579 = arith.sitofp %convert_element_type3A_578 : vector<8x128xi32> to vector<8x128xf32>
      %add3A_580 = arith.addf %add3A_462, %convert_element_type3A_579 : vector<8x128xf32>
      %jit3A_581 = arith.constant 0.000000e+00 : f32
      %broadcast_in_dim3A_582 = vector.broadcast %jit3A_581 : f32 to vector<8x128xf32>
      %select_n3A_583 = arith.select %ge3A_577, %add3A_513, %broadcast_in_dim3A_582 : vector<8x128xi1>, vector<8x128xf32>
      %add3A_584 = arith.addf %add3A_466, %select_n3A_583 : vector<8x128xf32>
      %ge3A_585 = arith.constant 1.38629436 : f32
      %ge3A_586 = vector.broadcast %ge3A_585 : f32 to vector<8x128xf32>
      %ge3A_587 = arith.cmpf oge, %select_n3A_503, %ge3A_586 : vector<8x128xf32>
      %convert_element_type3A_588 = arith.extui %ge3A_587 : vector<8x128xi1> to vector<8x128xi32>
      %convert_element_type3A_589 = arith.sitofp %convert_element_type3A_588 : vector<8x128xi32> to vector<8x128xf32>
      %add3A_590 = arith.addf %add3A_472, %convert_element_type3A_589 : vector<8x128xf32>
      %jit3A_591 = arith.constant 0.000000e+00 : f32
      %broadcast_in_dim3A_592 = vector.broadcast %jit3A_591 : f32 to vector<8x128xf32>
      %select_n3A_593 = arith.select %ge3A_587, %add3A_513, %broadcast_in_dim3A_592 : vector<8x128xi1>, vector<8x128xf32>
      %add3A_594 = arith.addf %add3A_476, %select_n3A_593 : vector<8x128xf32>
      %ge3A_595 = arith.constant 2.19722462 : f32
      %ge3A_596 = vector.broadcast %ge3A_595 : f32 to vector<8x128xf32>
      %ge3A_597 = arith.cmpf oge, %select_n3A_503, %ge3A_596 : vector<8x128xf32>
      %convert_element_type3A_598 = arith.extui %ge3A_597 : vector<8x128xi1> to vector<8x128xi32>
      %convert_element_type3A_599 = arith.sitofp %convert_element_type3A_598 : vector<8x128xi32> to vector<8x128xf32>
      %add3A_600 = arith.addf %add3A_482, %convert_element_type3A_599 : vector<8x128xf32>
      %jit3A_601 = arith.constant 0.000000e+00 : f32
      %broadcast_in_dim3A_602 = vector.broadcast %jit3A_601 : f32 to vector<8x128xf32>
      %select_n3A_603 = arith.select %ge3A_597, %add3A_513, %broadcast_in_dim3A_602 : vector<8x128xi1>, vector<8x128xf32>
      %add3A_604 = arith.addf %add3A_486, %select_n3A_603 : vector<8x128xf32>
      %mul3A_605 = arith.constant 8 : i32
      %mul3A_606 = arith.muli %scan3A_126, %mul3A_605 : i32
      %get3A_607 = arith.index_cast %mul3A_606 : i32 to index
      %get3A_608 = arith.constant 512 : index
      %get3A_609 = vector.load %arg1[%get3A_607, %get3A_608] : memref<256x1000xf32, #tpu.memory_space<vmem>>, vector<8x128xf32>
      %mul3A_610 = arith.constant 8 : i32
      %mul3A_611 = arith.muli %scan3A_126, %mul3A_610 : i32
      %get3A_612 = arith.index_cast %mul3A_611 : i32 to index
      %get3A_613 = arith.constant 512 : index
      %get3A_614 = vector.load %arg2[%get3A_612, %get3A_613] : memref<256x1000xf32, #tpu.memory_space<vmem>>, vector<8x128xf32>
      %gt3A_615 = arith.constant 5.000000e-01 : f32
      %gt3A_616 = vector.broadcast %gt3A_615 : f32 to vector<8x128xf32>
      %gt3A_617 = arith.cmpf ogt, %get3A_614, %gt3A_616 : vector<8x128xf32>
      %neg3A_618 = arith.constant 0.000000e+00 : f32
      %neg3A_619 = vector.broadcast %neg3A_618 : f32 to vector<8x128xf32>
      %neg3A_620 = arith.subf %neg3A_619, %get3A_609 : vector<8x128xf32>
      %select_n3A_621 = arith.select %gt3A_617, %neg3A_620, %get3A_609 : vector<8x128xi1>, vector<8x128xf32>
      %max3A_622 = arith.constant 0.000000e+00 : f32
      %max3A_623 = vector.broadcast %max3A_622 : f32 to vector<8x128xf32>
      %max3A_624 = arith.maximumf %select_n3A_621, %max3A_623 : vector<8x128xf32>
      %abs3A_625 = math.absf %select_n3A_621 : vector<8x128xf32>
      %neg3A_626 = arith.constant 0.000000e+00 : f32
      %neg3A_627 = vector.broadcast %neg3A_626 : f32 to vector<8x128xf32>
      %neg3A_628 = arith.subf %neg3A_627, %abs3A_625 : vector<8x128xf32>
      %exp3A_629 = math.exp %neg3A_628 : vector<8x128xf32>
      %log1p3A_630 = math.log1p %exp3A_629 : vector<8x128xf32>
      %add3A_631 = arith.addf %max3A_624, %log1p3A_630 : vector<8x128xf32>
      %add3A_632 = arith.addf %add3A_514, %add3A_631 : vector<8x128xf32>
      %ge3A_633 = arith.constant -2.19722462 : f32
      %ge3A_634 = vector.broadcast %ge3A_633 : f32 to vector<8x128xf32>
      %ge3A_635 = arith.cmpf oge, %select_n3A_621, %ge3A_634 : vector<8x128xf32>
      %convert_element_type3A_636 = arith.extui %ge3A_635 : vector<8x128xi1> to vector<8x128xi32>
      %convert_element_type3A_637 = arith.sitofp %convert_element_type3A_636 : vector<8x128xi32> to vector<8x128xf32>
      %add3A_638 = arith.addf %add3A_520, %convert_element_type3A_637 : vector<8x128xf32>
      %jit3A_639 = arith.constant 0.000000e+00 : f32
      %broadcast_in_dim3A_640 = vector.broadcast %jit3A_639 : f32 to vector<8x128xf32>
      %select_n3A_641 = arith.select %ge3A_635, %add3A_631, %broadcast_in_dim3A_640 : vector<8x128xi1>, vector<8x128xf32>
      %add3A_642 = arith.addf %add3A_524, %select_n3A_641 : vector<8x128xf32>
      %ge3A_643 = arith.constant -1.38629436 : f32
      %ge3A_644 = vector.broadcast %ge3A_643 : f32 to vector<8x128xf32>
      %ge3A_645 = arith.cmpf oge, %select_n3A_621, %ge3A_644 : vector<8x128xf32>
      %convert_element_type3A_646 = arith.extui %ge3A_645 : vector<8x128xi1> to vector<8x128xi32>
      %convert_element_type3A_647 = arith.sitofp %convert_element_type3A_646 : vector<8x128xi32> to vector<8x128xf32>
      %add3A_648 = arith.addf %add3A_530, %convert_element_type3A_647 : vector<8x128xf32>
      %jit3A_649 = arith.constant 0.000000e+00 : f32
      %broadcast_in_dim3A_650 = vector.broadcast %jit3A_649 : f32 to vector<8x128xf32>
      %select_n3A_651 = arith.select %ge3A_645, %add3A_631, %broadcast_in_dim3A_650 : vector<8x128xi1>, vector<8x128xf32>
      %add3A_652 = arith.addf %add3A_534, %select_n3A_651 : vector<8x128xf32>
      %ge3A_653 = arith.constant -0.847297847 : f32
      %ge3A_654 = vector.broadcast %ge3A_653 : f32 to vector<8x128xf32>
      %ge3A_655 = arith.cmpf oge, %select_n3A_621, %ge3A_654 : vector<8x128xf32>
      %convert_element_type3A_656 = arith.extui %ge3A_655 : vector<8x128xi1> to vector<8x128xi32>
      %convert_element_type3A_657 = arith.sitofp %convert_element_type3A_656 : vector<8x128xi32> to vector<8x128xf32>
      %add3A_658 = arith.addf %add3A_540, %convert_element_type3A_657 : vector<8x128xf32>
      %jit3A_659 = arith.constant 0.000000e+00 : f32
      %broadcast_in_dim3A_660 = vector.broadcast %jit3A_659 : f32 to vector<8x128xf32>
      %select_n3A_661 = arith.select %ge3A_655, %add3A_631, %broadcast_in_dim3A_660 : vector<8x128xi1>, vector<8x128xf32>
      %add3A_662 = arith.addf %add3A_544, %select_n3A_661 : vector<8x128xf32>
      %ge3A_663 = arith.constant -0.405465096 : f32
      %ge3A_664 = vector.broadcast %ge3A_663 : f32 to vector<8x128xf32>
      %ge3A_665 = arith.cmpf oge, %select_n3A_621, %ge3A_664 : vector<8x128xf32>
      %convert_element_type3A_666 = arith.extui %ge3A_665 : vector<8x128xi1> to vector<8x128xi32>
      %convert_element_type3A_667 = arith.sitofp %convert_element_type3A_666 : vector<8x128xi32> to vector<8x128xf32>
      %add3A_668 = arith.addf %add3A_550, %convert_element_type3A_667 : vector<8x128xf32>
      %jit3A_669 = arith.constant 0.000000e+00 : f32
      %broadcast_in_dim3A_670 = vector.broadcast %jit3A_669 : f32 to vector<8x128xf32>
      %select_n3A_671 = arith.select %ge3A_665, %add3A_631, %broadcast_in_dim3A_670 : vector<8x128xi1>, vector<8x128xf32>
      %add3A_672 = arith.addf %add3A_554, %select_n3A_671 : vector<8x128xf32>
      %ge3A_673 = arith.constant 0.000000e+00 : f32
      %ge3A_674 = vector.broadcast %ge3A_673 : f32 to vector<8x128xf32>
      %ge3A_675 = arith.cmpf oge, %select_n3A_621, %ge3A_674 : vector<8x128xf32>
      %convert_element_type3A_676 = arith.extui %ge3A_675 : vector<8x128xi1> to vector<8x128xi32>
      %convert_element_type3A_677 = arith.sitofp %convert_element_type3A_676 : vector<8x128xi32> to vector<8x128xf32>
      %add3A_678 = arith.addf %add3A_560, %convert_element_type3A_677 : vector<8x128xf32>
      %jit3A_679 = arith.constant 0.000000e+00 : f32
      %broadcast_in_dim3A_680 = vector.broadcast %jit3A_679 : f32 to vector<8x128xf32>
      %select_n3A_681 = arith.select %ge3A_675, %add3A_631, %broadcast_in_dim3A_680 : vector<8x128xi1>, vector<8x128xf32>
      %add3A_682 = arith.addf %add3A_564, %select_n3A_681 : vector<8x128xf32>
      %ge3A_683 = arith.constant 0.405465096 : f32
      %ge3A_684 = vector.broadcast %ge3A_683 : f32 to vector<8x128xf32>
      %ge3A_685 = arith.cmpf oge, %select_n3A_621, %ge3A_684 : vector<8x128xf32>
      %convert_element_type3A_686 = arith.extui %ge3A_685 : vector<8x128xi1> to vector<8x128xi32>
      %convert_element_type3A_687 = arith.sitofp %convert_element_type3A_686 : vector<8x128xi32> to vector<8x128xf32>
      %add3A_688 = arith.addf %add3A_570, %convert_element_type3A_687 : vector<8x128xf32>
      %jit3A_689 = arith.constant 0.000000e+00 : f32
      %broadcast_in_dim3A_690 = vector.broadcast %jit3A_689 : f32 to vector<8x128xf32>
      %select_n3A_691 = arith.select %ge3A_685, %add3A_631, %broadcast_in_dim3A_690 : vector<8x128xi1>, vector<8x128xf32>
      %add3A_692 = arith.addf %add3A_574, %select_n3A_691 : vector<8x128xf32>
      %ge3A_693 = arith.constant 0.847297847 : f32
      %ge3A_694 = vector.broadcast %ge3A_693 : f32 to vector<8x128xf32>
      %ge3A_695 = arith.cmpf oge, %select_n3A_621, %ge3A_694 : vector<8x128xf32>
      %convert_element_type3A_696 = arith.extui %ge3A_695 : vector<8x128xi1> to vector<8x128xi32>
      %convert_element_type3A_697 = arith.sitofp %convert_element_type3A_696 : vector<8x128xi32> to vector<8x128xf32>
      %add3A_698 = arith.addf %add3A_580, %convert_element_type3A_697 : vector<8x128xf32>
      %jit3A_699 = arith.constant 0.000000e+00 : f32
      %broadcast_in_dim3A_700 = vector.broadcast %jit3A_699 : f32 to vector<8x128xf32>
      %select_n3A_701 = arith.select %ge3A_695, %add3A_631, %broadcast_in_dim3A_700 : vector<8x128xi1>, vector<8x128xf32>
      %add3A_702 = arith.addf %add3A_584, %select_n3A_701 : vector<8x128xf32>
      %ge3A_703 = arith.constant 1.38629436 : f32
      %ge3A_704 = vector.broadcast %ge3A_703 : f32 to vector<8x128xf32>
      %ge3A_705 = arith.cmpf oge, %select_n3A_621, %ge3A_704 : vector<8x128xf32>
      %convert_element_type3A_706 = arith.extui %ge3A_705 : vector<8x128xi1> to vector<8x128xi32>
      %convert_element_type3A_707 = arith.sitofp %convert_element_type3A_706 : vector<8x128xi32> to vector<8x128xf32>
      %add3A_708 = arith.addf %add3A_590, %convert_element_type3A_707 : vector<8x128xf32>
      %jit3A_709 = arith.constant 0.000000e+00 : f32
      %broadcast_in_dim3A_710 = vector.broadcast %jit3A_709 : f32 to vector<8x128xf32>
      %select_n3A_711 = arith.select %ge3A_705, %add3A_631, %broadcast_in_dim3A_710 : vector<8x128xi1>, vector<8x128xf32>
      %add3A_712 = arith.addf %add3A_594, %select_n3A_711 : vector<8x128xf32>
      %ge3A_713 = arith.constant 2.19722462 : f32
      %ge3A_714 = vector.broadcast %ge3A_713 : f32 to vector<8x128xf32>
      %ge3A_715 = arith.cmpf oge, %select_n3A_621, %ge3A_714 : vector<8x128xf32>
      %convert_element_type3A_716 = arith.extui %ge3A_715 : vector<8x128xi1> to vector<8x128xi32>
      %convert_element_type3A_717 = arith.sitofp %convert_element_type3A_716 : vector<8x128xi32> to vector<8x128xf32>
      %add3A_718 = arith.addf %add3A_600, %convert_element_type3A_717 : vector<8x128xf32>
      %jit3A_719 = arith.constant 0.000000e+00 : f32
      %broadcast_in_dim3A_720 = vector.broadcast %jit3A_719 : f32 to vector<8x128xf32>
      %select_n3A_721 = arith.select %ge3A_715, %add3A_631, %broadcast_in_dim3A_720 : vector<8x128xi1>, vector<8x128xf32>
      %add3A_722 = arith.addf %add3A_604, %select_n3A_721 : vector<8x128xf32>
      %mul3A_723 = arith.constant 8 : i32
      %mul3A_724 = arith.muli %scan3A_126, %mul3A_723 : i32
      %get3A_725 = arith.index_cast %mul3A_724 : i32 to index
      %get3A_726 = arith.constant 640 : index
      %get3A_727 = vector.load %arg1[%get3A_725, %get3A_726] : memref<256x1000xf32, #tpu.memory_space<vmem>>, vector<8x128xf32>
      %mul3A_728 = arith.constant 8 : i32
      %mul3A_729 = arith.muli %scan3A_126, %mul3A_728 : i32
      %get3A_730 = arith.index_cast %mul3A_729 : i32 to index
      %get3A_731 = arith.constant 640 : index
      %get3A_732 = vector.load %arg2[%get3A_730, %get3A_731] : memref<256x1000xf32, #tpu.memory_space<vmem>>, vector<8x128xf32>
      %gt3A_733 = arith.constant 5.000000e-01 : f32
      %gt3A_734 = vector.broadcast %gt3A_733 : f32 to vector<8x128xf32>
      %gt3A_735 = arith.cmpf ogt, %get3A_732, %gt3A_734 : vector<8x128xf32>
      %neg3A_736 = arith.constant 0.000000e+00 : f32
      %neg3A_737 = vector.broadcast %neg3A_736 : f32 to vector<8x128xf32>
      %neg3A_738 = arith.subf %neg3A_737, %get3A_727 : vector<8x128xf32>
      %select_n3A_739 = arith.select %gt3A_735, %neg3A_738, %get3A_727 : vector<8x128xi1>, vector<8x128xf32>
      %max3A_740 = arith.constant 0.000000e+00 : f32
      %max3A_741 = vector.broadcast %max3A_740 : f32 to vector<8x128xf32>
      %max3A_742 = arith.maximumf %select_n3A_739, %max3A_741 : vector<8x128xf32>
      %abs3A_743 = math.absf %select_n3A_739 : vector<8x128xf32>
      %neg3A_744 = arith.constant 0.000000e+00 : f32
      %neg3A_745 = vector.broadcast %neg3A_744 : f32 to vector<8x128xf32>
      %neg3A_746 = arith.subf %neg3A_745, %abs3A_743 : vector<8x128xf32>
      %exp3A_747 = math.exp %neg3A_746 : vector<8x128xf32>
      %log1p3A_748 = math.log1p %exp3A_747 : vector<8x128xf32>
      %add3A_749 = arith.addf %max3A_742, %log1p3A_748 : vector<8x128xf32>
      %add3A_750 = arith.addf %add3A_632, %add3A_749 : vector<8x128xf32>
      %ge3A_751 = arith.constant -2.19722462 : f32
      %ge3A_752 = vector.broadcast %ge3A_751 : f32 to vector<8x128xf32>
      %ge3A_753 = arith.cmpf oge, %select_n3A_739, %ge3A_752 : vector<8x128xf32>
      %convert_element_type3A_754 = arith.extui %ge3A_753 : vector<8x128xi1> to vector<8x128xi32>
      %convert_element_type3A_755 = arith.sitofp %convert_element_type3A_754 : vector<8x128xi32> to vector<8x128xf32>
      %add3A_756 = arith.addf %add3A_638, %convert_element_type3A_755 : vector<8x128xf32>
      %jit3A_757 = arith.constant 0.000000e+00 : f32
      %broadcast_in_dim3A_758 = vector.broadcast %jit3A_757 : f32 to vector<8x128xf32>
      %select_n3A_759 = arith.select %ge3A_753, %add3A_749, %broadcast_in_dim3A_758 : vector<8x128xi1>, vector<8x128xf32>
      %add3A_760 = arith.addf %add3A_642, %select_n3A_759 : vector<8x128xf32>
      %ge3A_761 = arith.constant -1.38629436 : f32
      %ge3A_762 = vector.broadcast %ge3A_761 : f32 to vector<8x128xf32>
      %ge3A_763 = arith.cmpf oge, %select_n3A_739, %ge3A_762 : vector<8x128xf32>
      %convert_element_type3A_764 = arith.extui %ge3A_763 : vector<8x128xi1> to vector<8x128xi32>
      %convert_element_type3A_765 = arith.sitofp %convert_element_type3A_764 : vector<8x128xi32> to vector<8x128xf32>
      %add3A_766 = arith.addf %add3A_648, %convert_element_type3A_765 : vector<8x128xf32>
      %jit3A_767 = arith.constant 0.000000e+00 : f32
      %broadcast_in_dim3A_768 = vector.broadcast %jit3A_767 : f32 to vector<8x128xf32>
      %select_n3A_769 = arith.select %ge3A_763, %add3A_749, %broadcast_in_dim3A_768 : vector<8x128xi1>, vector<8x128xf32>
      %add3A_770 = arith.addf %add3A_652, %select_n3A_769 : vector<8x128xf32>
      %ge3A_771 = arith.constant -0.847297847 : f32
      %ge3A_772 = vector.broadcast %ge3A_771 : f32 to vector<8x128xf32>
      %ge3A_773 = arith.cmpf oge, %select_n3A_739, %ge3A_772 : vector<8x128xf32>
      %convert_element_type3A_774 = arith.extui %ge3A_773 : vector<8x128xi1> to vector<8x128xi32>
      %convert_element_type3A_775 = arith.sitofp %convert_element_type3A_774 : vector<8x128xi32> to vector<8x128xf32>
      %add3A_776 = arith.addf %add3A_658, %convert_element_type3A_775 : vector<8x128xf32>
      %jit3A_777 = arith.constant 0.000000e+00 : f32
      %broadcast_in_dim3A_778 = vector.broadcast %jit3A_777 : f32 to vector<8x128xf32>
      %select_n3A_779 = arith.select %ge3A_773, %add3A_749, %broadcast_in_dim3A_778 : vector<8x128xi1>, vector<8x128xf32>
      %add3A_780 = arith.addf %add3A_662, %select_n3A_779 : vector<8x128xf32>
      %ge3A_781 = arith.constant -0.405465096 : f32
      %ge3A_782 = vector.broadcast %ge3A_781 : f32 to vector<8x128xf32>
      %ge3A_783 = arith.cmpf oge, %select_n3A_739, %ge3A_782 : vector<8x128xf32>
      %convert_element_type3A_784 = arith.extui %ge3A_783 : vector<8x128xi1> to vector<8x128xi32>
      %convert_element_type3A_785 = arith.sitofp %convert_element_type3A_784 : vector<8x128xi32> to vector<8x128xf32>
      %add3A_786 = arith.addf %add3A_668, %convert_element_type3A_785 : vector<8x128xf32>
      %jit3A_787 = arith.constant 0.000000e+00 : f32
      %broadcast_in_dim3A_788 = vector.broadcast %jit3A_787 : f32 to vector<8x128xf32>
      %select_n3A_789 = arith.select %ge3A_783, %add3A_749, %broadcast_in_dim3A_788 : vector<8x128xi1>, vector<8x128xf32>
      %add3A_790 = arith.addf %add3A_672, %select_n3A_789 : vector<8x128xf32>
      %ge3A_791 = arith.constant 0.000000e+00 : f32
      %ge3A_792 = vector.broadcast %ge3A_791 : f32 to vector<8x128xf32>
      %ge3A_793 = arith.cmpf oge, %select_n3A_739, %ge3A_792 : vector<8x128xf32>
      %convert_element_type3A_794 = arith.extui %ge3A_793 : vector<8x128xi1> to vector<8x128xi32>
      %convert_element_type3A_795 = arith.sitofp %convert_element_type3A_794 : vector<8x128xi32> to vector<8x128xf32>
      %add3A_796 = arith.addf %add3A_678, %convert_element_type3A_795 : vector<8x128xf32>
      %jit3A_797 = arith.constant 0.000000e+00 : f32
      %broadcast_in_dim3A_798 = vector.broadcast %jit3A_797 : f32 to vector<8x128xf32>
      %select_n3A_799 = arith.select %ge3A_793, %add3A_749, %broadcast_in_dim3A_798 : vector<8x128xi1>, vector<8x128xf32>
      %add3A_800 = arith.addf %add3A_682, %select_n3A_799 : vector<8x128xf32>
      %ge3A_801 = arith.constant 0.405465096 : f32
      %ge3A_802 = vector.broadcast %ge3A_801 : f32 to vector<8x128xf32>
      %ge3A_803 = arith.cmpf oge, %select_n3A_739, %ge3A_802 : vector<8x128xf32>
      %convert_element_type3A_804 = arith.extui %ge3A_803 : vector<8x128xi1> to vector<8x128xi32>
      %convert_element_type3A_805 = arith.sitofp %convert_element_type3A_804 : vector<8x128xi32> to vector<8x128xf32>
      %add3A_806 = arith.addf %add3A_688, %convert_element_type3A_805 : vector<8x128xf32>
      %jit3A_807 = arith.constant 0.000000e+00 : f32
      %broadcast_in_dim3A_808 = vector.broadcast %jit3A_807 : f32 to vector<8x128xf32>
      %select_n3A_809 = arith.select %ge3A_803, %add3A_749, %broadcast_in_dim3A_808 : vector<8x128xi1>, vector<8x128xf32>
      %add3A_810 = arith.addf %add3A_692, %select_n3A_809 : vector<8x128xf32>
      %ge3A_811 = arith.constant 0.847297847 : f32
      %ge3A_812 = vector.broadcast %ge3A_811 : f32 to vector<8x128xf32>
      %ge3A_813 = arith.cmpf oge, %select_n3A_739, %ge3A_812 : vector<8x128xf32>
      %convert_element_type3A_814 = arith.extui %ge3A_813 : vector<8x128xi1> to vector<8x128xi32>
      %convert_element_type3A_815 = arith.sitofp %convert_element_type3A_814 : vector<8x128xi32> to vector<8x128xf32>
      %add3A_816 = arith.addf %add3A_698, %convert_element_type3A_815 : vector<8x128xf32>
      %jit3A_817 = arith.constant 0.000000e+00 : f32
      %broadcast_in_dim3A_818 = vector.broadcast %jit3A_817 : f32 to vector<8x128xf32>
      %select_n3A_819 = arith.select %ge3A_813, %add3A_749, %broadcast_in_dim3A_818 : vector<8x128xi1>, vector<8x128xf32>
      %add3A_820 = arith.addf %add3A_702, %select_n3A_819 : vector<8x128xf32>
      %ge3A_821 = arith.constant 1.38629436 : f32
      %ge3A_822 = vector.broadcast %ge3A_821 : f32 to vector<8x128xf32>
      %ge3A_823 = arith.cmpf oge, %select_n3A_739, %ge3A_822 : vector<8x128xf32>
      %convert_element_type3A_824 = arith.extui %ge3A_823 : vector<8x128xi1> to vector<8x128xi32>
      %convert_element_type3A_825 = arith.sitofp %convert_element_type3A_824 : vector<8x128xi32> to vector<8x128xf32>
      %add3A_826 = arith.addf %add3A_708, %convert_element_type3A_825 : vector<8x128xf32>
      %jit3A_827 = arith.constant 0.000000e+00 : f32
      %broadcast_in_dim3A_828 = vector.broadcast %jit3A_827 : f32 to vector<8x128xf32>
      %select_n3A_829 = arith.select %ge3A_823, %add3A_749, %broadcast_in_dim3A_828 : vector<8x128xi1>, vector<8x128xf32>
      %add3A_830 = arith.addf %add3A_712, %select_n3A_829 : vector<8x128xf32>
      %ge3A_831 = arith.constant 2.19722462 : f32
      %ge3A_832 = vector.broadcast %ge3A_831 : f32 to vector<8x128xf32>
      %ge3A_833 = arith.cmpf oge, %select_n3A_739, %ge3A_832 : vector<8x128xf32>
      %convert_element_type3A_834 = arith.extui %ge3A_833 : vector<8x128xi1> to vector<8x128xi32>
      %convert_element_type3A_835 = arith.sitofp %convert_element_type3A_834 : vector<8x128xi32> to vector<8x128xf32>
      %add3A_836 = arith.addf %add3A_718, %convert_element_type3A_835 : vector<8x128xf32>
      %jit3A_837 = arith.constant 0.000000e+00 : f32
      %broadcast_in_dim3A_838 = vector.broadcast %jit3A_837 : f32 to vector<8x128xf32>
      %select_n3A_839 = arith.select %ge3A_833, %add3A_749, %broadcast_in_dim3A_838 : vector<8x128xi1>, vector<8x128xf32>
      %add3A_840 = arith.addf %add3A_722, %select_n3A_839 : vector<8x128xf32>
      %mul3A_841 = arith.constant 8 : i32
      %mul3A_842 = arith.muli %scan3A_126, %mul3A_841 : i32
      %get3A_843 = arith.index_cast %mul3A_842 : i32 to index
      %get3A_844 = arith.constant 768 : index
      %get3A_845 = vector.load %arg1[%get3A_843, %get3A_844] : memref<256x1000xf32, #tpu.memory_space<vmem>>, vector<8x128xf32>
      %mul3A_846 = arith.constant 8 : i32
      %mul3A_847 = arith.muli %scan3A_126, %mul3A_846 : i32
      %get3A_848 = arith.index_cast %mul3A_847 : i32 to index
      %get3A_849 = arith.constant 768 : index
      %get3A_850 = vector.load %arg2[%get3A_848, %get3A_849] : memref<256x1000xf32, #tpu.memory_space<vmem>>, vector<8x128xf32>
      %gt3A_851 = arith.constant 5.000000e-01 : f32
      %gt3A_852 = vector.broadcast %gt3A_851 : f32 to vector<8x128xf32>
      %gt3A_853 = arith.cmpf ogt, %get3A_850, %gt3A_852 : vector<8x128xf32>
      %neg3A_854 = arith.constant 0.000000e+00 : f32
      %neg3A_855 = vector.broadcast %neg3A_854 : f32 to vector<8x128xf32>
      %neg3A_856 = arith.subf %neg3A_855, %get3A_845 : vector<8x128xf32>
      %select_n3A_857 = arith.select %gt3A_853, %neg3A_856, %get3A_845 : vector<8x128xi1>, vector<8x128xf32>
      %max3A_858 = arith.constant 0.000000e+00 : f32
      %max3A_859 = vector.broadcast %max3A_858 : f32 to vector<8x128xf32>
      %max3A_860 = arith.maximumf %select_n3A_857, %max3A_859 : vector<8x128xf32>
      %abs3A_861 = math.absf %select_n3A_857 : vector<8x128xf32>
      %neg3A_862 = arith.constant 0.000000e+00 : f32
      %neg3A_863 = vector.broadcast %neg3A_862 : f32 to vector<8x128xf32>
      %neg3A_864 = arith.subf %neg3A_863, %abs3A_861 : vector<8x128xf32>
      %exp3A_865 = math.exp %neg3A_864 : vector<8x128xf32>
      %log1p3A_866 = math.log1p %exp3A_865 : vector<8x128xf32>
      %add3A_867 = arith.addf %max3A_860, %log1p3A_866 : vector<8x128xf32>
      %add3A_868 = arith.addf %add3A_750, %add3A_867 : vector<8x128xf32>
      %ge3A_869 = arith.constant -2.19722462 : f32
      %ge3A_870 = vector.broadcast %ge3A_869 : f32 to vector<8x128xf32>
      %ge3A_871 = arith.cmpf oge, %select_n3A_857, %ge3A_870 : vector<8x128xf32>
      %convert_element_type3A_872 = arith.extui %ge3A_871 : vector<8x128xi1> to vector<8x128xi32>
      %convert_element_type3A_873 = arith.sitofp %convert_element_type3A_872 : vector<8x128xi32> to vector<8x128xf32>
      %add3A_874 = arith.addf %add3A_756, %convert_element_type3A_873 : vector<8x128xf32>
      %jit3A_875 = arith.constant 0.000000e+00 : f32
      %broadcast_in_dim3A_876 = vector.broadcast %jit3A_875 : f32 to vector<8x128xf32>
      %select_n3A_877 = arith.select %ge3A_871, %add3A_867, %broadcast_in_dim3A_876 : vector<8x128xi1>, vector<8x128xf32>
      %add3A_878 = arith.addf %add3A_760, %select_n3A_877 : vector<8x128xf32>
      %ge3A_879 = arith.constant -1.38629436 : f32
      %ge3A_880 = vector.broadcast %ge3A_879 : f32 to vector<8x128xf32>
      %ge3A_881 = arith.cmpf oge, %select_n3A_857, %ge3A_880 : vector<8x128xf32>
      %convert_element_type3A_882 = arith.extui %ge3A_881 : vector<8x128xi1> to vector<8x128xi32>
      %convert_element_type3A_883 = arith.sitofp %convert_element_type3A_882 : vector<8x128xi32> to vector<8x128xf32>
      %add3A_884 = arith.addf %add3A_766, %convert_element_type3A_883 : vector<8x128xf32>
      %jit3A_885 = arith.constant 0.000000e+00 : f32
      %broadcast_in_dim3A_886 = vector.broadcast %jit3A_885 : f32 to vector<8x128xf32>
      %select_n3A_887 = arith.select %ge3A_881, %add3A_867, %broadcast_in_dim3A_886 : vector<8x128xi1>, vector<8x128xf32>
      %add3A_888 = arith.addf %add3A_770, %select_n3A_887 : vector<8x128xf32>
      %ge3A_889 = arith.constant -0.847297847 : f32
      %ge3A_890 = vector.broadcast %ge3A_889 : f32 to vector<8x128xf32>
      %ge3A_891 = arith.cmpf oge, %select_n3A_857, %ge3A_890 : vector<8x128xf32>
      %convert_element_type3A_892 = arith.extui %ge3A_891 : vector<8x128xi1> to vector<8x128xi32>
      %convert_element_type3A_893 = arith.sitofp %convert_element_type3A_892 : vector<8x128xi32> to vector<8x128xf32>
      %add3A_894 = arith.addf %add3A_776, %convert_element_type3A_893 : vector<8x128xf32>
      %jit3A_895 = arith.constant 0.000000e+00 : f32
      %broadcast_in_dim3A_896 = vector.broadcast %jit3A_895 : f32 to vector<8x128xf32>
      %select_n3A_897 = arith.select %ge3A_891, %add3A_867, %broadcast_in_dim3A_896 : vector<8x128xi1>, vector<8x128xf32>
      %add3A_898 = arith.addf %add3A_780, %select_n3A_897 : vector<8x128xf32>
      %ge3A_899 = arith.constant -0.405465096 : f32
      %ge3A_900 = vector.broadcast %ge3A_899 : f32 to vector<8x128xf32>
      %ge3A_901 = arith.cmpf oge, %select_n3A_857, %ge3A_900 : vector<8x128xf32>
      %convert_element_type3A_902 = arith.extui %ge3A_901 : vector<8x128xi1> to vector<8x128xi32>
      %convert_element_type3A_903 = arith.sitofp %convert_element_type3A_902 : vector<8x128xi32> to vector<8x128xf32>
      %add3A_904 = arith.addf %add3A_786, %convert_element_type3A_903 : vector<8x128xf32>
      %jit3A_905 = arith.constant 0.000000e+00 : f32
      %broadcast_in_dim3A_906 = vector.broadcast %jit3A_905 : f32 to vector<8x128xf32>
      %select_n3A_907 = arith.select %ge3A_901, %add3A_867, %broadcast_in_dim3A_906 : vector<8x128xi1>, vector<8x128xf32>
      %add3A_908 = arith.addf %add3A_790, %select_n3A_907 : vector<8x128xf32>
      %ge3A_909 = arith.constant 0.000000e+00 : f32
      %ge3A_910 = vector.broadcast %ge3A_909 : f32 to vector<8x128xf32>
      %ge3A_911 = arith.cmpf oge, %select_n3A_857, %ge3A_910 : vector<8x128xf32>
      %convert_element_type3A_912 = arith.extui %ge3A_911 : vector<8x128xi1> to vector<8x128xi32>
      %convert_element_type3A_913 = arith.sitofp %convert_element_type3A_912 : vector<8x128xi32> to vector<8x128xf32>
      %add3A_914 = arith.addf %add3A_796, %convert_element_type3A_913 : vector<8x128xf32>
      %jit3A_915 = arith.constant 0.000000e+00 : f32
      %broadcast_in_dim3A_916 = vector.broadcast %jit3A_915 : f32 to vector<8x128xf32>
      %select_n3A_917 = arith.select %ge3A_911, %add3A_867, %broadcast_in_dim3A_916 : vector<8x128xi1>, vector<8x128xf32>
      %add3A_918 = arith.addf %add3A_800, %select_n3A_917 : vector<8x128xf32>
      %ge3A_919 = arith.constant 0.405465096 : f32
      %ge3A_920 = vector.broadcast %ge3A_919 : f32 to vector<8x128xf32>
      %ge3A_921 = arith.cmpf oge, %select_n3A_857, %ge3A_920 : vector<8x128xf32>
      %convert_element_type3A_922 = arith.extui %ge3A_921 : vector<8x128xi1> to vector<8x128xi32>
      %convert_element_type3A_923 = arith.sitofp %convert_element_type3A_922 : vector<8x128xi32> to vector<8x128xf32>
      %add3A_924 = arith.addf %add3A_806, %convert_element_type3A_923 : vector<8x128xf32>
      %jit3A_925 = arith.constant 0.000000e+00 : f32
      %broadcast_in_dim3A_926 = vector.broadcast %jit3A_925 : f32 to vector<8x128xf32>
      %select_n3A_927 = arith.select %ge3A_921, %add3A_867, %broadcast_in_dim3A_926 : vector<8x128xi1>, vector<8x128xf32>
      %add3A_928 = arith.addf %add3A_810, %select_n3A_927 : vector<8x128xf32>
      %ge3A_929 = arith.constant 0.847297847 : f32
      %ge3A_930 = vector.broadcast %ge3A_929 : f32 to vector<8x128xf32>
      %ge3A_931 = arith.cmpf oge, %select_n3A_857, %ge3A_930 : vector<8x128xf32>
      %convert_element_type3A_932 = arith.extui %ge3A_931 : vector<8x128xi1> to vector<8x128xi32>
      %convert_element_type3A_933 = arith.sitofp %convert_element_type3A_932 : vector<8x128xi32> to vector<8x128xf32>
      %add3A_934 = arith.addf %add3A_816, %convert_element_type3A_933 : vector<8x128xf32>
      %jit3A_935 = arith.constant 0.000000e+00 : f32
      %broadcast_in_dim3A_936 = vector.broadcast %jit3A_935 : f32 to vector<8x128xf32>
      %select_n3A_937 = arith.select %ge3A_931, %add3A_867, %broadcast_in_dim3A_936 : vector<8x128xi1>, vector<8x128xf32>
      %add3A_938 = arith.addf %add3A_820, %select_n3A_937 : vector<8x128xf32>
      %ge3A_939 = arith.constant 1.38629436 : f32
      %ge3A_940 = vector.broadcast %ge3A_939 : f32 to vector<8x128xf32>
      %ge3A_941 = arith.cmpf oge, %select_n3A_857, %ge3A_940 : vector<8x128xf32>
      %convert_element_type3A_942 = arith.extui %ge3A_941 : vector<8x128xi1> to vector<8x128xi32>
      %convert_element_type3A_943 = arith.sitofp %convert_element_type3A_942 : vector<8x128xi32> to vector<8x128xf32>
      %add3A_944 = arith.addf %add3A_826, %convert_element_type3A_943 : vector<8x128xf32>
      %jit3A_945 = arith.constant 0.000000e+00 : f32
      %broadcast_in_dim3A_946 = vector.broadcast %jit3A_945 : f32 to vector<8x128xf32>
      %select_n3A_947 = arith.select %ge3A_941, %add3A_867, %broadcast_in_dim3A_946 : vector<8x128xi1>, vector<8x128xf32>
      %add3A_948 = arith.addf %add3A_830, %select_n3A_947 : vector<8x128xf32>
      %ge3A_949 = arith.constant 2.19722462 : f32
      %ge3A_950 = vector.broadcast %ge3A_949 : f32 to vector<8x128xf32>
      %ge3A_951 = arith.cmpf oge, %select_n3A_857, %ge3A_950 : vector<8x128xf32>
      %convert_element_type3A_952 = arith.extui %ge3A_951 : vector<8x128xi1> to vector<8x128xi32>
      %convert_element_type3A_953 = arith.sitofp %convert_element_type3A_952 : vector<8x128xi32> to vector<8x128xf32>
      %add3A_954 = arith.addf %add3A_836, %convert_element_type3A_953 : vector<8x128xf32>
      %jit3A_955 = arith.constant 0.000000e+00 : f32
      %broadcast_in_dim3A_956 = vector.broadcast %jit3A_955 : f32 to vector<8x128xf32>
      %select_n3A_957 = arith.select %ge3A_951, %add3A_867, %broadcast_in_dim3A_956 : vector<8x128xi1>, vector<8x128xf32>
      %add3A_958 = arith.addf %add3A_840, %select_n3A_957 : vector<8x128xf32>
      %mul3A_959 = arith.constant 8 : i32
      %mul3A_960 = arith.muli %scan3A_126, %mul3A_959 : i32
      %get3A_961 = arith.index_cast %mul3A_960 : i32 to index
      %get3A_962 = arith.constant 896 : index
      %get3A_963 = vector.load %arg1[%get3A_961, %get3A_962] : memref<256x1000xf32, #tpu.memory_space<vmem>>, vector<8x104xf32>
      %mul3A_964 = arith.constant 8 : i32
      %mul3A_965 = arith.muli %scan3A_126, %mul3A_964 : i32
      %get3A_966 = arith.index_cast %mul3A_965 : i32 to index
      %get3A_967 = arith.constant 896 : index
      %get3A_968 = vector.load %arg2[%get3A_966, %get3A_967] : memref<256x1000xf32, #tpu.memory_space<vmem>>, vector<8x104xf32>
      %broadcast_in_dim3A_969 = arith.constant 0x7F800000 : f32
      %broadcast_in_dim3A_970 = vector.broadcast %broadcast_in_dim3A_969 : f32 to vector<8x24xf32>
      %concatenate3A = tpu.concatenate %get3A_963, %broadcast_in_dim3A_970 in 1 : vector<8x104xf32>, vector<8x24xf32> -> vector<8x128xf32>
      %broadcast_in_dim3A_971 = arith.constant 1.000000e+00 : f32
      %broadcast_in_dim3A_972 = vector.broadcast %broadcast_in_dim3A_971 : f32 to vector<8x24xf32>
      %concatenate3A_973 = tpu.concatenate %get3A_968, %broadcast_in_dim3A_972 in 1 : vector<8x104xf32>, vector<8x24xf32> -> vector<8x128xf32>
      %gt3A_974 = arith.constant 5.000000e-01 : f32
      %gt3A_975 = vector.broadcast %gt3A_974 : f32 to vector<8x128xf32>
      %gt3A_976 = arith.cmpf ogt, %concatenate3A_973, %gt3A_975 : vector<8x128xf32>
      %neg3A_977 = arith.constant 0.000000e+00 : f32
      %neg3A_978 = vector.broadcast %neg3A_977 : f32 to vector<8x128xf32>
      %neg3A_979 = arith.subf %neg3A_978, %concatenate3A : vector<8x128xf32>
      %select_n3A_980 = arith.select %gt3A_976, %neg3A_979, %concatenate3A : vector<8x128xi1>, vector<8x128xf32>
      %max3A_981 = arith.constant 0.000000e+00 : f32
      %max3A_982 = vector.broadcast %max3A_981 : f32 to vector<8x128xf32>
      %max3A_983 = arith.maximumf %select_n3A_980, %max3A_982 : vector<8x128xf32>
      %abs3A_984 = math.absf %select_n3A_980 : vector<8x128xf32>
      %neg3A_985 = arith.constant 0.000000e+00 : f32
      %neg3A_986 = vector.broadcast %neg3A_985 : f32 to vector<8x128xf32>
      %neg3A_987 = arith.subf %neg3A_986, %abs3A_984 : vector<8x128xf32>
      %exp3A_988 = math.exp %neg3A_987 : vector<8x128xf32>
      %log1p3A_989 = math.log1p %exp3A_988 : vector<8x128xf32>
      %add3A_990 = arith.addf %max3A_983, %log1p3A_989 : vector<8x128xf32>
      %add3A_991 = arith.addf %add3A_868, %add3A_990 : vector<8x128xf32>
      %ge3A_992 = arith.constant -2.19722462 : f32
      %ge3A_993 = vector.broadcast %ge3A_992 : f32 to vector<8x128xf32>
      %ge3A_994 = arith.cmpf oge, %select_n3A_980, %ge3A_993 : vector<8x128xf32>
      %convert_element_type3A_995 = arith.extui %ge3A_994 : vector<8x128xi1> to vector<8x128xi32>
      %convert_element_type3A_996 = arith.sitofp %convert_element_type3A_995 : vector<8x128xi32> to vector<8x128xf32>
      %add3A_997 = arith.addf %add3A_874, %convert_element_type3A_996 : vector<8x128xf32>
      %jit3A_998 = arith.constant 0.000000e+00 : f32
      %broadcast_in_dim3A_999 = vector.broadcast %jit3A_998 : f32 to vector<8x128xf32>
      %select_n3A_1000 = arith.select %ge3A_994, %add3A_990, %broadcast_in_dim3A_999 : vector<8x128xi1>, vector<8x128xf32>
      %add3A_1001 = arith.addf %add3A_878, %select_n3A_1000 : vector<8x128xf32>
      %ge3A_1002 = arith.constant -1.38629436 : f32
      %ge3A_1003 = vector.broadcast %ge3A_1002 : f32 to vector<8x128xf32>
      %ge3A_1004 = arith.cmpf oge, %select_n3A_980, %ge3A_1003 : vector<8x128xf32>
      %convert_element_type3A_1005 = arith.extui %ge3A_1004 : vector<8x128xi1> to vector<8x128xi32>
      %convert_element_type3A_1006 = arith.sitofp %convert_element_type3A_1005 : vector<8x128xi32> to vector<8x128xf32>
      %add3A_1007 = arith.addf %add3A_884, %convert_element_type3A_1006 : vector<8x128xf32>
      %jit3A_1008 = arith.constant 0.000000e+00 : f32
      %broadcast_in_dim3A_1009 = vector.broadcast %jit3A_1008 : f32 to vector<8x128xf32>
      %select_n3A_1010 = arith.select %ge3A_1004, %add3A_990, %broadcast_in_dim3A_1009 : vector<8x128xi1>, vector<8x128xf32>
      %add3A_1011 = arith.addf %add3A_888, %select_n3A_1010 : vector<8x128xf32>
      %ge3A_1012 = arith.constant -0.847297847 : f32
      %ge3A_1013 = vector.broadcast %ge3A_1012 : f32 to vector<8x128xf32>
      %ge3A_1014 = arith.cmpf oge, %select_n3A_980, %ge3A_1013 : vector<8x128xf32>
      %convert_element_type3A_1015 = arith.extui %ge3A_1014 : vector<8x128xi1> to vector<8x128xi32>
      %convert_element_type3A_1016 = arith.sitofp %convert_element_type3A_1015 : vector<8x128xi32> to vector<8x128xf32>
      %add3A_1017 = arith.addf %add3A_894, %convert_element_type3A_1016 : vector<8x128xf32>
      %jit3A_1018 = arith.constant 0.000000e+00 : f32
      %broadcast_in_dim3A_1019 = vector.broadcast %jit3A_1018 : f32 to vector<8x128xf32>
      %select_n3A_1020 = arith.select %ge3A_1014, %add3A_990, %broadcast_in_dim3A_1019 : vector<8x128xi1>, vector<8x128xf32>
      %add3A_1021 = arith.addf %add3A_898, %select_n3A_1020 : vector<8x128xf32>
      %ge3A_1022 = arith.constant -0.405465096 : f32
      %ge3A_1023 = vector.broadcast %ge3A_1022 : f32 to vector<8x128xf32>
      %ge3A_1024 = arith.cmpf oge, %select_n3A_980, %ge3A_1023 : vector<8x128xf32>
      %convert_element_type3A_1025 = arith.extui %ge3A_1024 : vector<8x128xi1> to vector<8x128xi32>
      %convert_element_type3A_1026 = arith.sitofp %convert_element_type3A_1025 : vector<8x128xi32> to vector<8x128xf32>
      %add3A_1027 = arith.addf %add3A_904, %convert_element_type3A_1026 : vector<8x128xf32>
      %jit3A_1028 = arith.constant 0.000000e+00 : f32
      %broadcast_in_dim3A_1029 = vector.broadcast %jit3A_1028 : f32 to vector<8x128xf32>
      %select_n3A_1030 = arith.select %ge3A_1024, %add3A_990, %broadcast_in_dim3A_1029 : vector<8x128xi1>, vector<8x128xf32>
      %add3A_1031 = arith.addf %add3A_908, %select_n3A_1030 : vector<8x128xf32>
      %ge3A_1032 = arith.constant 0.000000e+00 : f32
      %ge3A_1033 = vector.broadcast %ge3A_1032 : f32 to vector<8x128xf32>
      %ge3A_1034 = arith.cmpf oge, %select_n3A_980, %ge3A_1033 : vector<8x128xf32>
      %convert_element_type3A_1035 = arith.extui %ge3A_1034 : vector<8x128xi1> to vector<8x128xi32>
      %convert_element_type3A_1036 = arith.sitofp %convert_element_type3A_1035 : vector<8x128xi32> to vector<8x128xf32>
      %add3A_1037 = arith.addf %add3A_914, %convert_element_type3A_1036 : vector<8x128xf32>
      %jit3A_1038 = arith.constant 0.000000e+00 : f32
      %broadcast_in_dim3A_1039 = vector.broadcast %jit3A_1038 : f32 to vector<8x128xf32>
      %select_n3A_1040 = arith.select %ge3A_1034, %add3A_990, %broadcast_in_dim3A_1039 : vector<8x128xi1>, vector<8x128xf32>
      %add3A_1041 = arith.addf %add3A_918, %select_n3A_1040 : vector<8x128xf32>
      %ge3A_1042 = arith.constant 0.405465096 : f32
      %ge3A_1043 = vector.broadcast %ge3A_1042 : f32 to vector<8x128xf32>
      %ge3A_1044 = arith.cmpf oge, %select_n3A_980, %ge3A_1043 : vector<8x128xf32>
      %convert_element_type3A_1045 = arith.extui %ge3A_1044 : vector<8x128xi1> to vector<8x128xi32>
      %convert_element_type3A_1046 = arith.sitofp %convert_element_type3A_1045 : vector<8x128xi32> to vector<8x128xf32>
      %add3A_1047 = arith.addf %add3A_924, %convert_element_type3A_1046 : vector<8x128xf32>
      %jit3A_1048 = arith.constant 0.000000e+00 : f32
      %broadcast_in_dim3A_1049 = vector.broadcast %jit3A_1048 : f32 to vector<8x128xf32>
      %select_n3A_1050 = arith.select %ge3A_1044, %add3A_990, %broadcast_in_dim3A_1049 : vector<8x128xi1>, vector<8x128xf32>
      %add3A_1051 = arith.addf %add3A_928, %select_n3A_1050 : vector<8x128xf32>
      %ge3A_1052 = arith.constant 0.847297847 : f32
      %ge3A_1053 = vector.broadcast %ge3A_1052 : f32 to vector<8x128xf32>
      %ge3A_1054 = arith.cmpf oge, %select_n3A_980, %ge3A_1053 : vector<8x128xf32>
      %convert_element_type3A_1055 = arith.extui %ge3A_1054 : vector<8x128xi1> to vector<8x128xi32>
      %convert_element_type3A_1056 = arith.sitofp %convert_element_type3A_1055 : vector<8x128xi32> to vector<8x128xf32>
      %add3A_1057 = arith.addf %add3A_934, %convert_element_type3A_1056 : vector<8x128xf32>
      %jit3A_1058 = arith.constant 0.000000e+00 : f32
      %broadcast_in_dim3A_1059 = vector.broadcast %jit3A_1058 : f32 to vector<8x128xf32>
      %select_n3A_1060 = arith.select %ge3A_1054, %add3A_990, %broadcast_in_dim3A_1059 : vector<8x128xi1>, vector<8x128xf32>
      %add3A_1061 = arith.addf %add3A_938, %select_n3A_1060 : vector<8x128xf32>
      %ge3A_1062 = arith.constant 1.38629436 : f32
      %ge3A_1063 = vector.broadcast %ge3A_1062 : f32 to vector<8x128xf32>
      %ge3A_1064 = arith.cmpf oge, %select_n3A_980, %ge3A_1063 : vector<8x128xf32>
      %convert_element_type3A_1065 = arith.extui %ge3A_1064 : vector<8x128xi1> to vector<8x128xi32>
      %convert_element_type3A_1066 = arith.sitofp %convert_element_type3A_1065 : vector<8x128xi32> to vector<8x128xf32>
      %add3A_1067 = arith.addf %add3A_944, %convert_element_type3A_1066 : vector<8x128xf32>
      %jit3A_1068 = arith.constant 0.000000e+00 : f32
      %broadcast_in_dim3A_1069 = vector.broadcast %jit3A_1068 : f32 to vector<8x128xf32>
      %select_n3A_1070 = arith.select %ge3A_1064, %add3A_990, %broadcast_in_dim3A_1069 : vector<8x128xi1>, vector<8x128xf32>
      %add3A_1071 = arith.addf %add3A_948, %select_n3A_1070 : vector<8x128xf32>
      %ge3A_1072 = arith.constant 2.19722462 : f32
      %ge3A_1073 = vector.broadcast %ge3A_1072 : f32 to vector<8x128xf32>
      %ge3A_1074 = arith.cmpf oge, %select_n3A_980, %ge3A_1073 : vector<8x128xf32>
      %convert_element_type3A_1075 = arith.extui %ge3A_1074 : vector<8x128xi1> to vector<8x128xi32>
      %convert_element_type3A_1076 = arith.sitofp %convert_element_type3A_1075 : vector<8x128xi32> to vector<8x128xf32>
      %add3A_1077 = arith.addf %add3A_954, %convert_element_type3A_1076 : vector<8x128xf32>
      %jit3A_1078 = arith.constant 0.000000e+00 : f32
      %broadcast_in_dim3A_1079 = vector.broadcast %jit3A_1078 : f32 to vector<8x128xf32>
      %select_n3A_1080 = arith.select %ge3A_1074, %add3A_990, %broadcast_in_dim3A_1079 : vector<8x128xi1>, vector<8x128xf32>
      %add3A_1081 = arith.addf %add3A_958, %select_n3A_1080 : vector<8x128xf32>
      scf.yield %add3A_991, %add3A_997, %add3A_1001, %add3A_1007, %add3A_1011, %add3A_1017, %add3A_1021, %add3A_1027, %add3A_1031, %add3A_1037, %add3A_1041, %add3A_1047, %add3A_1051, %add3A_1057, %add3A_1061, %add3A_1067, %add3A_1071, %add3A_1077, %add3A_1081 : vector<8x128xf32>, vector<8x128xf32>, vector<8x128xf32>, vector<8x128xf32>, vector<8x128xf32>, vector<8x128xf32>, vector<8x128xf32>, vector<8x128xf32>, vector<8x128xf32>, vector<8x128xf32>, vector<8x128xf32>, vector<8x128xf32>, vector<8x128xf32>, vector<8x128xf32>, vector<8x128xf32>, vector<8x128xf32>, vector<8x128xf32>, vector<8x128xf32>, vector<8x128xf32>
    }
    %scan3A_7 = arith.constant 32 : i32
    %swap3A = arith.constant 0 : index
    %swap3A_8 = arith.constant 0 : index
    %swap3A_9 = arith.constant 0 : index
    %swap3A_10 = vector.load %arg5[%swap3A, %swap3A_8, %swap3A_9] : memref<19x8x128xf32, #tpu.memory_space<vmem>>, vector<1x8x128xf32>
    %swap3A_11 = vector.shape_cast %swap3A_10 : vector<1x8x128xf32> to vector<8x128xf32>
    %swap3A_12 = vector.shape_cast %scan3A_6#0 : vector<8x128xf32> to vector<1x8x128xf32>
    tpu.vector_store %arg5[%swap3A, %swap3A_8, %swap3A_9], %swap3A_12 {strides = array<i32>} : memref<19x8x128xf32, #tpu.memory_space<vmem>>, vector<1x8x128xf32>,
    %swap3A_13 = arith.constant 1 : index
    %swap3A_14 = arith.constant 0 : index
    %swap3A_15 = arith.constant 0 : index
    %swap3A_16 = vector.load %arg5[%swap3A_13, %swap3A_14, %swap3A_15] : memref<19x8x128xf32, #tpu.memory_space<vmem>>, vector<1x8x128xf32>
    %swap3A_17 = vector.shape_cast %swap3A_16 : vector<1x8x128xf32> to vector<8x128xf32>
    %swap3A_18 = vector.shape_cast %scan3A_6#1 : vector<8x128xf32> to vector<1x8x128xf32>
    tpu.vector_store %arg5[%swap3A_13, %swap3A_14, %swap3A_15], %swap3A_18 {strides = array<i32>} : memref<19x8x128xf32, #tpu.memory_space<vmem>>, vector<1x8x128xf32>,
    %swap3A_19 = arith.constant 2 : index
    %swap3A_20 = arith.constant 0 : index
    %swap3A_21 = arith.constant 0 : index
    %swap3A_22 = vector.load %arg5[%swap3A_19, %swap3A_20, %swap3A_21] : memref<19x8x128xf32, #tpu.memory_space<vmem>>, vector<1x8x128xf32>
    %swap3A_23 = vector.shape_cast %swap3A_22 : vector<1x8x128xf32> to vector<8x128xf32>
    %swap3A_24 = vector.shape_cast %scan3A_6#2 : vector<8x128xf32> to vector<1x8x128xf32>
    tpu.vector_store %arg5[%swap3A_19, %swap3A_20, %swap3A_21], %swap3A_24 {strides = array<i32>} : memref<19x8x128xf32, #tpu.memory_space<vmem>>, vector<1x8x128xf32>,
    %swap3A_25 = arith.constant 3 : index
    %swap3A_26 = arith.constant 0 : index
    %swap3A_27 = arith.constant 0 : index
    %swap3A_28 = vector.load %arg5[%swap3A_25, %swap3A_26, %swap3A_27] : memref<19x8x128xf32, #tpu.memory_space<vmem>>, vector<1x8x128xf32>
    %swap3A_29 = vector.shape_cast %swap3A_28 : vector<1x8x128xf32> to vector<8x128xf32>
    %swap3A_30 = vector.shape_cast %scan3A_6#3 : vector<8x128xf32> to vector<1x8x128xf32>
    tpu.vector_store %arg5[%swap3A_25, %swap3A_26, %swap3A_27], %swap3A_30 {strides = array<i32>} : memref<19x8x128xf32, #tpu.memory_space<vmem>>, vector<1x8x128xf32>,
    %swap3A_31 = arith.constant 4 : index
    %swap3A_32 = arith.constant 0 : index
    %swap3A_33 = arith.constant 0 : index
    %swap3A_34 = vector.load %arg5[%swap3A_31, %swap3A_32, %swap3A_33] : memref<19x8x128xf32, #tpu.memory_space<vmem>>, vector<1x8x128xf32>
    %swap3A_35 = vector.shape_cast %swap3A_34 : vector<1x8x128xf32> to vector<8x128xf32>
    %swap3A_36 = vector.shape_cast %scan3A_6#4 : vector<8x128xf32> to vector<1x8x128xf32>
    tpu.vector_store %arg5[%swap3A_31, %swap3A_32, %swap3A_33], %swap3A_36 {strides = array<i32>} : memref<19x8x128xf32, #tpu.memory_space<vmem>>, vector<1x8x128xf32>,
    %swap3A_37 = arith.constant 5 : index
    %swap3A_38 = arith.constant 0 : index
    %swap3A_39 = arith.constant 0 : index
    %swap3A_40 = vector.load %arg5[%swap3A_37, %swap3A_38, %swap3A_39] : memref<19x8x128xf32, #tpu.memory_space<vmem>>, vector<1x8x128xf32>
    %swap3A_41 = vector.shape_cast %swap3A_40 : vector<1x8x128xf32> to vector<8x128xf32>
    %swap3A_42 = vector.shape_cast %scan3A_6#5 : vector<8x128xf32> to vector<1x8x128xf32>
    tpu.vector_store %arg5[%swap3A_37, %swap3A_38, %swap3A_39], %swap3A_42 {strides = array<i32>} : memref<19x8x128xf32, #tpu.memory_space<vmem>>, vector<1x8x128xf32>,
    %swap3A_43 = arith.constant 6 : index
    %swap3A_44 = arith.constant 0 : index
    %swap3A_45 = arith.constant 0 : index
    %swap3A_46 = vector.load %arg5[%swap3A_43, %swap3A_44, %swap3A_45] : memref<19x8x128xf32, #tpu.memory_space<vmem>>, vector<1x8x128xf32>
    %swap3A_47 = vector.shape_cast %swap3A_46 : vector<1x8x128xf32> to vector<8x128xf32>
    %swap3A_48 = vector.shape_cast %scan3A_6#6 : vector<8x128xf32> to vector<1x8x128xf32>
    tpu.vector_store %arg5[%swap3A_43, %swap3A_44, %swap3A_45], %swap3A_48 {strides = array<i32>} : memref<19x8x128xf32, #tpu.memory_space<vmem>>, vector<1x8x128xf32>,
    %swap3A_49 = arith.constant 7 : index
    %swap3A_50 = arith.constant 0 : index
    %swap3A_51 = arith.constant 0 : index
    %swap3A_52 = vector.load %arg5[%swap3A_49, %swap3A_50, %swap3A_51] : memref<19x8x128xf32, #tpu.memory_space<vmem>>, vector<1x8x128xf32>
    %swap3A_53 = vector.shape_cast %swap3A_52 : vector<1x8x128xf32> to vector<8x128xf32>
    %swap3A_54 = vector.shape_cast %scan3A_6#7 : vector<8x128xf32> to vector<1x8x128xf32>
    tpu.vector_store %arg5[%swap3A_49, %swap3A_50, %swap3A_51], %swap3A_54 {strides = array<i32>} : memref<19x8x128xf32, #tpu.memory_space<vmem>>, vector<1x8x128xf32>,
    %swap3A_55 = arith.constant 8 : index
    %swap3A_56 = arith.constant 0 : index
    %swap3A_57 = arith.constant 0 : index
    %swap3A_58 = vector.load %arg5[%swap3A_55, %swap3A_56, %swap3A_57] : memref<19x8x128xf32, #tpu.memory_space<vmem>>, vector<1x8x128xf32>
    %swap3A_59 = vector.shape_cast %swap3A_58 : vector<1x8x128xf32> to vector<8x128xf32>
    %swap3A_60 = vector.shape_cast %scan3A_6#8 : vector<8x128xf32> to vector<1x8x128xf32>
    tpu.vector_store %arg5[%swap3A_55, %swap3A_56, %swap3A_57], %swap3A_60 {strides = array<i32>} : memref<19x8x128xf32, #tpu.memory_space<vmem>>, vector<1x8x128xf32>,
    %swap3A_61 = arith.constant 9 : index
    %swap3A_62 = arith.constant 0 : index
    %swap3A_63 = arith.constant 0 : index
    %swap3A_64 = vector.load %arg5[%swap3A_61, %swap3A_62, %swap3A_63] : memref<19x8x128xf32, #tpu.memory_space<vmem>>, vector<1x8x128xf32>
    %swap3A_65 = vector.shape_cast %swap3A_64 : vector<1x8x128xf32> to vector<8x128xf32>
    %swap3A_66 = vector.shape_cast %scan3A_6#9 : vector<8x128xf32> to vector<1x8x128xf32>
    tpu.vector_store %arg5[%swap3A_61, %swap3A_62, %swap3A_63], %swap3A_66 {strides = array<i32>} : memref<19x8x128xf32, #tpu.memory_space<vmem>>, vector<1x8x128xf32>,
    %swap3A_67 = arith.constant 10 : index
    %swap3A_68 = arith.constant 0 : index
    %swap3A_69 = arith.constant 0 : index
    %swap3A_70 = vector.load %arg5[%swap3A_67, %swap3A_68, %swap3A_69] : memref<19x8x128xf32, #tpu.memory_space<vmem>>, vector<1x8x128xf32>
    %swap3A_71 = vector.shape_cast %swap3A_70 : vector<1x8x128xf32> to vector<8x128xf32>
    %swap3A_72 = vector.shape_cast %scan3A_6#10 : vector<8x128xf32> to vector<1x8x128xf32>
    tpu.vector_store %arg5[%swap3A_67, %swap3A_68, %swap3A_69], %swap3A_72 {strides = array<i32>} : memref<19x8x128xf32, #tpu.memory_space<vmem>>, vector<1x8x128xf32>,
    %swap3A_73 = arith.constant 11 : index
    %swap3A_74 = arith.constant 0 : index
    %swap3A_75 = arith.constant 0 : index
    %swap3A_76 = vector.load %arg5[%swap3A_73, %swap3A_74, %swap3A_75] : memref<19x8x128xf32, #tpu.memory_space<vmem>>, vector<1x8x128xf32>
    %swap3A_77 = vector.shape_cast %swap3A_76 : vector<1x8x128xf32> to vector<8x128xf32>
    %swap3A_78 = vector.shape_cast %scan3A_6#11 : vector<8x128xf32> to vector<1x8x128xf32>
    tpu.vector_store %arg5[%swap3A_73, %swap3A_74, %swap3A_75], %swap3A_78 {strides = array<i32>} : memref<19x8x128xf32, #tpu.memory_space<vmem>>, vector<1x8x128xf32>,
    %swap3A_79 = arith.constant 12 : index
    %swap3A_80 = arith.constant 0 : index
    %swap3A_81 = arith.constant 0 : index
    %swap3A_82 = vector.load %arg5[%swap3A_79, %swap3A_80, %swap3A_81] : memref<19x8x128xf32, #tpu.memory_space<vmem>>, vector<1x8x128xf32>
    %swap3A_83 = vector.shape_cast %swap3A_82 : vector<1x8x128xf32> to vector<8x128xf32>
    %swap3A_84 = vector.shape_cast %scan3A_6#12 : vector<8x128xf32> to vector<1x8x128xf32>
    tpu.vector_store %arg5[%swap3A_79, %swap3A_80, %swap3A_81], %swap3A_84 {strides = array<i32>} : memref<19x8x128xf32, #tpu.memory_space<vmem>>, vector<1x8x128xf32>,
    %swap3A_85 = arith.constant 13 : index
    %swap3A_86 = arith.constant 0 : index
    %swap3A_87 = arith.constant 0 : index
    %swap3A_88 = vector.load %arg5[%swap3A_85, %swap3A_86, %swap3A_87] : memref<19x8x128xf32, #tpu.memory_space<vmem>>, vector<1x8x128xf32>
    %swap3A_89 = vector.shape_cast %swap3A_88 : vector<1x8x128xf32> to vector<8x128xf32>
    %swap3A_90 = vector.shape_cast %scan3A_6#13 : vector<8x128xf32> to vector<1x8x128xf32>
    tpu.vector_store %arg5[%swap3A_85, %swap3A_86, %swap3A_87], %swap3A_90 {strides = array<i32>} : memref<19x8x128xf32, #tpu.memory_space<vmem>>, vector<1x8x128xf32>,
    %swap3A_91 = arith.constant 14 : index
    %swap3A_92 = arith.constant 0 : index
    %swap3A_93 = arith.constant 0 : index
    %swap3A_94 = vector.load %arg5[%swap3A_91, %swap3A_92, %swap3A_93] : memref<19x8x128xf32, #tpu.memory_space<vmem>>, vector<1x8x128xf32>
    %swap3A_95 = vector.shape_cast %swap3A_94 : vector<1x8x128xf32> to vector<8x128xf32>
    %swap3A_96 = vector.shape_cast %scan3A_6#14 : vector<8x128xf32> to vector<1x8x128xf32>
    tpu.vector_store %arg5[%swap3A_91, %swap3A_92, %swap3A_93], %swap3A_96 {strides = array<i32>} : memref<19x8x128xf32, #tpu.memory_space<vmem>>, vector<1x8x128xf32>,
    %swap3A_97 = arith.constant 15 : index
    %swap3A_98 = arith.constant 0 : index
    %swap3A_99 = arith.constant 0 : index
    %swap3A_100 = vector.load %arg5[%swap3A_97, %swap3A_98, %swap3A_99] : memref<19x8x128xf32, #tpu.memory_space<vmem>>, vector<1x8x128xf32>
    %swap3A_101 = vector.shape_cast %swap3A_100 : vector<1x8x128xf32> to vector<8x128xf32>
    %swap3A_102 = vector.shape_cast %scan3A_6#15 : vector<8x128xf32> to vector<1x8x128xf32>
    tpu.vector_store %arg5[%swap3A_97, %swap3A_98, %swap3A_99], %swap3A_102 {strides = array<i32>} : memref<19x8x128xf32, #tpu.memory_space<vmem>>, vector<1x8x128xf32>,
    %swap3A_103 = arith.constant 16 : index
    %swap3A_104 = arith.constant 0 : index
    %swap3A_105 = arith.constant 0 : index
    %swap3A_106 = vector.load %arg5[%swap3A_103, %swap3A_104, %swap3A_105] : memref<19x8x128xf32, #tpu.memory_space<vmem>>, vector<1x8x128xf32>
    %swap3A_107 = vector.shape_cast %swap3A_106 : vector<1x8x128xf32> to vector<8x128xf32>
    %swap3A_108 = vector.shape_cast %scan3A_6#16 : vector<8x128xf32> to vector<1x8x128xf32>
    tpu.vector_store %arg5[%swap3A_103, %swap3A_104, %swap3A_105], %swap3A_108 {strides = array<i32>} : memref<19x8x128xf32, #tpu.memory_space<vmem>>, vector<1x8x128xf32>,
    %swap3A_109 = arith.constant 17 : index
    %swap3A_110 = arith.constant 0 : index
    %swap3A_111 = arith.constant 0 : index
    %swap3A_112 = vector.load %arg5[%swap3A_109, %swap3A_110, %swap3A_111] : memref<19x8x128xf32, #tpu.memory_space<vmem>>, vector<1x8x128xf32>
    %swap3A_113 = vector.shape_cast %swap3A_112 : vector<1x8x128xf32> to vector<8x128xf32>
    %swap3A_114 = vector.shape_cast %scan3A_6#17 : vector<8x128xf32> to vector<1x8x128xf32>
    tpu.vector_store %arg5[%swap3A_109, %swap3A_110, %swap3A_111], %swap3A_114 {strides = array<i32>} : memref<19x8x128xf32, #tpu.memory_space<vmem>>, vector<1x8x128xf32>,
    %swap3A_115 = arith.constant 18 : index
    %swap3A_116 = arith.constant 0 : index
    %swap3A_117 = arith.constant 0 : index
    %swap3A_118 = vector.load %arg5[%swap3A_115, %swap3A_116, %swap3A_117] : memref<19x8x128xf32, #tpu.memory_space<vmem>>, vector<1x8x128xf32>
    %swap3A_119 = vector.shape_cast %swap3A_118 : vector<1x8x128xf32> to vector<8x128xf32>
    %swap3A_120 = vector.shape_cast %scan3A_6#18 : vector<8x128xf32> to vector<1x8x128xf32>
    tpu.vector_store %arg5[%swap3A_115, %swap3A_116, %swap3A_117], %swap3A_120 {strides = array<i32>} : memref<19x8x128xf32, #tpu.memory_space<vmem>>, vector<1x8x128xf32>,
    %eq3A_121 = arith.constant 31 : i32
    %eq3A_122 = arith.cmpi eq, %arg0, %eq3A_121 : i32
    %convert_element_type3A_123 = arith.extui %eq3A_122 : i1 to i32
    %cond3A_124 = arith.constant 0 : i32
    %cond3A_125 = arith.cmpi ne, %convert_element_type3A_123, %cond3A_124 : i32
    scf.if %cond3A_125 {
      %get3A = arith.constant 0 : index
      %get3A_126 = arith.constant 0 : index
      %get3A_127 = vector.load %arg3[%get3A, %get3A_126] : memref<128x320xf32, #tpu.memory_space<vmem>>, vector<128x320xf32>
      %get3A_128 = arith.constant 0 : index
      %get3A_129 = arith.constant 0 : index
      %get3A_130 = arith.constant 0 : index
      %get3A_131 = vector.load %arg5[%get3A_128, %get3A_129, %get3A_130] : memref<19x8x128xf32, #tpu.memory_space<vmem>>, vector<1x8x128xf32>
      %get3A_132 = vector.shape_cast %get3A_131 : vector<1x8x128xf32> to vector<8x128xf32>
      %reduce_sum3A = vector.shape_cast %get3A_132 : vector<8x128xf32> to vector<1x8x128xf32>
      %reduce_sum3A_133 = arith.constant dense<0.000000e+00> : vector<1xf32>
      %reduce_sum3A_134 = vector.multi_reduction <add>, %reduce_sum3A, %reduce_sum3A_133 [1, 2] : vector<1x8x128xf32> to vector<1xf32>
      %reduce_sum3A_135 = vector.shape_cast %reduce_sum3A_134 : vector<1xf32> to vector<1x1x1xf32>
      %reduce_sum3A_136 = vector.extract %reduce_sum3A_135[0, 0, 0] : f32 from vector<1x1x1xf32>
      %get3A_137 = arith.constant 1 : index
      %get3A_138 = arith.constant 0 : index
      %get3A_139 = arith.constant 0 : index
      %get3A_140 = vector.load %arg5[%get3A_137, %get3A_138, %get3A_139] : memref<19x8x128xf32, #tpu.memory_space<vmem>>, vector<1x8x128xf32>
      %get3A_141 = vector.shape_cast %get3A_140 : vector<1x8x128xf32> to vector<8x128xf32>
      %reduce_sum3A_142 = vector.shape_cast %get3A_141 : vector<8x128xf32> to vector<1x8x128xf32>
      %reduce_sum3A_143 = arith.constant dense<0.000000e+00> : vector<1xf32>
      %reduce_sum3A_144 = vector.multi_reduction <add>, %reduce_sum3A_142, %reduce_sum3A_143 [1, 2] : vector<1x8x128xf32> to vector<1xf32>
      %reduce_sum3A_145 = vector.shape_cast %reduce_sum3A_144 : vector<1xf32> to vector<1x1x1xf32>
      %reduce_sum3A_146 = vector.extract %reduce_sum3A_145[0, 0, 0] : f32 from vector<1x1x1xf32>
      %get3A_147 = arith.constant 2 : index
      %get3A_148 = arith.constant 0 : index
      %get3A_149 = arith.constant 0 : index
      %get3A_150 = vector.load %arg5[%get3A_147, %get3A_148, %get3A_149] : memref<19x8x128xf32, #tpu.memory_space<vmem>>, vector<1x8x128xf32>
      %get3A_151 = vector.shape_cast %get3A_150 : vector<1x8x128xf32> to vector<8x128xf32>
      %reduce_sum3A_152 = vector.shape_cast %get3A_151 : vector<8x128xf32> to vector<1x8x128xf32>
      %reduce_sum3A_153 = arith.constant dense<0.000000e+00> : vector<1xf32>
      %reduce_sum3A_154 = vector.multi_reduction <add>, %reduce_sum3A_152, %reduce_sum3A_153 [1, 2] : vector<1x8x128xf32> to vector<1xf32>
      %reduce_sum3A_155 = vector.shape_cast %reduce_sum3A_154 : vector<1xf32> to vector<1x1x1xf32>
      %reduce_sum3A_156 = vector.extract %reduce_sum3A_155[0, 0, 0] : f32 from vector<1x1x1xf32>
      %get3A_157 = arith.constant 3 : index
      %get3A_158 = arith.constant 0 : index
      %get3A_159 = arith.constant 0 : index
      %get3A_160 = vector.load %arg5[%get3A_157, %get3A_158, %get3A_159] : memref<19x8x128xf32, #tpu.memory_space<vmem>>, vector<1x8x128xf32>
      %get3A_161 = vector.shape_cast %get3A_160 : vector<1x8x128xf32> to vector<8x128xf32>
      %reduce_sum3A_162 = vector.shape_cast %get3A_161 : vector<8x128xf32> to vector<1x8x128xf32>
      %reduce_sum3A_163 = arith.constant dense<0.000000e+00> : vector<1xf32>
      %reduce_sum3A_164 = vector.multi_reduction <add>, %reduce_sum3A_162, %reduce_sum3A_163 [1, 2] : vector<1x8x128xf32> to vector<1xf32>
      %reduce_sum3A_165 = vector.shape_cast %reduce_sum3A_164 : vector<1xf32> to vector<1x1x1xf32>
      %reduce_sum3A_166 = vector.extract %reduce_sum3A_165[0, 0, 0] : f32 from vector<1x1x1xf32>
      %get3A_167 = arith.constant 4 : index
      %get3A_168 = arith.constant 0 : index
      %get3A_169 = arith.constant 0 : index
      %get3A_170 = vector.load %arg5[%get3A_167, %get3A_168, %get3A_169] : memref<19x8x128xf32, #tpu.memory_space<vmem>>, vector<1x8x128xf32>
      %get3A_171 = vector.shape_cast %get3A_170 : vector<1x8x128xf32> to vector<8x128xf32>
      %reduce_sum3A_172 = vector.shape_cast %get3A_171 : vector<8x128xf32> to vector<1x8x128xf32>
      %reduce_sum3A_173 = arith.constant dense<0.000000e+00> : vector<1xf32>
      %reduce_sum3A_174 = vector.multi_reduction <add>, %reduce_sum3A_172, %reduce_sum3A_173 [1, 2] : vector<1x8x128xf32> to vector<1xf32>
      %reduce_sum3A_175 = vector.shape_cast %reduce_sum3A_174 : vector<1xf32> to vector<1x1x1xf32>
      %reduce_sum3A_176 = vector.extract %reduce_sum3A_175[0, 0, 0] : f32 from vector<1x1x1xf32>
      %get3A_177 = arith.constant 5 : index
      %get3A_178 = arith.constant 0 : index
      %get3A_179 = arith.constant 0 : index
      %get3A_180 = vector.load %arg5[%get3A_177, %get3A_178, %get3A_179] : memref<19x8x128xf32, #tpu.memory_space<vmem>>, vector<1x8x128xf32>
      %get3A_181 = vector.shape_cast %get3A_180 : vector<1x8x128xf32> to vector<8x128xf32>
      %reduce_sum3A_182 = vector.shape_cast %get3A_181 : vector<8x128xf32> to vector<1x8x128xf32>
      %reduce_sum3A_183 = arith.constant dense<0.000000e+00> : vector<1xf32>
      %reduce_sum3A_184 = vector.multi_reduction <add>, %reduce_sum3A_182, %reduce_sum3A_183 [1, 2] : vector<1x8x128xf32> to vector<1xf32>
      %reduce_sum3A_185 = vector.shape_cast %reduce_sum3A_184 : vector<1xf32> to vector<1x1x1xf32>
      %reduce_sum3A_186 = vector.extract %reduce_sum3A_185[0, 0, 0] : f32 from vector<1x1x1xf32>
      %get3A_187 = arith.constant 6 : index
      %get3A_188 = arith.constant 0 : index
      %get3A_189 = arith.constant 0 : index
      %get3A_190 = vector.load %arg5[%get3A_187, %get3A_188, %get3A_189] : memref<19x8x128xf32, #tpu.memory_space<vmem>>, vector<1x8x128xf32>
      %get3A_191 = vector.shape_cast %get3A_190 : vector<1x8x128xf32> to vector<8x128xf32>
      %reduce_sum3A_192 = vector.shape_cast %get3A_191 : vector<8x128xf32> to vector<1x8x128xf32>
      %reduce_sum3A_193 = arith.constant dense<0.000000e+00> : vector<1xf32>
      %reduce_sum3A_194 = vector.multi_reduction <add>, %reduce_sum3A_192, %reduce_sum3A_193 [1, 2] : vector<1x8x128xf32> to vector<1xf32>
      %reduce_sum3A_195 = vector.shape_cast %reduce_sum3A_194 : vector<1xf32> to vector<1x1x1xf32>
      %reduce_sum3A_196 = vector.extract %reduce_sum3A_195[0, 0, 0] : f32 from vector<1x1x1xf32>
      %get3A_197 = arith.constant 7 : index
      %get3A_198 = arith.constant 0 : index
      %get3A_199 = arith.constant 0 : index
      %get3A_200 = vector.load %arg5[%get3A_197, %get3A_198, %get3A_199] : memref<19x8x128xf32, #tpu.memory_space<vmem>>, vector<1x8x128xf32>
      %get3A_201 = vector.shape_cast %get3A_200 : vector<1x8x128xf32> to vector<8x128xf32>
      %reduce_sum3A_202 = vector.shape_cast %get3A_201 : vector<8x128xf32> to vector<1x8x128xf32>
      %reduce_sum3A_203 = arith.constant dense<0.000000e+00> : vector<1xf32>
      %reduce_sum3A_204 = vector.multi_reduction <add>, %reduce_sum3A_202, %reduce_sum3A_203 [1, 2] : vector<1x8x128xf32> to vector<1xf32>
      %reduce_sum3A_205 = vector.shape_cast %reduce_sum3A_204 : vector<1xf32> to vector<1x1x1xf32>
      %reduce_sum3A_206 = vector.extract %reduce_sum3A_205[0, 0, 0] : f32 from vector<1x1x1xf32>
      %get3A_207 = arith.constant 8 : index
      %get3A_208 = arith.constant 0 : index
      %get3A_209 = arith.constant 0 : index
      %get3A_210 = vector.load %arg5[%get3A_207, %get3A_208, %get3A_209] : memref<19x8x128xf32, #tpu.memory_space<vmem>>, vector<1x8x128xf32>
      %get3A_211 = vector.shape_cast %get3A_210 : vector<1x8x128xf32> to vector<8x128xf32>
      %reduce_sum3A_212 = vector.shape_cast %get3A_211 : vector<8x128xf32> to vector<1x8x128xf32>
      %reduce_sum3A_213 = arith.constant dense<0.000000e+00> : vector<1xf32>
      %reduce_sum3A_214 = vector.multi_reduction <add>, %reduce_sum3A_212, %reduce_sum3A_213 [1, 2] : vector<1x8x128xf32> to vector<1xf32>
      %reduce_sum3A_215 = vector.shape_cast %reduce_sum3A_214 : vector<1xf32> to vector<1x1x1xf32>
      %reduce_sum3A_216 = vector.extract %reduce_sum3A_215[0, 0, 0] : f32 from vector<1x1x1xf32>
      %get3A_217 = arith.constant 9 : index
      %get3A_218 = arith.constant 0 : index
      %get3A_219 = arith.constant 0 : index
      %get3A_220 = vector.load %arg5[%get3A_217, %get3A_218, %get3A_219] : memref<19x8x128xf32, #tpu.memory_space<vmem>>, vector<1x8x128xf32>
      %get3A_221 = vector.shape_cast %get3A_220 : vector<1x8x128xf32> to vector<8x128xf32>
      %reduce_sum3A_222 = vector.shape_cast %get3A_221 : vector<8x128xf32> to vector<1x8x128xf32>
      %reduce_sum3A_223 = arith.constant dense<0.000000e+00> : vector<1xf32>
      %reduce_sum3A_224 = vector.multi_reduction <add>, %reduce_sum3A_222, %reduce_sum3A_223 [1, 2] : vector<1x8x128xf32> to vector<1xf32>
      %reduce_sum3A_225 = vector.shape_cast %reduce_sum3A_224 : vector<1xf32> to vector<1x1x1xf32>
      %reduce_sum3A_226 = vector.extract %reduce_sum3A_225[0, 0, 0] : f32 from vector<1x1x1xf32>
      %get3A_227 = arith.constant 10 : index
      %get3A_228 = arith.constant 0 : index
      %get3A_229 = arith.constant 0 : index
      %get3A_230 = vector.load %arg5[%get3A_227, %get3A_228, %get3A_229] : memref<19x8x128xf32, #tpu.memory_space<vmem>>, vector<1x8x128xf32>
      %get3A_231 = vector.shape_cast %get3A_230 : vector<1x8x128xf32> to vector<8x128xf32>
      %reduce_sum3A_232 = vector.shape_cast %get3A_231 : vector<8x128xf32> to vector<1x8x128xf32>
      %reduce_sum3A_233 = arith.constant dense<0.000000e+00> : vector<1xf32>
      %reduce_sum3A_234 = vector.multi_reduction <add>, %reduce_sum3A_232, %reduce_sum3A_233 [1, 2] : vector<1x8x128xf32> to vector<1xf32>
      %reduce_sum3A_235 = vector.shape_cast %reduce_sum3A_234 : vector<1xf32> to vector<1x1x1xf32>
      %reduce_sum3A_236 = vector.extract %reduce_sum3A_235[0, 0, 0] : f32 from vector<1x1x1xf32>
      %get3A_237 = arith.constant 11 : index
      %get3A_238 = arith.constant 0 : index
      %get3A_239 = arith.constant 0 : index
      %get3A_240 = vector.load %arg5[%get3A_237, %get3A_238, %get3A_239] : memref<19x8x128xf32, #tpu.memory_space<vmem>>, vector<1x8x128xf32>
      %get3A_241 = vector.shape_cast %get3A_240 : vector<1x8x128xf32> to vector<8x128xf32>
      %reduce_sum3A_242 = vector.shape_cast %get3A_241 : vector<8x128xf32> to vector<1x8x128xf32>
      %reduce_sum3A_243 = arith.constant dense<0.000000e+00> : vector<1xf32>
      %reduce_sum3A_244 = vector.multi_reduction <add>, %reduce_sum3A_242, %reduce_sum3A_243 [1, 2] : vector<1x8x128xf32> to vector<1xf32>
      %reduce_sum3A_245 = vector.shape_cast %reduce_sum3A_244 : vector<1xf32> to vector<1x1x1xf32>
      %reduce_sum3A_246 = vector.extract %reduce_sum3A_245[0, 0, 0] : f32 from vector<1x1x1xf32>
      %get3A_247 = arith.constant 12 : index
      %get3A_248 = arith.constant 0 : index
      %get3A_249 = arith.constant 0 : index
      %get3A_250 = vector.load %arg5[%get3A_247, %get3A_248, %get3A_249] : memref<19x8x128xf32, #tpu.memory_space<vmem>>, vector<1x8x128xf32>
      %get3A_251 = vector.shape_cast %get3A_250 : vector<1x8x128xf32> to vector<8x128xf32>
      %reduce_sum3A_252 = vector.shape_cast %get3A_251 : vector<8x128xf32> to vector<1x8x128xf32>
      %reduce_sum3A_253 = arith.constant dense<0.000000e+00> : vector<1xf32>
      %reduce_sum3A_254 = vector.multi_reduction <add>, %reduce_sum3A_252, %reduce_sum3A_253 [1, 2] : vector<1x8x128xf32> to vector<1xf32>
      %reduce_sum3A_255 = vector.shape_cast %reduce_sum3A_254 : vector<1xf32> to vector<1x1x1xf32>
      %reduce_sum3A_256 = vector.extract %reduce_sum3A_255[0, 0, 0] : f32 from vector<1x1x1xf32>
      %get3A_257 = arith.constant 13 : index
      %get3A_258 = arith.constant 0 : index
      %get3A_259 = arith.constant 0 : index
      %get3A_260 = vector.load %arg5[%get3A_257, %get3A_258, %get3A_259] : memref<19x8x128xf32, #tpu.memory_space<vmem>>, vector<1x8x128xf32>
      %get3A_261 = vector.shape_cast %get3A_260 : vector<1x8x128xf32> to vector<8x128xf32>
      %reduce_sum3A_262 = vector.shape_cast %get3A_261 : vector<8x128xf32> to vector<1x8x128xf32>
      %reduce_sum3A_263 = arith.constant dense<0.000000e+00> : vector<1xf32>
      %reduce_sum3A_264 = vector.multi_reduction <add>, %reduce_sum3A_262, %reduce_sum3A_263 [1, 2] : vector<1x8x128xf32> to vector<1xf32>
      %reduce_sum3A_265 = vector.shape_cast %reduce_sum3A_264 : vector<1xf32> to vector<1x1x1xf32>
      %reduce_sum3A_266 = vector.extract %reduce_sum3A_265[0, 0, 0] : f32 from vector<1x1x1xf32>
      %get3A_267 = arith.constant 14 : index
      %get3A_268 = arith.constant 0 : index
      %get3A_269 = arith.constant 0 : index
      %get3A_270 = vector.load %arg5[%get3A_267, %get3A_268, %get3A_269] : memref<19x8x128xf32, #tpu.memory_space<vmem>>, vector<1x8x128xf32>
      %get3A_271 = vector.shape_cast %get3A_270 : vector<1x8x128xf32> to vector<8x128xf32>
      %reduce_sum3A_272 = vector.shape_cast %get3A_271 : vector<8x128xf32> to vector<1x8x128xf32>
      %reduce_sum3A_273 = arith.constant dense<0.000000e+00> : vector<1xf32>
      %reduce_sum3A_274 = vector.multi_reduction <add>, %reduce_sum3A_272, %reduce_sum3A_273 [1, 2] : vector<1x8x128xf32> to vector<1xf32>
      %reduce_sum3A_275 = vector.shape_cast %reduce_sum3A_274 : vector<1xf32> to vector<1x1x1xf32>
      %reduce_sum3A_276 = vector.extract %reduce_sum3A_275[0, 0, 0] : f32 from vector<1x1x1xf32>
      %get3A_277 = arith.constant 15 : index
      %get3A_278 = arith.constant 0 : index
      %get3A_279 = arith.constant 0 : index
      %get3A_280 = vector.load %arg5[%get3A_277, %get3A_278, %get3A_279] : memref<19x8x128xf32, #tpu.memory_space<vmem>>, vector<1x8x128xf32>
      %get3A_281 = vector.shape_cast %get3A_280 : vector<1x8x128xf32> to vector<8x128xf32>
      %reduce_sum3A_282 = vector.shape_cast %get3A_281 : vector<8x128xf32> to vector<1x8x128xf32>
      %reduce_sum3A_283 = arith.constant dense<0.000000e+00> : vector<1xf32>
      %reduce_sum3A_284 = vector.multi_reduction <add>, %reduce_sum3A_282, %reduce_sum3A_283 [1, 2] : vector<1x8x128xf32> to vector<1xf32>
      %reduce_sum3A_285 = vector.shape_cast %reduce_sum3A_284 : vector<1xf32> to vector<1x1x1xf32>
      %reduce_sum3A_286 = vector.extract %reduce_sum3A_285[0, 0, 0] : f32 from vector<1x1x1xf32>
      %get3A_287 = arith.constant 16 : index
      %get3A_288 = arith.constant 0 : index
      %get3A_289 = arith.constant 0 : index
      %get3A_290 = vector.load %arg5[%get3A_287, %get3A_288, %get3A_289] : memref<19x8x128xf32, #tpu.memory_space<vmem>>, vector<1x8x128xf32>
      %get3A_291 = vector.shape_cast %get3A_290 : vector<1x8x128xf32> to vector<8x128xf32>
      %reduce_sum3A_292 = vector.shape_cast %get3A_291 : vector<8x128xf32> to vector<1x8x128xf32>
      %reduce_sum3A_293 = arith.constant dense<0.000000e+00> : vector<1xf32>
      %reduce_sum3A_294 = vector.multi_reduction <add>, %reduce_sum3A_292, %reduce_sum3A_293 [1, 2] : vector<1x8x128xf32> to vector<1xf32>
      %reduce_sum3A_295 = vector.shape_cast %reduce_sum3A_294 : vector<1xf32> to vector<1x1x1xf32>
      %reduce_sum3A_296 = vector.extract %reduce_sum3A_295[0, 0, 0] : f32 from vector<1x1x1xf32>
      %get3A_297 = arith.constant 17 : index
      %get3A_298 = arith.constant 0 : index
      %get3A_299 = arith.constant 0 : index
      %get3A_300 = vector.load %arg5[%get3A_297, %get3A_298, %get3A_299] : memref<19x8x128xf32, #tpu.memory_space<vmem>>, vector<1x8x128xf32>
      %get3A_301 = vector.shape_cast %get3A_300 : vector<1x8x128xf32> to vector<8x128xf32>
      %reduce_sum3A_302 = vector.shape_cast %get3A_301 : vector<8x128xf32> to vector<1x8x128xf32>
      %reduce_sum3A_303 = arith.constant dense<0.000000e+00> : vector<1xf32>
      %reduce_sum3A_304 = vector.multi_reduction <add>, %reduce_sum3A_302, %reduce_sum3A_303 [1, 2] : vector<1x8x128xf32> to vector<1xf32>
      %reduce_sum3A_305 = vector.shape_cast %reduce_sum3A_304 : vector<1xf32> to vector<1x1x1xf32>
      %reduce_sum3A_306 = vector.extract %reduce_sum3A_305[0, 0, 0] : f32 from vector<1x1x1xf32>
      %get3A_307 = arith.constant 18 : index
      %get3A_308 = arith.constant 0 : index
      %get3A_309 = arith.constant 0 : index
      %get3A_310 = vector.load %arg5[%get3A_307, %get3A_308, %get3A_309] : memref<19x8x128xf32, #tpu.memory_space<vmem>>, vector<1x8x128xf32>
      %get3A_311 = vector.shape_cast %get3A_310 : vector<1x8x128xf32> to vector<8x128xf32>
      %reduce_sum3A_312 = vector.shape_cast %get3A_311 : vector<8x128xf32> to vector<1x8x128xf32>
      %reduce_sum3A_313 = arith.constant dense<0.000000e+00> : vector<1xf32>
      %reduce_sum3A_314 = vector.multi_reduction <add>, %reduce_sum3A_312, %reduce_sum3A_313 [1, 2] : vector<1x8x128xf32> to vector<1xf32>
      %reduce_sum3A_315 = vector.shape_cast %reduce_sum3A_314 : vector<1xf32> to vector<1x1x1xf32>
      %reduce_sum3A_316 = vector.extract %reduce_sum3A_315[0, 0, 0] : f32 from vector<1x1x1xf32>
      %slice3A = vector.extract_strided_slice %get3A_127 {offsets = [0, 0], sizes = [128, 16], strides = [1, 1]} : vector<128x320xf32> to vector<128x16xf32>
      %reduce_sum3A_317 = vector.shape_cast %slice3A : vector<128x16xf32> to vector<1x128x16xf32>
      %reduce_sum3A_318 = arith.constant dense<0.000000e+00> : vector<1xf32>
      %reduce_sum3A_319 = vector.multi_reduction <add>, %reduce_sum3A_317, %reduce_sum3A_318 [1, 2] : vector<1x128x16xf32> to vector<1xf32>
      %reduce_sum3A_320 = vector.shape_cast %reduce_sum3A_319 : vector<1xf32> to vector<1x1x1xf32>
      %reduce_sum3A_321 = vector.extract %reduce_sum3A_320[0, 0, 0] : f32 from vector<1x1x1xf32>
      %sub3A = arith.subf %reduce_sum3A_136, %reduce_sum3A_156 : f32
      %add3A = arith.addf %reduce_sum3A_321, %sub3A : f32
      %slice3A_322 = vector.extract_strided_slice %get3A_127 {offsets = [0, 160], sizes = [128, 16], strides = [1, 1]} : vector<128x320xf32> to vector<128x16xf32>
      %reduce_sum3A_323 = vector.shape_cast %slice3A_322 : vector<128x16xf32> to vector<1x128x16xf32>
      %reduce_sum3A_324 = arith.constant dense<0.000000e+00> : vector<1xf32>
      %reduce_sum3A_325 = vector.multi_reduction <add>, %reduce_sum3A_323, %reduce_sum3A_324 [1, 2] : vector<1x128x16xf32> to vector<1xf32>
      %reduce_sum3A_326 = vector.shape_cast %reduce_sum3A_325 : vector<1xf32> to vector<1x1x1xf32>
      %reduce_sum3A_327 = vector.extract %reduce_sum3A_326[0, 0, 0] : f32 from vector<1x1x1xf32>
      %sub3A_328 = arith.constant 8.192000e+06 : f32
      %sub3A_329 = arith.subf %sub3A_328, %reduce_sum3A_146 : f32
      %add3A_330 = arith.addf %reduce_sum3A_327, %sub3A_329 : f32
      %gt3A = arith.constant 0.000000e+00 : f32
      %gt3A_331 = arith.cmpf ogt, %add3A_330, %gt3A : f32
      %jit3A = arith.constant 1.000000e+00 : f32
      %jit3A_332 = arith.constant 0.000000e+00 : f32
      %select_n3A = arith.select %gt3A_331, %jit3A, %jit3A_332 : f32
      %add3A_333 = arith.constant 0.000000e+00 : f32
      %add3A_334 = arith.addf %add3A_333, %select_n3A : f32
      %max3A = arith.constant 1.000000e+00 : f32
      %max3A_335 = arith.maximumf %add3A_330, %max3A : f32
      %div3A = arith.divf %add3A, %max3A_335 : f32
      %jit3A_336 = arith.constant 0.000000e+00 : f32
      %select_n3A_337 = arith.select %gt3A_331, %div3A, %jit3A_336 : f32
      %add3A_338 = arith.constant 0.000000e+00 : f32
      %add3A_339 = arith.addf %add3A_338, %select_n3A_337 : f32
      %slice3A_340 = vector.extract_strided_slice %get3A_127 {offsets = [0, 16], sizes = [128, 16], strides = [1, 1]} : vector<128x320xf32> to vector<128x16xf32>
      %reduce_sum3A_341 = vector.shape_cast %slice3A_340 : vector<128x16xf32> to vector<1x128x16xf32>
      %reduce_sum3A_342 = arith.constant dense<0.000000e+00> : vector<1xf32>
      %reduce_sum3A_343 = vector.multi_reduction <add>, %reduce_sum3A_341, %reduce_sum3A_342 [1, 2] : vector<1x128x16xf32> to vector<1xf32>
      %reduce_sum3A_344 = vector.shape_cast %reduce_sum3A_343 : vector<1xf32> to vector<1x1x1xf32>
      %reduce_sum3A_345 = vector.extract %reduce_sum3A_344[0, 0, 0] : f32 from vector<1x1x1xf32>
      %sub3A_346 = arith.subf %reduce_sum3A_156, %reduce_sum3A_176 : f32
      %add3A_347 = arith.addf %reduce_sum3A_345, %sub3A_346 : f32
      %slice3A_348 = vector.extract_strided_slice %get3A_127 {offsets = [0, 176], sizes = [128, 16], strides = [1, 1]} : vector<128x320xf32> to vector<128x16xf32>
      %reduce_sum3A_349 = vector.shape_cast %slice3A_348 : vector<128x16xf32> to vector<1x128x16xf32>
      %reduce_sum3A_350 = arith.constant dense<0.000000e+00> : vector<1xf32>
      %reduce_sum3A_351 = vector.multi_reduction <add>, %reduce_sum3A_349, %reduce_sum3A_350 [1, 2] : vector<1x128x16xf32> to vector<1xf32>
      %reduce_sum3A_352 = vector.shape_cast %reduce_sum3A_351 : vector<1xf32> to vector<1x1x1xf32>
      %reduce_sum3A_353 = vector.extract %reduce_sum3A_352[0, 0, 0] : f32 from vector<1x1x1xf32>
      %sub3A_354 = arith.subf %reduce_sum3A_146, %reduce_sum3A_166 : f32
      %add3A_355 = arith.addf %reduce_sum3A_353, %sub3A_354 : f32
      %gt3A_356 = arith.constant 0.000000e+00 : f32
      %gt3A_357 = arith.cmpf ogt, %add3A_355, %gt3A_356 : f32
      %jit3A_358 = arith.constant 1.000000e+00 : f32
      %jit3A_359 = arith.constant 0.000000e+00 : f32
      %select_n3A_360 = arith.select %gt3A_357, %jit3A_358, %jit3A_359 : f32
      %add3A_361 = arith.addf %add3A_334, %select_n3A_360 : f32
      %max3A_362 = arith.constant 1.000000e+00 : f32
      %max3A_363 = arith.maximumf %add3A_355, %max3A_362 : f32
      %div3A_364 = arith.divf %add3A_347, %max3A_363 : f32
      %jit3A_365 = arith.constant 0.000000e+00 : f32
      %select_n3A_366 = arith.select %gt3A_357, %div3A_364, %jit3A_365 : f32
      %add3A_367 = arith.addf %add3A_339, %select_n3A_366 : f32
      %slice3A_368 = vector.extract_strided_slice %get3A_127 {offsets = [0, 32], sizes = [128, 16], strides = [1, 1]} : vector<128x320xf32> to vector<128x16xf32>
      %reduce_sum3A_369 = vector.shape_cast %slice3A_368 : vector<128x16xf32> to vector<1x128x16xf32>
      %reduce_sum3A_370 = arith.constant dense<0.000000e+00> : vector<1xf32>
      %reduce_sum3A_371 = vector.multi_reduction <add>, %reduce_sum3A_369, %reduce_sum3A_370 [1, 2] : vector<1x128x16xf32> to vector<1xf32>
      %reduce_sum3A_372 = vector.shape_cast %reduce_sum3A_371 : vector<1xf32> to vector<1x1x1xf32>
      %reduce_sum3A_373 = vector.extract %reduce_sum3A_372[0, 0, 0] : f32 from vector<1x1x1xf32>
      %sub3A_374 = arith.subf %reduce_sum3A_176, %reduce_sum3A_196 : f32
      %add3A_375 = arith.addf %reduce_sum3A_373, %sub3A_374 : f32
      %slice3A_376 = vector.extract_strided_slice %get3A_127 {offsets = [0, 192], sizes = [128, 16], strides = [1, 1]} : vector<128x320xf32> to vector<128x16xf32>
      %reduce_sum3A_377 = vector.shape_cast %slice3A_376 : vector<128x16xf32> to vector<1x128x16xf32>
      %reduce_sum3A_378 = arith.constant dense<0.000000e+00> : vector<1xf32>
      %reduce_sum3A_379 = vector.multi_reduction <add>, %reduce_sum3A_377, %reduce_sum3A_378 [1, 2] : vector<1x128x16xf32> to vector<1xf32>
      %reduce_sum3A_380 = vector.shape_cast %reduce_sum3A_379 : vector<1xf32> to vector<1x1x1xf32>
      %reduce_sum3A_381 = vector.extract %reduce_sum3A_380[0, 0, 0] : f32 from vector<1x1x1xf32>
      %sub3A_382 = arith.subf %reduce_sum3A_166, %reduce_sum3A_186 : f32
      %add3A_383 = arith.addf %reduce_sum3A_381, %sub3A_382 : f32
      %gt3A_384 = arith.constant 0.000000e+00 : f32
      %gt3A_385 = arith.cmpf ogt, %add3A_383, %gt3A_384 : f32
      %jit3A_386 = arith.constant 1.000000e+00 : f32
      %jit3A_387 = arith.constant 0.000000e+00 : f32
      %select_n3A_388 = arith.select %gt3A_385, %jit3A_386, %jit3A_387 : f32
      %add3A_389 = arith.addf %add3A_361, %select_n3A_388 : f32
      %max3A_390 = arith.constant 1.000000e+00 : f32
      %max3A_391 = arith.maximumf %add3A_383, %max3A_390 : f32
      %div3A_392 = arith.divf %add3A_375, %max3A_391 : f32
      %jit3A_393 = arith.constant 0.000000e+00 : f32
      %select_n3A_394 = arith.select %gt3A_385, %div3A_392, %jit3A_393 : f32
      %add3A_395 = arith.addf %add3A_367, %select_n3A_394 : f32
      %slice3A_396 = vector.extract_strided_slice %get3A_127 {offsets = [0, 48], sizes = [128, 16], strides = [1, 1]} : vector<128x320xf32> to vector<128x16xf32>
      %reduce_sum3A_397 = vector.shape_cast %slice3A_396 : vector<128x16xf32> to vector<1x128x16xf32>
      %reduce_sum3A_398 = arith.constant dense<0.000000e+00> : vector<1xf32>
      %reduce_sum3A_399 = vector.multi_reduction <add>, %reduce_sum3A_397, %reduce_sum3A_398 [1, 2] : vector<1x128x16xf32> to vector<1xf32>
      %reduce_sum3A_400 = vector.shape_cast %reduce_sum3A_399 : vector<1xf32> to vector<1x1x1xf32>
      %reduce_sum3A_401 = vector.extract %reduce_sum3A_400[0, 0, 0] : f32 from vector<1x1x1xf32>
      %sub3A_402 = arith.subf %reduce_sum3A_196, %reduce_sum3A_216 : f32
      %add3A_403 = arith.addf %reduce_sum3A_401, %sub3A_402 : f32
      %slice3A_404 = vector.extract_strided_slice %get3A_127 {offsets = [0, 208], sizes = [128, 16], strides = [1, 1]} : vector<128x320xf32> to vector<128x16xf32>
      %reduce_sum3A_405 = vector.shape_cast %slice3A_404 : vector<128x16xf32> to vector<1x128x16xf32>
      %reduce_sum3A_406 = arith.constant dense<0.000000e+00> : vector<1xf32>
      %reduce_sum3A_407 = vector.multi_reduction <add>, %reduce_sum3A_405, %reduce_sum3A_406 [1, 2] : vector<1x128x16xf32> to vector<1xf32>
      %reduce_sum3A_408 = vector.shape_cast %reduce_sum3A_407 : vector<1xf32> to vector<1x1x1xf32>
      %reduce_sum3A_409 = vector.extract %reduce_sum3A_408[0, 0, 0] : f32 from vector<1x1x1xf32>
      %sub3A_410 = arith.subf %reduce_sum3A_186, %reduce_sum3A_206 : f32
      %add3A_411 = arith.addf %reduce_sum3A_409, %sub3A_410 : f32
      %gt3A_412 = arith.constant 0.000000e+00 : f32
      %gt3A_413 = arith.cmpf ogt, %add3A_411, %gt3A_412 : f32
      %jit3A_414 = arith.constant 1.000000e+00 : f32
      %jit3A_415 = arith.constant 0.000000e+00 : f32
      %select_n3A_416 = arith.select %gt3A_413, %jit3A_414, %jit3A_415 : f32
      %add3A_417 = arith.addf %add3A_389, %select_n3A_416 : f32
      %max3A_418 = arith.constant 1.000000e+00 : f32
      %max3A_419 = arith.maximumf %add3A_411, %max3A_418 : f32
      %div3A_420 = arith.divf %add3A_403, %max3A_419 : f32
      %jit3A_421 = arith.constant 0.000000e+00 : f32
      %select_n3A_422 = arith.select %gt3A_413, %div3A_420, %jit3A_421 : f32
      %add3A_423 = arith.addf %add3A_395, %select_n3A_422 : f32
      %slice3A_424 = vector.extract_strided_slice %get3A_127 {offsets = [0, 64], sizes = [128, 16], strides = [1, 1]} : vector<128x320xf32> to vector<128x16xf32>
      %reduce_sum3A_425 = vector.shape_cast %slice3A_424 : vector<128x16xf32> to vector<1x128x16xf32>
      %reduce_sum3A_426 = arith.constant dense<0.000000e+00> : vector<1xf32>
      %reduce_sum3A_427 = vector.multi_reduction <add>, %reduce_sum3A_425, %reduce_sum3A_426 [1, 2] : vector<1x128x16xf32> to vector<1xf32>
      %reduce_sum3A_428 = vector.shape_cast %reduce_sum3A_427 : vector<1xf32> to vector<1x1x1xf32>
      %reduce_sum3A_429 = vector.extract %reduce_sum3A_428[0, 0, 0] : f32 from vector<1x1x1xf32>
      %sub3A_430 = arith.subf %reduce_sum3A_216, %reduce_sum3A_236 : f32
      %add3A_431 = arith.addf %reduce_sum3A_429, %sub3A_430 : f32
      %slice3A_432 = vector.extract_strided_slice %get3A_127 {offsets = [0, 224], sizes = [128, 16], strides = [1, 1]} : vector<128x320xf32> to vector<128x16xf32>
      %reduce_sum3A_433 = vector.shape_cast %slice3A_432 : vector<128x16xf32> to vector<1x128x16xf32>
      %reduce_sum3A_434 = arith.constant dense<0.000000e+00> : vector<1xf32>
      %reduce_sum3A_435 = vector.multi_reduction <add>, %reduce_sum3A_433, %reduce_sum3A_434 [1, 2] : vector<1x128x16xf32> to vector<1xf32>
      %reduce_sum3A_436 = vector.shape_cast %reduce_sum3A_435 : vector<1xf32> to vector<1x1x1xf32>
      %reduce_sum3A_437 = vector.extract %reduce_sum3A_436[0, 0, 0] : f32 from vector<1x1x1xf32>
      %sub3A_438 = arith.subf %reduce_sum3A_206, %reduce_sum3A_226 : f32
      %add3A_439 = arith.addf %reduce_sum3A_437, %sub3A_438 : f32
      %gt3A_440 = arith.constant 0.000000e+00 : f32
      %gt3A_441 = arith.cmpf ogt, %add3A_439, %gt3A_440 : f32
      %jit3A_442 = arith.constant 1.000000e+00 : f32
      %jit3A_443 = arith.constant 0.000000e+00 : f32
      %select_n3A_444 = arith.select %gt3A_441, %jit3A_442, %jit3A_443 : f32
      %add3A_445 = arith.addf %add3A_417, %select_n3A_444 : f32
      %max3A_446 = arith.constant 1.000000e+00 : f32
      %max3A_447 = arith.maximumf %add3A_439, %max3A_446 : f32
      %div3A_448 = arith.divf %add3A_431, %max3A_447 : f32
      %jit3A_449 = arith.constant 0.000000e+00 : f32
      %select_n3A_450 = arith.select %gt3A_441, %div3A_448, %jit3A_449 : f32
      %add3A_451 = arith.addf %add3A_423, %select_n3A_450 : f32
      %slice3A_452 = vector.extract_strided_slice %get3A_127 {offsets = [0, 80], sizes = [128, 16], strides = [1, 1]} : vector<128x320xf32> to vector<128x16xf32>
      %reduce_sum3A_453 = vector.shape_cast %slice3A_452 : vector<128x16xf32> to vector<1x128x16xf32>
      %reduce_sum3A_454 = arith.constant dense<0.000000e+00> : vector<1xf32>
      %reduce_sum3A_455 = vector.multi_reduction <add>, %reduce_sum3A_453, %reduce_sum3A_454 [1, 2] : vector<1x128x16xf32> to vector<1xf32>
      %reduce_sum3A_456 = vector.shape_cast %reduce_sum3A_455 : vector<1xf32> to vector<1x1x1xf32>
      %reduce_sum3A_457 = vector.extract %reduce_sum3A_456[0, 0, 0] : f32 from vector<1x1x1xf32>
      %sub3A_458 = arith.subf %reduce_sum3A_236, %reduce_sum3A_256 : f32
      %add3A_459 = arith.addf %reduce_sum3A_457, %sub3A_458 : f32
      %slice3A_460 = vector.extract_strided_slice %get3A_127 {offsets = [0, 240], sizes = [128, 16], strides = [1, 1]} : vector<128x320xf32> to vector<128x16xf32>
      %reduce_sum3A_461 = vector.shape_cast %slice3A_460 : vector<128x16xf32> to vector<1x128x16xf32>
      %reduce_sum3A_462 = arith.constant dense<0.000000e+00> : vector<1xf32>
      %reduce_sum3A_463 = vector.multi_reduction <add>, %reduce_sum3A_461, %reduce_sum3A_462 [1, 2] : vector<1x128x16xf32> to vector<1xf32>
      %reduce_sum3A_464 = vector.shape_cast %reduce_sum3A_463 : vector<1xf32> to vector<1x1x1xf32>
      %reduce_sum3A_465 = vector.extract %reduce_sum3A_464[0, 0, 0] : f32 from vector<1x1x1xf32>
      %sub3A_466 = arith.subf %reduce_sum3A_226, %reduce_sum3A_246 : f32
      %add3A_467 = arith.addf %reduce_sum3A_465, %sub3A_466 : f32
      %gt3A_468 = arith.constant 0.000000e+00 : f32
      %gt3A_469 = arith.cmpf ogt, %add3A_467, %gt3A_468 : f32
      %jit3A_470 = arith.constant 1.000000e+00 : f32
      %jit3A_471 = arith.constant 0.000000e+00 : f32
      %select_n3A_472 = arith.select %gt3A_469, %jit3A_470, %jit3A_471 : f32
      %add3A_473 = arith.addf %add3A_445, %select_n3A_472 : f32
      %max3A_474 = arith.constant 1.000000e+00 : f32
      %max3A_475 = arith.maximumf %add3A_467, %max3A_474 : f32
      %div3A_476 = arith.divf %add3A_459, %max3A_475 : f32
      %jit3A_477 = arith.constant 0.000000e+00 : f32
      %select_n3A_478 = arith.select %gt3A_469, %div3A_476, %jit3A_477 : f32
      %add3A_479 = arith.addf %add3A_451, %select_n3A_478 : f32
      %slice3A_480 = vector.extract_strided_slice %get3A_127 {offsets = [0, 96], sizes = [128, 16], strides = [1, 1]} : vector<128x320xf32> to vector<128x16xf32>
      %reduce_sum3A_481 = vector.shape_cast %slice3A_480 : vector<128x16xf32> to vector<1x128x16xf32>
      %reduce_sum3A_482 = arith.constant dense<0.000000e+00> : vector<1xf32>
      %reduce_sum3A_483 = vector.multi_reduction <add>, %reduce_sum3A_481, %reduce_sum3A_482 [1, 2] : vector<1x128x16xf32> to vector<1xf32>
      %reduce_sum3A_484 = vector.shape_cast %reduce_sum3A_483 : vector<1xf32> to vector<1x1x1xf32>
      %reduce_sum3A_485 = vector.extract %reduce_sum3A_484[0, 0, 0] : f32 from vector<1x1x1xf32>
      %sub3A_486 = arith.subf %reduce_sum3A_256, %reduce_sum3A_276 : f32
      %add3A_487 = arith.addf %reduce_sum3A_485, %sub3A_486 : f32
      %slice3A_488 = vector.extract_strided_slice %get3A_127 {offsets = [0, 256], sizes = [128, 16], strides = [1, 1]} : vector<128x320xf32> to vector<128x16xf32>
      %reduce_sum3A_489 = vector.shape_cast %slice3A_488 : vector<128x16xf32> to vector<1x128x16xf32>
      %reduce_sum3A_490 = arith.constant dense<0.000000e+00> : vector<1xf32>
      %reduce_sum3A_491 = vector.multi_reduction <add>, %reduce_sum3A_489, %reduce_sum3A_490 [1, 2] : vector<1x128x16xf32> to vector<1xf32>
      %reduce_sum3A_492 = vector.shape_cast %reduce_sum3A_491 : vector<1xf32> to vector<1x1x1xf32>
      %reduce_sum3A_493 = vector.extract %reduce_sum3A_492[0, 0, 0] : f32 from vector<1x1x1xf32>
      %sub3A_494 = arith.subf %reduce_sum3A_246, %reduce_sum3A_266 : f32
      %add3A_495 = arith.addf %reduce_sum3A_493, %sub3A_494 : f32
      %gt3A_496 = arith.constant 0.000000e+00 : f32
      %gt3A_497 = arith.cmpf ogt, %add3A_495, %gt3A_496 : f32
      %jit3A_498 = arith.constant 1.000000e+00 : f32
      %jit3A_499 = arith.constant 0.000000e+00 : f32
      %select_n3A_500 = arith.select %gt3A_497, %jit3A_498, %jit3A_499 : f32
      %add3A_501 = arith.addf %add3A_473, %select_n3A_500 : f32
      %max3A_502 = arith.constant 1.000000e+00 : f32
      %max3A_503 = arith.maximumf %add3A_495, %max3A_502 : f32
      %div3A_504 = arith.divf %add3A_487, %max3A_503 : f32
      %jit3A_505 = arith.constant 0.000000e+00 : f32
      %select_n3A_506 = arith.select %gt3A_497, %div3A_504, %jit3A_505 : f32
      %add3A_507 = arith.addf %add3A_479, %select_n3A_506 : f32
      %slice3A_508 = vector.extract_strided_slice %get3A_127 {offsets = [0, 112], sizes = [128, 16], strides = [1, 1]} : vector<128x320xf32> to vector<128x16xf32>
      %reduce_sum3A_509 = vector.shape_cast %slice3A_508 : vector<128x16xf32> to vector<1x128x16xf32>
      %reduce_sum3A_510 = arith.constant dense<0.000000e+00> : vector<1xf32>
      %reduce_sum3A_511 = vector.multi_reduction <add>, %reduce_sum3A_509, %reduce_sum3A_510 [1, 2] : vector<1x128x16xf32> to vector<1xf32>
      %reduce_sum3A_512 = vector.shape_cast %reduce_sum3A_511 : vector<1xf32> to vector<1x1x1xf32>
      %reduce_sum3A_513 = vector.extract %reduce_sum3A_512[0, 0, 0] : f32 from vector<1x1x1xf32>
      %sub3A_514 = arith.subf %reduce_sum3A_276, %reduce_sum3A_296 : f32
      %add3A_515 = arith.addf %reduce_sum3A_513, %sub3A_514 : f32
      %slice3A_516 = vector.extract_strided_slice %get3A_127 {offsets = [0, 272], sizes = [128, 16], strides = [1, 1]} : vector<128x320xf32> to vector<128x16xf32>
      %reduce_sum3A_517 = vector.shape_cast %slice3A_516 : vector<128x16xf32> to vector<1x128x16xf32>
      %reduce_sum3A_518 = arith.constant dense<0.000000e+00> : vector<1xf32>
      %reduce_sum3A_519 = vector.multi_reduction <add>, %reduce_sum3A_517, %reduce_sum3A_518 [1, 2] : vector<1x128x16xf32> to vector<1xf32>
      %reduce_sum3A_520 = vector.shape_cast %reduce_sum3A_519 : vector<1xf32> to vector<1x1x1xf32>
      %reduce_sum3A_521 = vector.extract %reduce_sum3A_520[0, 0, 0] : f32 from vector<1x1x1xf32>
      %sub3A_522 = arith.subf %reduce_sum3A_266, %reduce_sum3A_286 : f32
      %add3A_523 = arith.addf %reduce_sum3A_521, %sub3A_522 : f32
      %gt3A_524 = arith.constant 0.000000e+00 : f32
      %gt3A_525 = arith.cmpf ogt, %add3A_523, %gt3A_524 : f32
      %jit3A_526 = arith.constant 1.000000e+00 : f32
      %jit3A_527 = arith.constant 0.000000e+00 : f32
      %select_n3A_528 = arith.select %gt3A_525, %jit3A_526, %jit3A_527 : f32
      %add3A_529 = arith.addf %add3A_501, %select_n3A_528 : f32
      %max3A_530 = arith.constant 1.000000e+00 : f32
      %max3A_531 = arith.maximumf %add3A_523, %max3A_530 : f32
      %div3A_532 = arith.divf %add3A_515, %max3A_531 : f32
      %jit3A_533 = arith.constant 0.000000e+00 : f32
      %select_n3A_534 = arith.select %gt3A_525, %div3A_532, %jit3A_533 : f32
      %add3A_535 = arith.addf %add3A_507, %select_n3A_534 : f32
      %slice3A_536 = vector.extract_strided_slice %get3A_127 {offsets = [0, 128], sizes = [128, 16], strides = [1, 1]} : vector<128x320xf32> to vector<128x16xf32>
      %reduce_sum3A_537 = vector.shape_cast %slice3A_536 : vector<128x16xf32> to vector<1x128x16xf32>
      %reduce_sum3A_538 = arith.constant dense<0.000000e+00> : vector<1xf32>
      %reduce_sum3A_539 = vector.multi_reduction <add>, %reduce_sum3A_537, %reduce_sum3A_538 [1, 2] : vector<1x128x16xf32> to vector<1xf32>
      %reduce_sum3A_540 = vector.shape_cast %reduce_sum3A_539 : vector<1xf32> to vector<1x1x1xf32>
      %reduce_sum3A_541 = vector.extract %reduce_sum3A_540[0, 0, 0] : f32 from vector<1x1x1xf32>
      %sub3A_542 = arith.subf %reduce_sum3A_296, %reduce_sum3A_316 : f32
      %add3A_543 = arith.addf %reduce_sum3A_541, %sub3A_542 : f32
      %slice3A_544 = vector.extract_strided_slice %get3A_127 {offsets = [0, 288], sizes = [128, 16], strides = [1, 1]} : vector<128x320xf32> to vector<128x16xf32>
      %reduce_sum3A_545 = vector.shape_cast %slice3A_544 : vector<128x16xf32> to vector<1x128x16xf32>
      %reduce_sum3A_546 = arith.constant dense<0.000000e+00> : vector<1xf32>
      %reduce_sum3A_547 = vector.multi_reduction <add>, %reduce_sum3A_545, %reduce_sum3A_546 [1, 2] : vector<1x128x16xf32> to vector<1xf32>
      %reduce_sum3A_548 = vector.shape_cast %reduce_sum3A_547 : vector<1xf32> to vector<1x1x1xf32>
      %reduce_sum3A_549 = vector.extract %reduce_sum3A_548[0, 0, 0] : f32 from vector<1x1x1xf32>
      %sub3A_550 = arith.subf %reduce_sum3A_286, %reduce_sum3A_306 : f32
      %add3A_551 = arith.addf %reduce_sum3A_549, %sub3A_550 : f32
      %gt3A_552 = arith.constant 0.000000e+00 : f32
      %gt3A_553 = arith.cmpf ogt, %add3A_551, %gt3A_552 : f32
      %jit3A_554 = arith.constant 1.000000e+00 : f32
      %jit3A_555 = arith.constant 0.000000e+00 : f32
      %select_n3A_556 = arith.select %gt3A_553, %jit3A_554, %jit3A_555 : f32
      %add3A_557 = arith.addf %add3A_529, %select_n3A_556 : f32
      %max3A_558 = arith.constant 1.000000e+00 : f32
      %max3A_559 = arith.maximumf %add3A_551, %max3A_558 : f32
      %div3A_560 = arith.divf %add3A_543, %max3A_559 : f32
      %jit3A_561 = arith.constant 0.000000e+00 : f32
      %select_n3A_562 = arith.select %gt3A_553, %div3A_560, %jit3A_561 : f32
      %add3A_563 = arith.addf %add3A_535, %select_n3A_562 : f32
      %slice3A_564 = vector.extract_strided_slice %get3A_127 {offsets = [0, 144], sizes = [128, 16], strides = [1, 1]} : vector<128x320xf32> to vector<128x16xf32>
      %reduce_sum3A_565 = vector.shape_cast %slice3A_564 : vector<128x16xf32> to vector<1x128x16xf32>
      %reduce_sum3A_566 = arith.constant dense<0.000000e+00> : vector<1xf32>
      %reduce_sum3A_567 = vector.multi_reduction <add>, %reduce_sum3A_565, %reduce_sum3A_566 [1, 2] : vector<1x128x16xf32> to vector<1xf32>
      %reduce_sum3A_568 = vector.shape_cast %reduce_sum3A_567 : vector<1xf32> to vector<1x1x1xf32>
      %reduce_sum3A_569 = vector.extract %reduce_sum3A_568[0, 0, 0] : f32 from vector<1x1x1xf32>
      %sub3A_570 = arith.constant 0.000000e+00 : f32
      %sub3A_571 = arith.subf %reduce_sum3A_316, %sub3A_570 : f32
      %add3A_572 = arith.addf %reduce_sum3A_569, %sub3A_571 : f32
      %slice3A_573 = vector.extract_strided_slice %get3A_127 {offsets = [0, 304], sizes = [128, 16], strides = [1, 1]} : vector<128x320xf32> to vector<128x16xf32>
      %reduce_sum3A_574 = vector.shape_cast %slice3A_573 : vector<128x16xf32> to vector<1x128x16xf32>
      %reduce_sum3A_575 = arith.constant dense<0.000000e+00> : vector<1xf32>
      %reduce_sum3A_576 = vector.multi_reduction <add>, %reduce_sum3A_574, %reduce_sum3A_575 [1, 2] : vector<1x128x16xf32> to vector<1xf32>
      %reduce_sum3A_577 = vector.shape_cast %reduce_sum3A_576 : vector<1xf32> to vector<1x1x1xf32>
      %reduce_sum3A_578 = vector.extract %reduce_sum3A_577[0, 0, 0] : f32 from vector<1x1x1xf32>
      %sub3A_579 = arith.constant 0.000000e+00 : f32
      %sub3A_580 = arith.subf %reduce_sum3A_306, %sub3A_579 : f32
      %add3A_581 = arith.addf %reduce_sum3A_578, %sub3A_580 : f32
      %gt3A_582 = arith.constant 0.000000e+00 : f32
      %gt3A_583 = arith.cmpf ogt, %add3A_581, %gt3A_582 : f32
      %jit3A_584 = arith.constant 1.000000e+00 : f32
      %jit3A_585 = arith.constant 0.000000e+00 : f32
      %select_n3A_586 = arith.select %gt3A_583, %jit3A_584, %jit3A_585 : f32
      %add3A_587 = arith.addf %add3A_557, %select_n3A_586 : f32
      %max3A_588 = arith.constant 1.000000e+00 : f32
      %max3A_589 = arith.maximumf %add3A_581, %max3A_588 : f32
      %div3A_590 = arith.divf %add3A_572, %max3A_589 : f32
      %jit3A_591 = arith.constant 0.000000e+00 : f32
      %select_n3A_592 = arith.select %gt3A_583, %div3A_590, %jit3A_591 : f32
      %add3A_593 = arith.addf %add3A_563, %select_n3A_592 : f32
      %max3A_594 = arith.constant 1.000000e+00 : f32
      %max3A_595 = arith.maximumf %add3A_587, %max3A_594 : f32
      %div3A_596 = arith.divf %add3A_593, %max3A_595 : f32
      %swap3A_597 = arith.constant 0 : index
      %swap3A_598 = memref.load %arg4[%swap3A_597] : memref<1xf32, #tpu.memory_space<smem>>
      memref.store %div3A_596, %arg4[%swap3A_597] : memref<1xf32, #tpu.memory_space<smem>>
    } else {
    }
    return
  }
  func.func @transform_0(%arg0: i32) -> (i32, i32) {
    %add3A = arith.constant 32 : i32
    %add3A_0 = arith.addi %arg0, %add3A : i32
    %c0_i32 = arith.constant 0 : i32
    %c0_i32_1 = arith.constant 0 : i32
    return %add3A_0, %c0_i32 : i32, i32
  }
  func.func @transform_1(%arg0: i32) -> (i32, i32) {
    %add3A = arith.constant 32 : i32
    %add3A_0 = arith.addi %arg0, %add3A : i32
    %c0_i32 = arith.constant 0 : i32
    %c0_i32_1 = arith.constant 0 : i32
    return %add3A_0, %c0_i32 : i32, i32
  }
  func.func @transform_2(%arg0: i32) -> (i32, i32) {
    %c0_i32 = arith.constant 0 : i32
    %c0_i32_0 = arith.constant 0 : i32
    %c0_i32_1 = arith.constant 0 : i32
    return %c0_i32, %c0_i32_0 : i32, i32
  }
  func.func @transform_3(%arg0: i32) -> i32 {
    %c0_i32 = arith.constant 0 : i32
    %c0_i32_0 = arith.constant 0 : i32
    return %c0_i32 : i32
  }
}

</mosaic_0001>

<sc_bundles>
// kernel: kernel.4.cloned.1.call-start
scs
__scs_entry_jumppad:
0x0: {  	(pc) =	sbr.rel $0x88, $3  }
0x1: {  	(tag) =	ssettag $0x0;
	lr =	simm.s32 $0x1  }
0x2: {  	[smem:$0x3F9F] =	sst lr;
	_ =	strace $0xD0000000  }
0x3: {  	_ = 	snop  }
0x4: {  	_ = 	snop  }
0x5: {  	_ = 	snop  }
0x6: {  	_ = 	snop  }
0x7: {  	_ = 	snop  }
__scs_overlays_trampoline_lowered:
0x8: {  	[smem:$0x3FAE] =	sst s0  }
0x9: {  	[smem:$0x3FAF] =	sst s1  }
0xa: {  	[smem:$0x3FB0] =	sst s2  }
0xb: {  	[smem:$0x3FB1] =	sst s3  }
0xc: {  	[smem:$0x3FB2] =	sst s4  }
0xd: {  	[smem:$0x3FB3] =	sst s5  }
0xe: {  	[smem:$0x3FB4] =	sst s6  }
0xf: {  	[smem:$0x3FB5] =	sst s7  }
0x10: {  	[smem:$0x3FB6] =	sst s8  }
0x11: {  	[smem:$0x3FB7] =	sst s9;
	s0 =	simm.s32 @!p0 $0x0  }
0x12: {  	s1 =	sld [smem:$0x3F9D];
	s0 =	simm.s32 @p0 $0x1  }
0x13: {  	[smem:$0x3FB8] =	sst s0;
	s0 =	simm.s32 @!p1 $0x0  }
0x14: {  	s2 =	sld [smem:$0x3F9C];
	s0 =	simm.s32 @p1 $0x1  }
0x15: {  	[smem:$0x3FB9] =	sst s0;
	s0 =	simm.s32 @!p2 $0x0  }
0x16: {  	s3 =	sld [smem:$0x3FDB];
	s0 =	simm.s32 @p2 $0x1  }
0x17: {  	s4 =	simm.s32 $0x1BF5;
	[smem:$0x3FBB] =	sst s0  }
0x18: {  	s0 =	sld [smem:$0x3F9E];
	_ =	swait.ge [sflag:s4], $0x0  }
0x19: {  	s7 =	sld [smem:$0x3F9F]  }
0x1a: {  	s8 =	sadd.s32 $0xFFFFE003, lr  }
0x1b: {  	s9 =	sadd.s32 $0xFFFFFEF7, lr;
	s5 =	simm.s32 $0xFFFFFFFF;
	p2 =	slt.u32 s8, $0xFFFFF086  }
0x1c: {  	p1 =	slt.u32 s9, $0xF7A;
	s5 =	simm.s32 @!p2 $0x0  }
0x1d: {  	s5 =	simm.s32 @p1 $0x1;
	p0 =	seq.s32 s7, s2  }
0x1e: {  	s7 =	smul.u32 @!p0 $0xF7A, s2;
	p2 =	seq.s32 @!p0 s5, $0x0  }
0x1f: {  	s9 =	smul.u32 $0xF7A, s1;
	s8 =	simm.s32 @!p0 $0x1BF5;
	p2 =	por !p2, p0  }
0x20: {  	[sflag:s8] =	ssyncset.s32 @!p0 $0xFFFFF086;
	s6 =	sadd.s32 @!p0 s3, s7;
	s7 =	simm.s32 @!p0 $0x108  }
0x21: {  	s3 =	sadd.s32 s3, s9;
	s6 =	sadd.s32 @!p0 $0x88, s6;
	s7 =	simm.s32 @p2 $0x1082  }
0x22: {  	[simem:s7], [sflag:s8] =	dma.local @!p0 [hbm:s6], $0xF7A  }
0x23: {  	s9 =	sor.u32 $0xD0000000, s2;
	s6 =	simm.s32 $0x108;
	_ =	swait.ge @!p0 [sflag:s8], $0x0  }
0x24: {  	s3 =	sadd.s32 $0x88, s3;
	s6 =	simm.s32 @!p1 $0x1082;
	[sflag:s4] =	ssyncset.s32 $0xFFFFF086  }
0x25: {  	[simem:s6], [sflag:s4] =	dma.local [hbm:s3], $0xF7A  }
0x26: {  	[smem:$0x3F9F] =	sst s1;
	(tag) =	ssettag s2;
	_ =	strace s9  }
0x27: {  	s1 =	sld [smem:$0x3FAF]  }
0x28: {  	s2 =	sld [smem:$0x3FB0]  }
0x29: {  	s4 =	sld [smem:$0x3FB2]  }
0x2a: {  	p0 =	seq.s32 s5, $0x0;
	s5 =	sld [smem:$0x3FB3]  }
0x2b: {  	s6 =	sld [smem:$0x3FB4]  }
0x2c: {  	s7 =	sld [smem:$0x3FB5]  }
0x2d: {  	s3 =	simm.s32 $0x108;
	s8 =	sld [smem:$0x3FB6]  }
0x2e: {  	s3 =	simm.s32 @!p0 $0x1082;
	s9 =	sld [smem:$0x3FB7]  }
0x2f: {  	lr =	sadd.s32 s0, s3;
	s0 =	sld [smem:$0x3FAE]  }
0x30: {  	s3 =	sld [smem:$0x3FB1]  }
0x31: {  	[smem:$0x3FBA] =	sst s10  }
0x32: {  	s10 =	sld [smem:$0x3FB8];
	_ =	sdelay $0x3  }
0x33: {  	p0 =	seq.s32 s10, $0x1;
	s10 =	sld [smem:$0x3FBA];
	_ =	sdelay $0x3  }
0x34: {  	[smem:$0x3FBA] =	sst s10  }
0x35: {  	s10 =	sld [smem:$0x3FB9];
	_ =	sdelay $0x3  }
0x36: {  	p1 =	seq.s32 s10, $0x1;
	s10 =	sld [smem:$0x3FBA];
	_ =	sdelay $0x3  }
0x37: {  	[smem:$0x3FBA] =	sst s10  }
0x38: {  	s10 =	sld [smem:$0x3FBB]  }
0x39: {  	_ = 	snop;
	(pc) =	sbr.ind lr, $3  }
0x3a: {  	_ = 	snop  }
0x3b: {  	_ = 	snop  }
0x3c: {  	p2 =	seq.s32 s10, $0x1;
	s10 =	sld [smem:$0x3FBA]  }
0x3d: {  	_ =	shalt  }
0x3e: {  	_ =	shalt  }
0x3f: {  	_ =	shalt  }
0x40: {  	_ =	shalt  }
0x41: {  	_ =	shalt  }
0x42: {  	_ =	shalt  }
0x43: {  	_ =	shalt  }
0x44: {  	_ =	shalt  }
0x45: {  	_ =	shalt  }
0x46: {  	_ =	shalt  }
0x47: {  	_ =	shalt  }
0x48: {  	_ =	shalt  }
0x49: {  	_ =	shalt  }
0x4a: {  	_ =	shalt  }
0x4b: {  	_ =	shalt  }
0x4c: {  	_ =	shalt  }
0x4d: {  	_ =	shalt  }
0x4e: {  	_ =	shalt  }
0x4f: {  	_ =	shalt  }
0x50: {  	_ =	shalt  }
0x51: {  	_ =	shalt  }
0x52: {  	_ =	shalt  }
0x53: {  	_ =	shalt  }
0x54: {  	_ =	shalt  }
0x55: {  	_ =	shalt  }
0x56: {  	_ =	shalt  }
0x57: {  	_ =	shalt  }
0x58: {  	_ =	shalt  }
0x59: {  	_ =	shalt  }
0x5a: {  	_ =	shalt  }
0x5b: {  	_ =	shalt  }
0x5c: {  	_ =	shalt  }
0x5d: {  	_ =	shalt  }
0x5e: {  	_ =	shalt  }
0x5f: {  	_ =	shalt  }
0x60: {  	_ =	shalt  }
0x61: {  	_ =	shalt  }
0x62: {  	_ =	shalt  }
0x63: {  	_ =	shalt  }
0x64: {  	_ =	shalt  }
0x65: {  	_ =	shalt  }
0x66: {  	_ =	shalt  }
0x67: {  	_ =	shalt  }
0x68: {  	_ =	shalt  }
0x69: {  	_ =	shalt  }
0x6a: {  	_ =	shalt  }
0x6b: {  	_ =	shalt  }
0x6c: {  	_ =	shalt  }
0x6d: {  	_ =	shalt  }
0x6e: {  	_ =	shalt  }
0x6f: {  	_ =	shalt  }
0x70: {  	_ =	shalt  }
0x71: {  	_ =	shalt  }
0x72: {  	_ =	shalt  }
0x73: {  	_ =	shalt  }
0x74: {  	_ =	shalt  }
0x75: {  	_ =	shalt  }
0x76: {  	_ =	shalt  }
0x77: {  	_ =	shalt  }
0x78: {  	_ =	shalt  }
0x79: {  	_ =	shalt  }
0x7a: {  	_ =	shalt  }
0x7b: {  	_ =	shalt  }
0x7c: {  	_ =	shalt  }
0x7d: {  	_ =	shalt  }
0x7e: {  	_ =	shalt  }
0x7f: {  	_ =	shalt  }
0x80: {  	_ =	shalt  }
0x81: {  	_ =	shalt  }
0x82: {  	_ =	shalt  }
0x83: {  	_ =	shalt  }
0x84: {  	_ =	shalt  }
0x85: {  	_ =	shalt  }
0x86: {  	_ =	shalt  }
0x87: {  	_ =	shalt  }
.Lfunc_end0:
.L_simem_size_0:
called_computation_lowered:
.L_overlay_start_0:
0x88: {  	s2 =	sld [smem:$0x3FD9]  }
0x89: {  	s3 =	sld [smem:$0x3FFE];
	_ =	sdelay $0x1  }
0x8a: {  	s1 =	srdreg.scid  }
0x8b: {  	s0 =	sand.u32 $0x1, s1  }
0x8c: {  	s16 =	sshll.u32 s0, $0xA;
	s2 =	sadd.s32 s3, s2  }
0x8d: {  	s2 =	sadd.s32 s2, s16  }
0x8e: {  	[smem:$0x3FC6] =	sst s2  }
0x8f: {  	_ = 	snop  }
0x90: {  	(tm) =	ssettm $0x1  }
0x91: {  	s17 =	sld [smem:$0x3FFB];
	_ =	sdelay $0x3  }
0x92: {  	_ =	strace s17  }
0x93: {  	s2 =	sld [smem:$0x3FFC];
	_ =	sdelay $0x3  }
0x94: {  	_ =	strace s2  }
0x95: {  	s2 =	sld [smem:$0x3FFD];
	_ =	sdelay $0x3  }
0x96: {  	_ =	strace s2  }
0x97: {  	_ =	strace $0x8FFFFFFF  }
0x98: {  	s18 =	sld [smem:$0x3FDB];
	_ =	sdelay $0x1  }
0x99: {  	s19 =	simm.s32 $_scs_section_size  }
0x9a: {  	s4 =	simm.s32 $_size__tile_overlayer_lowered;
	s5 =	simm.s32 $_tile_overlayer_lowered  }
0x9b: {  	s22 =	simm.s32 $0x1BFF;
	s21 =	sshll.u32 s5, $0x1;
	s2 =	sadd.s32 s19, s18  }
0x9c: {  	s6 =	simm.s32 $0x0;
	s20 =	sshll.u32 s4, $0x1;
	s4 =	sadd.s32 s21, s2  }
0x9d: {  	[timem:s6], [sflag:s22] =	dma.local [hbm:s4], s20  }
0x9e: {  	_ =	swait.ge [sflag:s22], s20  }
0x9f: {  	s3 =	ssub.s32 $0x0, s20;
	[sflag:s22] =	ssyncset.done $0x0  }
0xa0: {  	[sflag:s22] =	ssyncadd.s32 s3;
	_ =	sdelay $0x1  }
0xa1: {  	s23 =	simm.s32 $0x1B8B  }
0xa2: {  	_ =	swait.ge [sflag:s23], $0x1  }
0xa3: {  	[sflag:s23] =	ssyncset.done $0x0  }
0xa4: {  	s25 =	simm.s32 $0x1B8E;
	s24 =	sld [smem:$0x3FFE];
	[sflag:s23] =	ssyncadd.s32 $0xFFFFFFFF  }
0xa5: {  	s26 =	simm.s32 $execute0_lowered;
	[smem:$0x3FD2] =	sst s25  }
0xa6: {  	s4 =	sshll.u32 s26, $0x1;
	_ =	strace $0x80000046;
	[dreg:$0x1] =	wrdreg $0xFFFFFFFF  }
0xa7: {  	s28 =	simm.s32 $_size_execute0_lowered;
	s2 =	sadd.s32 s2, s4;
	[dreg:$0x0] =	wrdreg $0x0  }
0xa8: {  	s4 =	sshll.u32 s28, $0x1;
	[dreg:$0x2] =	wrdreg s2  }
0xa9: {  	[dreg:$0x3] =	wrdreg s4  }
0xaa: {  	[dreg:$0x4] =	wrdreg $0xC0  }
0xab: {  	_ =	task [dreg:s6], $0x5FFFF  }
0xac: {  	[dreg:$0x1] =	wrdreg $0xFFFFFFFF  }
0xad: {  	[dreg:$0x0] =	wrdreg $0x60  }
0xae: {  	[dreg:$0x2] =	wrdreg s24  }
0xaf: {  	[dreg:$0x3] =	wrdreg $0x9  }
0xb0: {  	_ =	task.clear_ibuf [dreg:s6], $0x4FFFF;
	_ =	strace $0x90000046  }
0xb1: {  	s29 =	simm.s32 $0x9;
	_ =	strace $0x80000048  }
0xb2: {  	_ =	swait.ge [sflag:s29], $0x1  }
0xb3: {  	[sflag:s29] =	ssyncadd.s32 $0xFFFFFFFF  }
0xb4: {  	_ =	strace $0x90000048  }
0xb5: {  	_ =	sfence  }
0xb6: {  	s30 =	sld [smem:$0x0];
	_ =	sdelay $0x2  }
0xb7: {  	s31 =	sshll.u32 s1, $0xD;
	s1 =	sshrl.u32 s1, $0x2  }
0xb8: {  	s3 =	sand.u32 $0x4000, s31;
	s1 =	sadd.s32 s1, s30  }
0xb9: {  	s0 =	sor.u32 s3, s0;
	s1 =	sshll.u32 s1, $0x11  }
0xba: {  	s0 =	sor.u32 s1, s0  }
0xbb: {  	s0 =	sadd.s32 $0x8F2B, s0  }
0xbc: {  	[sflag:s0] =	ssyncadd.remote.s32 $0x1  }
0xbd: {  	_ =	sfence.sel $0xFFFF  }
0xbe: {  	[dreg:$0x0] =	wrdreg $0xFFFFFFFF;
	(pc) =	sbr.abs _section_cstart, $3  }
0xbf: {  	[dreg:$0x1] =	wrdreg $0xFFFFFFFF  }
0xc0: {  	_ =	task.clear_ibuf [dreg:s6], $0x2FFFF;
	_ =	strace $0x9FFFFFFF  }
0xc1: {  	(tm) =	ssettm $0x7FFFFFFF  }
tec
execute0_lowered:
.L_overlay_start_1:
0x0: {  	(tag) =	ssettag $0x1  }
0x1: {  	s1 =	srdreg.scid  }
0x2: {  	s0 =	stileid.u32;
	s6 =	rddreg [dreg:$0x0]  }
0x3: {  	s2 =	simm.s32 $0x0;
	s11 =	simm.s32 $0x7D00;
	s12 =	simm.s32 $0xBB80  }
0x4: {  	s13 =	simm.s32 $0x1;
	s14 =	simm.s32 $0x2;
	s15 =	simm.s32 $0xFA00  }
0x5: {  	s16 =	simm.s32 $0x3;
	s7 =	sand.u32 $0x1, s1;
	s3 =	sshll.u32 s0, $0x1  }
0x6: {  	s17 =	simm.s32 $0x4;
	s18 =	simm.s32 $0x5;
	s3 =	sor.u32 s7, s3  }
0x7: {  	s19 =	simm.s32 $0x0;
	s1 =	rddreg [dreg:$0x1];
	s8 =	smul.u32 $0xA0, s3  }
0x8: {  	[smem:$0x7FF] =	sst s2;
	s7 =	ssub.s32 $0x2, s7;
	s3 =	smul.u32 $0x3E800, s3  }
0x9: {  	v0 =	vlaneseq.u32;
	s4 =	sadd.s32 $0x100C00, s6;
	s5 =	sadd.s32 $0x1FAC00, s6;
	s31 =	sshrl.u32 s7, $0x1  }
0xa: {  	v1 =	vimm.f32 $0.0e+00;
	v2 =	vimm.f32 $1.000000000e+00;
	v3 =	vor.u32 $0xA0, v0;
	_ =	strace $0x80000047;
	s10 =	ssub.s32 s7, s31;
	s9 =	sshrl.u32 s3, $0x3  }
0xb: {  	v4 =	vor.u32 $0x140, v0;
	v5 =	vor.u32 $0x1E0, v0;
	v6 =	vor.u32 $0x280, v0;
	s8 =	sadd.s32 s8, s6;
	s6 =	sadd.s32 s4, s9;
	s7 =	sadd.s32 s5, s9  }
0xc: {  	v7 =	vor.u32 $0x320, v0;
	v8 =	vor.u32 $0x3C0, v0;
	v9 =	vor.u32 $0x460, v0;
	s8 =	sadd.s32 $0xC00, s8;
	s9 =	smax.u32 s10, $0x1;
	s10 =	simm.s32 $0x3E80  }
.LBB2_1:
0xd: {  	[tilespmem:$0xFA00] =	vst v1  }
0xe: {  	[tilespmem:$0xFA10] =	vst v1  }
0xf: {  	[tilespmem:$0xFA20] =	vst v1  }
0x10: {  	[tilespmem:$0xFA30] =	vst v1  }
0x11: {  	[tilespmem:$0xFA40] =	vst v1  }
0x12: {  	[tilespmem:$0xFA50] =	vst v1  }
0x13: {  	[tilespmem:$0xFA60] =	vst v1  }
0x14: {  	[tilespmem:$0xFA70] =	vst v1  }
0x15: {  	[tilespmem:$0xFA80] =	vst v1  }
0x16: {  	[tilespmem:$0xFA90] =	vst v1  }
0x17: {  	[tilespmem:$0xFAA0] =	vst v1  }
0x18: {  	[tilespmem:$0xFAB0] =	vst v1  }
0x19: {  	[tilespmem:$0xFAC0] =	vst v1  }
0x1a: {  	[tilespmem:$0xFAD0] =	vst v1  }
0x1b: {  	[tilespmem:$0xFAE0] =	vst v1  }
0x1c: {  	[tilespmem:$0xFAF0] =	vst v1  }
0x1d: {  	[tilespmem:$0xFB00] =	vst v1  }
0x1e: {  	[tilespmem:$0xFB10] =	vst v1  }
0x1f: {  	[tilespmem:$0xFB20] =	vst v1  }
0x20: {  	[tilespmem:$0xFB30] =	vst v1  }
0x21: {  	[tilespmem:$0xFB40] =	vst v1  }
0x22: {  	[tilespmem:$0xFB50] =	vst v1  }
0x23: {  	[tilespmem:$0xFB60] =	vst v1  }
0x24: {  	[tilespmem:$0xFB70] =	vst v1  }
0x25: {  	[tilespmem:$0xFB80] =	vst v1  }
0x26: {  	[tilespmem:$0xFB90] =	vst v1  }
0x27: {  	[tilespmem:$0xFBA0] =	vst v1  }
0x28: {  	[tilespmem:$0xFBB0] =	vst v1  }
0x29: {  	[tilespmem:$0xFBC0] =	vst v1  }
0x2a: {  	[tilespmem:$0xFBD0] =	vst v1  }
0x2b: {  	[tilespmem:$0xFBE0] =	vst v1  }
0x2c: {  	[tilespmem:$0xFBF0] =	vst v1  }
0x2d: {  	[tilespmem:$0xFC00] =	vst v1  }
0x2e: {  	[tilespmem:$0xFC10] =	vst v1  }
0x2f: {  	[tilespmem:$0xFC20] =	vst v1  }
0x30: {  	[tilespmem:$0xFC30] =	vst v1  }
0x31: {  	[tilespmem:$0xFC40] =	vst v1  }
0x32: {  	[tilespmem:$0xFC50] =	vst v1  }
0x33: {  	[tilespmem:$0xFC60] =	vst v1  }
0x34: {  	[tilespmem:$0xFC70] =	vst v1  }
0x35: {  	[tilespmem:$0xFC80] =	vst v1  }
0x36: {  	[tilespmem:$0xFC90] =	vst v1  }
0x37: {  	[tilespmem:$0xFCA0] =	vst v1  }
0x38: {  	[tilespmem:$0xFCB0] =	vst v1  }
0x39: {  	[tilespmem:$0xFCC0] =	vst v1  }
0x3a: {  	[tilespmem:$0xFCD0] =	vst v1  }
0x3b: {  	[tilespmem:$0xFCE0] =	vst v1  }
0x3c: {  	[tilespmem:$0xFCF0] =	vst v1  }
0x3d: {  	[tilespmem:$0xFD00] =	vst v1  }
0x3e: {  	[tilespmem:$0xFD10] =	vst v1  }
0x3f: {  	[tilespmem:$0xFD20] =	vst v1  }
0x40: {  	[tilespmem:$0xFD30] =	vst v1  }
0x41: {  	[tilespmem:$0xFD40] =	vst v1  }
0x42: {  	[tilespmem:$0xFD50] =	vst v1  }
0x43: {  	[tilespmem:$0xFD60] =	vst v1  }
0x44: {  	[tilespmem:$0xFD70] =	vst v1  }
0x45: {  	[tilespmem:$0xFD80] =	vst v1  }
0x46: {  	[tilespmem:$0xFD90] =	vst v1  }
0x47: {  	[tilespmem:$0xFDA0] =	vst v1  }
0x48: {  	[tilespmem:$0xFDB0] =	vst v1  }
0x49: {  	[tilespmem:$0xFDC0] =	vst v1  }
0x4a: {  	[tilespmem:$0xFDD0] =	vst v1  }
0x4b: {  	[tilespmem:$0xFDE0] =	vst v1  }
0x4c: {  	[tilespmem:$0xFDF0] =	vst v1  }
0x4d: {  	[tilespmem:$0xFE00] =	vst v1  }
0x4e: {  	[tilespmem:$0xFE10] =	vst v1  }
0x4f: {  	[tilespmem:$0xFE20] =	vst v1  }
0x50: {  	[tilespmem:$0xFE30] =	vst v1  }
0x51: {  	[tilespmem:$0xFE40] =	vst v1  }
0x52: {  	[tilespmem:$0xFE50] =	vst v1  }
0x53: {  	[tilespmem:$0xFE60] =	vst v1  }
0x54: {  	[tilespmem:$0xFE70] =	vst v1  }
0x55: {  	[tilespmem:$0xFE80] =	vst v1  }
0x56: {  	[tilespmem:$0xFE90] =	vst v1  }
0x57: {  	[tilespmem:$0xFEA0] =	vst v1  }
0x58: {  	[tilespmem:$0xFEB0] =	vst v1  }
0x59: {  	[tilespmem:$0xFEC0] =	vst v1  }
0x5a: {  	[tilespmem:$0xFED0] =	vst v1  }
0x5b: {  	[tilespmem:$0xFEE0] =	vst v1  }
0x5c: {  	[tilespmem:$0xFEF0] =	vst v1  }
0x5d: {  	[tilespmem:s2], [sflag:$0x1] =	stream.linear.gather [hbm4b:s6+s2], $0x3E80, $0x38;
	[tilespmem:$0xFF00] =	vst v63  }
0x5e: {  	s20 =	simm.s32 $0x0  }
0x5f: {  	[tilespmem:s10], [sflag:$0x2] =	stream.linear.gather [hbm4b:s7+s2], $0x3E80, $0x38;
	[tilespmem:$0xFF00] =	vst v63  }
.LBB2_2:
0x60: {  	s21 =	smul.u32 $0x7D00, s20;
	_ =	sdelay $0x1  }
0x61: {  	s21 =	sadd.s32 s3, s21  }
0x62: {  	s22 =	sshrl.u32 s21, $0x3  }
0x63: {  	s22 =	sadd.s32 $0x7D0, s22  }
0x64: {  	s23 =	sadd.s32 s4, s22  }
0x65: {  	[tilespmem:s11], [sflag:$0x3] =	stream.linear.gather [hbm4b:s23+s2], $0x3E80, $0x38;
	[tilespmem:$0xFF00] =	vst v63  }
0x66: {  	s22 =	sadd.s32 s5, s22  }
0x67: {  	[tilespmem:s12], [sflag:$0x4] =	stream.linear.gather [hbm4b:s22+s2], $0x3E80, $0x38;
	[tilespmem:$0xFF00] =	vst v63  }
0x68: {  	_ =	swait.ge [sflag:s13], $0x3E80  }
0x69: {  	[sflag:s13] =	ssyncset.done $0x0  }
0x6a: {  	[sflag:s13] =	ssyncadd.s32 $0xFFFFC180  }
0x6b: {  	_ =	swait.ge [sflag:s14], $0x3E80  }
0x6c: {  	[sflag:s14] =	ssyncset.done $0x0  }
0x6d: {  	s31 =	simm.s32 $0x40;
	[sflag:s14] =	ssyncadd.s32 $0xFFFFC180  }
0x6e: {  	s22 =	simm.s32 $0x3EC0;
	v10 =	vld [tilespmem:s31+$0x30]  }
0x6f: {  	v11 =	vld [tilespmem:s22+$0x30];
	_ =	sdelay $0x1  }
0x70: {  	v12 =	vld [tilespmem:s31+$0xFFFFFFD0]  }
0x71: {  	v13 =	vld [tilespmem:s31+$0xFFFFFFE0]  }
0x72: {  	v14 =	vld [tilespmem:s31+$0xFFFFFFF0];
	v16 =	vsub.f32 $0.0e+00, v10  }
0x73: {  	v15 =	vld [tilespmem:s31+$0x0];
	vm0 =	vgt.f32 v11, $5.000000000e-01  }
0x74: {  	v18 =	vld [tilespmem:s31+$0x10];
	v17 =	vsel vm0, v16, v10  }
0x75: {  	v10 =	vld [tilespmem:s31+$0xFFFFFFC0];
	v16 =	vand.u32 $0x7FFFFFFF, v17  }
0x76: {  	v19 =	vld [tilespmem:s22+$0xFFFFFFC0];
	v16 =	vsub.f32 $0.0e+00, v16  }
0x77: {  	v11 =	vld [tilespmem:s31+$0x20]  }
0x78: {  	v20 =	vld [tilespmem:s22+$0xFFFFFFD0];
	v16 =	vmul.f32 $1.442695020e+00, v16  }
0x79: {  	v21 =	vld [tilespmem:s22+$0xFFFFFFE0];
	v22 =	vsub.f32 $0.0e+00, v12  }
0x7a: {  	v24 =	vld [tilespmem:s22+$0xFFFFFFF0];
	v23 =	vsub.f32 $0.0e+00, v13;
	v26 =	vsub.f32 $0.0e+00, v10;
	(erf) = vpow2.f32 v16  }
0x7b: {  	v27 =	vld [tilespmem:s22+$0x0];
	v25 =	vsub.f32 $0.0e+00, v14;
	v28 =	vsub.f32 $0.0e+00, v18;
	vm0 =	vgt.f32 v19, $5.000000000e-01  }
0x7c: {  	v19 =	vld [tilespmem:s22+$0x10];
	vm7 =	vge.f32 v17, $0.0e+00;
	v29 =	vsub.f32 $0.0e+00, v11;
	v10 =	vsel vm0, v26, v10  }
0x7d: {  	v16 =	vsub.f32 $0.0e+00, v15;
	vm0 =	vgt.f32 v20, $5.000000000e-01;
	v20 =	vld [tilespmem:s22+$0x20];
	v26 =	vand.u32 $0x7FFFFFFF, v10  }
0x7e: {  	v12 =	vsel vm0, v22, v12;
	vm0 =	vgt.f32 v21, $5.000000000e-01;
	vm6 =	vge.f32 v10, $0.0e+00  }
0x7f: {  	v21 =	vand.u32 $0x7FFFFFFF, v12;
	v13 =	vsel vm0, v23, v13;
	vm0 =	vgt.f32 v24, $5.000000000e-01  }
0x80: {  	v22 =	vand.u32 $0x7FFFFFFF, v13;
	v23 =	vsel vm0, v25, v14;
	vm0 =	vgt.f32 v27, $5.000000000e-01  }
0x81: {  	vm4 =	vge.f32 v12, $0.0e+00;
	v24 =	vsel vm0, v16, v15;
	vm0 =	vgt.f32 v19, $5.000000000e-01  }
0x82: {  	vm2 =	vge.f32 v13, $0.0e+00;
	v18 =	vsel vm0, v28, v18;
	vm0 =	vgt.f32 v20, $5.000000000e-01  }
0x83: {  	v20 =	vsub.f32 $0.0e+00, v21;
	v21 =	vsel vm0, v29, v11;
	v11 =	vsub.f32 $0.0e+00, v22;
	v22 =	vpop (erf)  }
0x84: {  	v14 =	vand.u32 $0x7FFFFFFF, v23;
	v16 =	vsub.f32 $0.0e+00, v26;
	v25 =	vadd.f32 $1.000000000e+00, v22  }
0x85: {  	vm5 =	vge.f32 v23, $0.0e+00;
	v15 =	vand.u32 $0x7FFFFFFF, v24;
	v14 =	vsub.f32 $0.0e+00, v14  }
0x86: {  	v16 =	vmul.f32 $1.442695020e+00, v16;
	v26 =	vand.u32 $0x7FFFFFFF, v21;
	(erf) = vrcp.f32 v25  }
0x87: {  	vm3 =	vge.f32 v24, $0.0e+00;
	v25 =	vsub.f32 $0.0e+00, v26;
	v26 =	vmul.f32 $3.044900480e-02, v22  }
0x88: {  	v19 =	vand.u32 $0x7FFFFFFF, v18;
	v20 =	vmul.f32 $1.442695020e+00, v20;
	(erf) = vpow2.f32 v16  }
0x89: {  	v15 =	vsub.f32 $0.0e+00, v15;
	v11 =	vmul.f32 $1.442695020e+00, v11;
	v16 =	vadd.f32 $-1.315818280e-01, v26  }
0x8a: {  	v19 =	vsub.f32 $0.0e+00, v19;
	v14 =	vmul.f32 $1.442695020e+00, v14;
	(erf) = vpow2.f32 v20  }
0x8b: {  	vm0 =	vge.f32 v18, $0.0e+00;
	(erf) = vpow2.f32 v11;
	v11 =	vmul.f32 v16, v22  }
0x8c: {  	vm1 =	vge.f32 v21, $0.0e+00;
	v15 =	vmul.f32 $1.442695020e+00, v15;
	v19 =	vmul.f32 $1.442695020e+00, v19  }
0x8d: {  	(erf) = vpow2.f32 v14;
	v16 =	vmax.f32 v10, $0.0e+00;
	v10 =	vadd.f32 $2.852726880e-01, v11  }
0x8e: {  	v25 =	vmul.f32 $1.442695020e+00, v25;
	v14 =	vmax.f32 v13, $0.0e+00;
	(erf) = vpow2.f32 v15  }
0x8f: {  	v15 =	vmax.f32 v12, $0.0e+00;
	v11 =	vsel vm7, $0x3F800000, v22;
	v20 =	vmul.f32 v10, v22;
	v12 =	vpop (erf)  }
0x90: {  	v13 =	vmax.f32 v23, $0.0e+00;
	(erf) = vpow2.f32 v19;
	v19 =	vmul.f32 v12, v11  }
0x91: {  	v12 =	vmax.f32 v24, $0.0e+00;
	v11 =	vmax.f32 v18, $0.0e+00;
	v18 =	vpop (erf);
	v24 =	vadd.f32 $-4.902307090e-01, v20  }
0x92: {  	(erf) = vpow2.f32 v25;
	v23 =	vmul.f32 $3.044900480e-02, v18;
	v25 =	vadd.f32 $1.000000000e+00, v18  }
0x93: {  	v10 =	vmax.f32 v21, $0.0e+00;
	v21 =	vmul.f32 $1.000000000e+01, v19;
	v24 =	vmul.f32 v24, v22  }
0x94: {  	v17 =	vmax.f32 v17, $0.0e+00;
	(erf) = vrcp.f32 v25;
	v23 =	vadd.f32 $-1.315818280e-01, v23;
	v19 =	vpop (erf)  }
0x95: {  	v21 =	vtrunc.f32 v21;
	v24 =	vadd.f32 $9.992355100e-01, v24;
	v26 =	vmul.f32 $3.044900480e-02, v19  }
0x96: {  	v27 =	vadd.f32 $1.000000000e+00, v19;
	v20 =	vpop (erf);
	v21 =	vcvt.f32.s32 v21;
	v23 =	vmul.f32 v23, v18  }
0x97: {  	v47 =	vsel vm4, $0x3F800000, v19;
	v28 =	vadd.f32 $1.000000000e+00, v20;
	v29 =	vpop (erf);
	v30 =	vmul.f32 $3.044900480e-02, v20  }
0x98: {  	v22 =	vmul.f32 v24, v22;
	v41 =	vsel vm2, $0x3F800000, v20;
	v31 =	vadd.f32 $1.000000000e+00, v29  }
0x99: {  	v33 =	vmul.f32 $3.044900480e-02, v29;
	vm7 =	vlt.s32 v21, $0x9;
	(erf) = vrcp.f32 v27  }
0x9a: {  	v32 =	vpop (erf);
	v26 =	vadd.f32 $-1.315818280e-01, v26;
	v23 =	vadd.f32 $2.852726880e-01, v23;
	v42 =	vsel vm5, $0x3F800000, v29  }
0x9b: {  	v34 =	vadd.f32 $1.000000000e+00, v32;
	v36 =	vmul.f32 $3.044900480e-02, v32;
	v21 =	vnsel vm7, $0x9, v21  }
0x9c: {  	v35 =	vpop (erf);
	v22 =	vadd.f32 $9.975032300e-06, v22;
	(erf) = vrcp.f32 v28;
	v27 =	vadd.f32 $-1.315818280e-01, v30  }
0x9d: {  	v49 =	vsel vm3, $0x3F800000, v32;
	v37 =	vadd.f32 $1.000000000e+00, v35;
	v21 =	vshll.u32 v21, $0x4  }
0x9e: {  	v24 =	vmul.f32 $3.044900480e-02, v35;
	(erf) = vrcp.f32 v31;
	v28 =	vadd.f32 $-1.315818280e-01, v33  }
0x9f: {  	v38 =	vpop (erf);
	v26 =	vmul.f32 v26, v19;
	v31 =	vsel vm6, $0x3F800000, v18;
	v23 =	vmul.f32 v23, v18  }
0xa0: {  	v51 =	vsel vm0, $0x3F800000, v35;
	v39 =	vadd.f32 $1.000000000e+00, v38;
	v25 =	vmul.f32 $3.044900480e-02, v38  }
0xa1: {  	v40 =	vadd.s32 v8, v21;
	v30 =	vadd.f32 $-1.315818280e-01, v36;
	(erf) = vrcp.f32 v34  }
0xa2: {  	v27 =	vmul.f32 v27, v20;
	v55 =	vadd.s32 v9, v21;
	v24 =	vadd.f32 $-1.315818280e-01, v24  }
0xa3: {  	(erf) = vrcp.f32 v37;
	v28 =	vmul.f32 v28, v29;
	v26 =	vadd.f32 $2.852726880e-01, v26  }
0xa4: {  	v23 =	vadd.f32 $-4.902307090e-01, v23;
	v25 =	vadd.f32 $-1.315818280e-01, v25;
	(erf) = vrcp.f32 v39  }
0xa5: {  	v30 =	vmul.f32 v30, v32;
	v27 =	vadd.f32 $2.852726880e-01, v27;
	v63 =	vpop (erf);
	v24 =	vmul.f32 v24, v35  }
0xa6: {  	v28 =	vadd.f32 $2.852726880e-01, v28;
	v26 =	vmul.f32 v26, v19;
	v31 =	vmul.f32 v63, v31  }
0xa7: {  	v23 =	vmul.f32 v23, v18;
	v25 =	vmul.f32 v25, v38;
	v30 =	vadd.f32 $2.852726880e-01, v30  }
0xa8: {  	v27 =	vmul.f32 v27, v20;
	v24 =	vadd.f32 $2.852726880e-01, v24;
	v28 =	vmul.f32 v28, v29  }
0xa9: {  	v26 =	vadd.f32 $-4.902307090e-01, v26;
	v57 =	vadd.f32 $9.992355100e-01, v23;
	v45 =	vpop (erf);
	v30 =	vmul.f32 v30, v32  }
0xaa: {  	v25 =	vadd.f32 $2.852726880e-01, v25;
	v24 =	vmul.f32 v24, v35;
	v34 =	vmul.f32 v45, v47  }
0xab: {  	v27 =	vadd.f32 $-4.902307090e-01, v27;
	v46 =	vpop (erf);
	v26 =	vmul.f32 v26, v19;
	v63 =	vmul.f32 v57, v18  }
0xac: {  	v28 =	vadd.f32 $-4.902307090e-01, v28;
	v25 =	vmul.f32 v25, v38;
	v48 =	vpop (erf);
	v36 =	vmul.f32 v46, v41  }
0xad: {  	v30 =	vadd.f32 $-4.902307090e-01, v30;
	v27 =	vmul.f32 v27, v20;
	v43 =	vpop (erf);
	v39 =	vmul.f32 v48, v42  }
0xae: {  	v24 =	vadd.f32 $-4.902307090e-01, v24;
	v28 =	vmul.f32 v28, v29;
	v33 =	vmul.f32 v43, v49  }
0xaf: {  	v56 =	vadd.f32 v22, v17;
	v50 =	vpop (erf);
	v30 =	vmul.f32 v30, v32;
	v17 =	vmul.f32 $1.000000000e+01, v36  }
0xb0: {  	v26 =	vadd.f32 $9.992355100e-01, v26;
	v37 =	vmul.f32 v50, v51;
	v21 =	vmul.f32 v24, v35  }
0xb1: {  	v25 =	vadd.f32 $-4.902307090e-01, v25;
	v24 =	vmul.f32 $1.000000000e+01, v31;
	v31 =	vmul.f32 $1.000000000e+01, v34  }
0xb2: {  	v53 =	vsel vm1, $0x3F800000, v38;
	v52 =	vpop (erf);
	v22 =	vmul.f32 $1.000000000e+01, v39;
	v34 =	vmul.f32 v26, v19  }
0xb3: {  	v27 =	vadd.f32 $9.992355100e-01, v27;
	v54 =	vmul.f32 v52, v53;
	v25 =	vmul.f32 v25, v38  }
0xb4: {  	v23 =	vmul.f32 $1.000000000e+01, v33;
	v17 =	vtrunc.f32 v17  }
0xb5: {  	v28 =	vadd.f32 $9.992355100e-01, v28;
	v27 =	vmul.f32 v27, v20;
	v58 =	vmul.f32 $1.000000000e+01, v37  }
0xb6: {  	v24 =	vtrunc.f32 v24;
	v31 =	vtrunc.f32 v31  }
0xb7: {  	v22 =	vtrunc.f32 v22;
	v26 =	vmul.f32 v28, v29  }
0xb8: {  	v59 =	vmul.f32 $1.000000000e+01, v54;
	v60 =	vtrunc.f32 v23  }
0xb9: {  	v30 =	vadd.f32 $9.992355100e-01, v30;
	v33 =	vcvt.f32.s32 v24;
	v31 =	vcvt.f32.s32 v31  }
0xba: {  	v62 =	vadd.f32 $9.992355100e-01, v21;
	v24 =	vcvt.f32.s32 v17;
	v23 =	vcvt.f32.s32 v22  }
0xbb: {  	v20 =	vmul.f32 v30, v32;
	v61 =	vtrunc.f32 v58  }
0xbc: {  	v25 =	vadd.f32 $9.992355100e-01, v25;
	v22 =	vcvt.f32.s32 v60;
	v19 =	vmul.f32 v62, v35  }
0xbd: {  	v36 =	vtrunc.f32 v59;
	vm4 =	vlt.s32 v33, $0x9;
	v21 =	vcvt.f32.s32 v61  }
0xbe: {  	vm6 =	vlt.s32 v31, $0x9;
	vm5 =	vlt.s32 v24, $0x9;
	v17 =	vcvt.f32.s32 v36  }
0xbf: {  	[tilespmem:v40+s15+$0x0] =	vst.idx.add.f32.msk $0xffff, v56;
	vm2 =	vlt.s32 v23, $0x9;
	v18 =	vmul.f32 v25, v38;
	v25 =	vadd.f32 $9.975032300e-06, v63  }
0xc0: {  	s24 =	simm.s32 $0xC0;
	s23 =	simm.s32 $0x0;
	[tilespmem:v55+s15+$0x0] =	vst.idx.add.f32.msk $0xffff, v2;
	vm1 =	vlt.s32 v22, $0x9;
	vm3 =	vlt.s32 v21, $0x9;
	vm0 =	vlt.s32 v17, $0x9  }
.LBB2_3:
0xc1: {  	v28 =	vld [tilespmem:s24+$0x30];
	v29 =	vnsel vm4, $0x9, v33;
	v30 =	vadd.f32 $9.975032300e-06, v34;
	v27 =	vadd.f32 $9.975032300e-06, v27;
	s22 =	sadd.s32 $0x80, s22  }
0xc2: {  	s23 =	sadd.s32 $0x8, s23;
	v31 =	vnsel vm6, $0x9, v31;
	v33 =	vadd.f32 $9.975032300e-06, v26;
	v34 =	vadd.f32 $9.975032300e-06, v20;
	v32 =	vld [tilespmem:s22+$0x30]  }
0xc3: {  	v20 =	vnsel vm5, $0x9, v24;
	v19 =	vadd.f32 $9.975032300e-06, v19;
	v36 =	vadd.f32 $9.975032300e-06, v18;
	p0 =	slt.u32 s23, $0x3E0;
	v35 =	vld [tilespmem:s24+$0xFFFFFFD0]  }
0xc4: {  	v18 =	vnsel vm2, $0x9, v23;
	v22 =	vnsel vm1, $0x9, v22;
	v23 =	vnsel vm3, $0x9, v21;
	v37 =	vld [tilespmem:s24+$0xFFFFFFE0]  }
0xc5: {  	v17 =	vnsel vm0, $0x9, v17;
	v24 =	vshll.u32 v29, $0x4;
	v29 =	vshll.u32 v31, $0x4;
	v38 =	vld [tilespmem:s24+$0xFFFFFFF0]  }
0xc6: {  	v26 =	vshll.u32 v20, $0x4;
	v21 =	vshll.u32 v18, $0x4;
	v39 =	vld [tilespmem:s24+$0x0];
	v31 =	vsub.f32 $0.0e+00, v28  }
0xc7: {  	v20 =	vshll.u32 v22, $0x4;
	v18 =	vshll.u32 v23, $0x4;
	v40 =	vld [tilespmem:s24+$0x10];
	vm0 =	vgt.f32 v32, $5.000000000e-01  }
0xc8: {  	v17 =	vshll.u32 v17, $0x4;
	v41 =	vsub.f32 $0.0e+00, v35;
	v42 =	vld [tilespmem:s24+$0x20];
	v31 =	vsel vm0, v31, v28  }
0xc9: {  	v16 =	vadd.f32 v25, v16;
	v28 =	vld [tilespmem:s24+$0xFFFFFFC0];
	v43 =	vsub.f32 $0.0e+00, v37;
	v22 =	vand.u32 $0x7FFFFFFF, v31  }
0xca: {  	v45 =	vor.u32 v0, v24;
	v25 =	vld [tilespmem:s22+$0xFFFFFFC0];
	v44 =	vsub.f32 $0.0e+00, v38;
	v22 =	vsub.f32 $0.0e+00, v22  }
0xcb: {  	v48 =	vadd.s32 v3, v24;
	v15 =	vadd.f32 v30, v15;
	v46 =	vld [tilespmem:s22+$0xFFFFFFD0];
	v47 =	vsub.f32 $0.0e+00, v39  }
0xcc: {  	v32 =	vadd.f32 v27, v14;
	v30 =	vld [tilespmem:s22+$0xFFFFFFE0];
	v49 =	vsub.f32 $0.0e+00, v40;
	v22 =	vmul.f32 $1.442695020e+00, v22  }
0xcd: {  	v50 =	vadd.s32 v4, v29;
	v24 =	vadd.f32 v33, v13;
	v14 =	vld [tilespmem:s22+$0xFFFFFFF0];
	v27 =	vsub.f32 $0.0e+00, v42  }
0xce: {  	v23 =	vadd.f32 v34, v12;
	v13 =	vsub.f32 $0.0e+00, v28;
	v33 =	vld [tilespmem:s22+$0x0];
	(erf) = vpow2.f32 v22  }
0xcf: {  	v22 =	vadd.f32 v19, v11;
	v19 =	vadd.f32 v36, v10;
	vm0 =	vgt.f32 v25, $5.000000000e-01;
	v12 =	vld [tilespmem:s22+$0x10]  }
0xd0: {  	v10 =	vsel vm0, v13, v28;
	vm0 =	vgt.f32 v46, $5.000000000e-01;
	v11 =	vld [tilespmem:s22+$0x20];
	v13 =	vadd.s32 v5, v29  }
0xd1: {  	v25 =	vand.u32 $0x7FFFFFFF, v10;
	v28 =	vsel vm0, v41, v35;
	vm0 =	vgt.f32 v30, $5.000000000e-01;
	[tilespmem:v45+s15+$0x0] =	vst.idx.add.f32.msk $0xffff, v16  }
0xd2: {  	v16 =	vand.u32 $0x7FFFFFFF, v28;
	v29 =	vsel vm0, v43, v37;
	vm0 =	vgt.f32 v14, $5.000000000e-01;
	[tilespmem:v48+s15+$0x0] =	vst.idx.add.f32.msk $0xffff, v2  }
0xd3: {  	v14 =	vand.u32 $0x7FFFFFFF, v29;
	v30 =	vsel vm0, v44, v38;
	vm0 =	vgt.f32 v33, $5.000000000e-01;
	[tilespmem:v50+s15+$0x0] =	vst.idx.add.f32.msk $0xffff, v15  }
0xd4: {  	v15 =	vand.u32 $0x7FFFFFFF, v30;
	v33 =	vsel vm0, v47, v39;
	vm0 =	vgt.f32 v12, $5.000000000e-01  }
0xd5: {  	v12 =	vand.u32 $0x7FFFFFFF, v33;
	v34 =	vsel vm0, v49, v40;
	vm0 =	vgt.f32 v11, $5.000000000e-01;
	[tilespmem:v13+s15+$0x0] =	vst.idx.add.f32.msk $0xffff, v2  }
0xd6: {  	v11 =	vsub.f32 $0.0e+00, v25;
	v13 =	vand.u32 $0x7FFFFFFF, v34;
	v25 =	vsel vm0, v27, v42  }
0xd7: {  	v16 =	vsub.f32 $0.0e+00, v16;
	v14 =	vsub.f32 $0.0e+00, v14;
	v27 =	vand.u32 $0x7FFFFFFF, v25;
	v35 =	vpop (erf)  }
0xd8: {  	v15 =	vsub.f32 $0.0e+00, v15;
	v11 =	vmul.f32 $1.442695020e+00, v11;
	v36 =	vadd.f32 $1.000000000e+00, v35  }
0xd9: {  	v16 =	vmul.f32 $1.442695020e+00, v16;
	v12 =	vsub.f32 $0.0e+00, v12;
	v13 =	vsub.f32 $0.0e+00, v13  }
0xda: {  	v14 =	vmul.f32 $1.442695020e+00, v14;
	v27 =	vsub.f32 $0.0e+00, v27;
	(erf) = vrcp.f32 v36  }
0xdb: {  	vm6 =	vge.f32 v10, $0.0e+00;
	v15 =	vmul.f32 $1.442695020e+00, v15;
	v12 =	vmul.f32 $1.442695020e+00, v12  }
0xdc: {  	vm4 =	vge.f32 v28, $0.0e+00;
	v13 =	vmul.f32 $1.442695020e+00, v13;
	v27 =	vmul.f32 $1.442695020e+00, v27  }
0xdd: {  	vm3 =	vge.f32 v29, $0.0e+00;
	v36 =	vmul.f32 $3.044900480e-02, v35;
	(erf) = vpow2.f32 v11  }
0xde: {  	vm1 =	vge.f32 v30, $0.0e+00;
	vm2 =	vge.f32 v33, $0.0e+00;
	(erf) = vpow2.f32 v16  }
0xdf: {  	vm0 =	vge.f32 v34, $0.0e+00;
	v11 =	vadd.f32 $-1.315818280e-01, v36;
	(erf) = vpow2.f32 v14  }
0xe0: {  	vm5 =	vge.f32 v25, $0.0e+00;
	v16 =	vmax.f32 v10, $0.0e+00;
	(erf) = vpow2.f32 v15  }
0xe1: {  	v10 =	vmul.f32 v11, v35;
	v15 =	vmax.f32 v28, $0.0e+00;
	(erf) = vpow2.f32 v12  }
0xe2: {  	vm7 =	vge.f32 v31, $0.0e+00;
	v14 =	vmax.f32 v29, $0.0e+00;
	(erf) = vpow2.f32 v13  }
0xe3: {  	v28 =	vadd.f32 $2.852726880e-01, v10;
	v10 =	vsel vm7, $0x3F800000, v35;
	(erf) = vpow2.f32 v27;
	v11 =	vpop (erf)  }
0xe4: {  	v12 =	vmax.f32 v33, $0.0e+00;
	v13 =	vmax.f32 v30, $0.0e+00;
	v27 =	vmul.f32 v11, v10  }
0xe5: {  	v28 =	vmul.f32 v28, v35;
	v11 =	vmax.f32 v34, $0.0e+00;
	v10 =	vmax.f32 v25, $0.0e+00  }
0xe6: {  	v33 =	vadd.s32 v6, v26;
	v34 =	vadd.s32 v7, v26;
	v30 =	vmul.f32 $1.000000000e+01, v27;
	v25 =	vpop (erf)  }
0xe7: {  	v42 =	vadd.f32 $-4.902307090e-01, v28;
	v36 =	vmul.f32 $3.044900480e-02, v25;
	v37 =	vadd.f32 $1.000000000e+00, v25;
	v26 =	vpop (erf)  }
0xe8: {  	v38 =	vmul.f32 $3.044900480e-02, v26;
	v39 =	vadd.f32 $1.000000000e+00, v26;
	v45 =	vtrunc.f32 v30;
	v27 =	vpop (erf)  }
0xe9: {  	v47 =	vmul.f32 v42, v35;
	v40 =	vadd.f32 $1.000000000e+00, v27;
	v41 =	vcvt.f32.s32 v45;
	v28 =	vpop (erf)  }
0xea: {  	v42 =	vmul.f32 $3.044900480e-02, v27;
	v43 =	vmul.f32 $3.044900480e-02, v28;
	v44 =	vadd.f32 $1.000000000e+00, v28;
	v29 =	vpop (erf)  }
0xeb: {  	v46 =	vadd.f32 $9.992355100e-01, v47;
	v45 =	vadd.f32 $1.000000000e+00, v29;
	vm7 =	vlt.s32 v41, $0x9;
	v30 =	vpop (erf);
	[tilespmem:v33+s15+$0x0] =	vst.idx.add.f32.msk $0xffff, v32  }
0xec: {  	v33 =	vmul.f32 $3.044900480e-02, v29;
	v47 =	vadd.f32 $1.000000000e+00, v30;
	v41 =	vnsel vm7, $0x9, v41;
	v32 =	vpop (erf);
	[tilespmem:v34+s15+$0x0] =	vst.idx.add.f32.msk $0xffff, v2  }
0xed: {  	v35 =	vmul.f32 v46, v35;
	v34 =	vadd.f32 $1.000000000e+00, v32;
	v41 =	vshll.u32 v41, $0x4  }
0xee: {  	v46 =	vmul.f32 $3.044900480e-02, v30;
	v48 =	vmul.f32 $3.044900480e-02, v32;
	v49 =	vadd.s32 v8, v41  }
0xef: {  	v35 =	vadd.f32 $9.975032300e-06, v35;
	v41 =	vadd.s32 v9, v41;
	(erf) = vrcp.f32 v37  }
0xf0: {  	v31 =	vmax.f32 v31, $0.0e+00;
	v36 =	vadd.f32 $-1.315818280e-01, v36;
	(erf) = vrcp.f32 v39  }
0xf1: {  	v37 =	vadd.f32 $-1.315818280e-01, v38;
	v31 =	vadd.f32 v35, v31;
	(erf) = vrcp.f32 v40  }
0xf2: {  	v35 =	vadd.f32 $-1.315818280e-01, v42;
	v38 =	vadd.f32 $-1.315818280e-01, v43;
	(erf) = vrcp.f32 v44  }
0xf3: {  	v33 =	vadd.f32 $-1.315818280e-01, v33;
	v39 =	vadd.f32 $-1.315818280e-01, v46;
	[tilespmem:v49+s15+$0x0] =	vst.idx.add.f32.msk $0xffff, v31;
	(erf) = vrcp.f32 v45  }
0xf4: {  	v31 =	vmul.f32 v36, v25;
	v36 =	vadd.f32 $-1.315818280e-01, v48;
	[tilespmem:v41+s15+$0x0] =	vst.idx.add.f32.msk $0xffff, v2;
	(erf) = vrcp.f32 v47  }
0xf5: {  	v40 =	vsel vm6, $0x3F800000, v25;
	v37 =	vmul.f32 v37, v26;
	(erf) = vrcp.f32 v34  }
0xf6: {  	v31 =	vadd.f32 $2.852726880e-01, v31;
	v34 =	vmul.f32 v35, v27;
	v35 =	vmul.f32 v38, v28  }
0xf7: {  	v33 =	vmul.f32 v33, v29;
	v37 =	vadd.f32 $2.852726880e-01, v37;
	v38 =	vmul.f32 v39, v30  }
0xf8: {  	v36 =	vmul.f32 v36, v32;
	v34 =	vadd.f32 $2.852726880e-01, v34;
	v35 =	vadd.f32 $2.852726880e-01, v35;
	v39 =	vpop (erf)  }
0xf9: {  	v33 =	vadd.f32 $2.852726880e-01, v33;
	v31 =	vmul.f32 v31, v25;
	v38 =	vadd.f32 $2.852726880e-01, v38;
	v41 =	vpop (erf)  }
0xfa: {  	v37 =	vmul.f32 v37, v26;
	v36 =	vadd.f32 $2.852726880e-01, v36;
	v34 =	vmul.f32 v34, v27;
	v42 =	vpop (erf)  }
0xfb: {  	v33 =	vmul.f32 v33, v29;
	v31 =	vadd.f32 $-4.902307090e-01, v31;
	v35 =	vmul.f32 v35, v28;
	v43 =	vpop (erf)  }
0xfc: {  	v37 =	vadd.f32 $-4.902307090e-01, v37;
	v38 =	vmul.f32 v38, v30;
	v36 =	vmul.f32 v36, v32;
	v44 =	vpop (erf)  }
0xfd: {  	v45 =	vsel vm4, $0x3F800000, v26;
	v34 =	vadd.f32 $-4.902307090e-01, v34;
	v35 =	vadd.f32 $-4.902307090e-01, v35;
	v46 =	vpop (erf)  }
0xfe: {  	v47 =	vsel vm3, $0x3F800000, v27;
	v33 =	vadd.f32 $-4.902307090e-01, v33;
	v38 =	vadd.f32 $-4.902307090e-01, v38;
	v48 =	vpop (erf)  }
0xff: {  	v50 =	vsel vm2, $0x3F800000, v29;
	v49 =	vsel vm1, $0x3F800000, v28;
	v36 =	vadd.f32 $-4.902307090e-01, v36  }
0x100: {  	v51 =	vsel vm5, $0x3F800000, v32;
	v39 =	vmul.f32 v39, v40;
	v40 =	vsel vm0, $0x3F800000, v30  }
0x101: {  	v41 =	vmul.f32 v41, v45;
	v45 =	vadd.s32 v8, v21;
	v42 =	vmul.f32 v42, v47  }
0x102: {  	v21 =	vadd.s32 v9, v21;
	v43 =	vmul.f32 v43, v49;
	v44 =	vmul.f32 v44, v50  }
0x103: {  	v47 =	vor.u32 v0, v20;
	v40 =	vmul.f32 v46, v40;
	v46 =	vmul.f32 v48, v51  }
0x104: {  	v37 =	vmul.f32 v37, v26;
	v31 =	vmul.f32 v31, v25;
	v20 =	vadd.s32 v3, v20  }
0x105: {  	v34 =	vmul.f32 v34, v27;
	v35 =	vmul.f32 v35, v28;
	v48 =	vadd.s32 v4, v18  }
0x106: {  	v49 =	vadd.f32 $9.992355100e-01, v31;
	v31 =	vmul.f32 v33, v29;
	v33 =	vmul.f32 v38, v30;
	[tilespmem:v45+s15+$0x0] =	vst.idx.add.f32.msk $0xffff, v24  }
0x107: {  	v37 =	vadd.f32 $9.992355100e-01, v37;
	v36 =	vmul.f32 v36, v32;
	v24 =	vmul.f32 $1.000000000e+01, v39;
	[tilespmem:v21+s15+$0x0] =	vst.idx.add.f32.msk $0xffff, v2  }
0x108: {  	v38 =	vadd.f32 $9.992355100e-01, v34;
	v34 =	vmul.f32 $1.000000000e+01, v42;
	v21 =	vmul.f32 $1.000000000e+01, v41;
	[tilespmem:v47+s15+$0x0] =	vst.idx.add.f32.msk $0xffff, v23  }
0x109: {  	v35 =	vadd.f32 $9.992355100e-01, v35;
	v39 =	vmul.f32 $1.000000000e+01, v44;
	v23 =	vmul.f32 $1.000000000e+01, v43;
	[tilespmem:v20+s15+$0x0] =	vst.idx.add.f32.msk $0xffff, v2  }
0x10a: {  	v20 =	vadd.f32 $9.992355100e-01, v31;
	v31 =	vmul.f32 $1.000000000e+01, v40;
	v40 =	vmul.f32 $1.000000000e+01, v46;
	[tilespmem:v48+s15+$0x0] =	vst.idx.add.f32.msk $0xffff, v22  }
0x10b: {  	v36 =	vadd.f32 $9.992355100e-01, v36;
	v41 =	vadd.f32 $9.992355100e-01, v33;
	v22 =	vtrunc.f32 v24  }
0x10c: {  	v18 =	vadd.s32 v5, v18;
	v21 =	vtrunc.f32 v21;
	v24 =	vtrunc.f32 v34  }
0x10d: {  	v23 =	vtrunc.f32 v23;
	v34 =	vtrunc.f32 v39;
	v39 =	vadd.s32 v6, v17  }
0x10e: {  	v43 =	vadd.s32 v7, v17;
	v42 =	vtrunc.f32 v31;
	v40 =	vtrunc.f32 v40  }
0x10f: {  	v33 =	vcvt.f32.s32 v22;
	v31 =	vcvt.f32.s32 v21  }
0x110: {  	v24 =	vcvt.f32.s32 v24;
	v23 =	vcvt.f32.s32 v23  }
0x111: {  	v22 =	vcvt.f32.s32 v34;
	v21 =	vcvt.f32.s32 v42;
	vm4 =	vlt.s32 v33, $0x9;
	[tilespmem:v18+s15+$0x0] =	vst.idx.add.f32.msk $0xffff, v2  }
.Ltmp0:
0x112: {  	v25 =	vmul.f32 v49, v25;
	v17 =	vcvt.f32.s32 v40;
	vm6 =	vlt.s32 v31, $0x9;
	[tilespmem:v39+s15+$0x0] =	vst.idx.add.f32.msk $0xffff, v19;
	(pc) =	sbr.rel @p0 .LBB2_3-.Ltmp0, $4  }
0x113: {  	v27 =	vmul.f32 v38, v27;
	v34 =	vmul.f32 v37, v26;
	vm5 =	vlt.s32 v24, $0x9;
	[tilespmem:v43+s15+$0x0] =	vst.idx.add.f32.msk $0xffff, v2  }
0x114: {  	v26 =	vmul.f32 v35, v28;
	v20 =	vmul.f32 v20, v29;
	vm2 =	vlt.s32 v23, $0x9  }
0x115: {  	vm1 =	vlt.s32 v22, $0x9;
	v18 =	vmul.f32 v36, v32;
	v19 =	vmul.f32 v41, v30  }
0x116: {  	s24 =	sadd.s32 $0x80, s24;
	v25 =	vadd.f32 $9.975032300e-06, v25;
	vm3 =	vlt.s32 v21, $0x9;
	vm0 =	vlt.s32 v17, $0x9  }
0x117: {  	v28 =	vnsel vm4, $0x9, v33  }
0x118: {  	v29 =	vnsel vm6, $0x9, v31;
	v28 =	vshll.u32 v28, $0x4  }
0x119: {  	v24 =	vnsel vm5, $0x9, v24;
	v29 =	vshll.u32 v29, $0x4;
	v30 =	vor.u32 v0, v28  }
0x11a: {  	v31 =	vadd.f32 $9.975032300e-06, v34;
	v24 =	vshll.u32 v24, $0x4;
	v32 =	vadd.s32 v4, v29  }
0x11b: {  	v16 =	vadd.f32 v25, v16;
	v25 =	vadd.s32 v5, v29;
	v29 =	vadd.s32 v6, v24  }
0x11c: {  	v27 =	vadd.f32 $9.975032300e-06, v27;
	v28 =	vadd.s32 v3, v28  }
0x11d: {  	v23 =	vnsel vm2, $0x9, v23;
	v15 =	vadd.f32 v31, v15  }
0x11e: {  	v23 =	vshll.u32 v23, $0x4;
	v14 =	vadd.f32 v27, v14;
	[tilespmem:v30+s15+$0x0] =	vst.idx.add.f32.msk $0xffff, v16;
	v16 =	vadd.s32 v7, v24  }
0x11f: {  	v22 =	vnsel vm1, $0x9, v22;
	v24 =	vadd.f32 $9.975032300e-06, v26;
	v26 =	vadd.s32 v8, v23;
	[tilespmem:v32+s15+$0x0] =	vst.idx.add.f32.msk $0xffff, v15  }
0x120: {  	v22 =	vshll.u32 v22, $0x4;
	v15 =	vadd.s32 v9, v23;
	[tilespmem:v29+s15+$0x0] =	vst.idx.add.f32.msk $0xffff, v14  }
0x121: {  	v20 =	vadd.f32 $9.975032300e-06, v20;
	v21 =	vnsel vm3, $0x9, v21;
	v23 =	vor.u32 v0, v22;
	[tilespmem:v28+s15+$0x0] =	vst.idx.add.f32.msk $0xffff, v2  }
0x122: {  	v21 =	vshll.u32 v21, $0x4;
	v14 =	vadd.s32 v3, v22;
	[tilespmem:v25+s15+$0x0] =	vst.idx.add.f32.msk $0xffff, v2;
	v13 =	vadd.f32 v24, v13  }
0x123: {  	v19 =	vadd.f32 $9.975032300e-06, v19;
	v17 =	vnsel vm0, $0x9, v17;
	[tilespmem:v16+s15+$0x0] =	vst.idx.add.f32.msk $0xffff, v2;
	v16 =	vadd.s32 v4, v21  }
0x124: {  	v17 =	vshll.u32 v17, $0x4;
	v12 =	vadd.f32 v20, v12;
	[tilespmem:v26+s15+$0x0] =	vst.idx.add.f32.msk $0xffff, v13;
	v13 =	vadd.s32 v5, v21  }
0x125: {  	[tilespmem:v15+s15+$0x0] =	vst.idx.add.f32.msk $0xffff, v2;
	v15 =	vadd.s32 v6, v17  }
0x126: {  	v18 =	vadd.f32 $9.975032300e-06, v18;
	v11 =	vadd.f32 v19, v11;
	[tilespmem:v23+s15+$0x0] =	vst.idx.add.f32.msk $0xffff, v12;
	v12 =	vadd.s32 v7, v17  }
0x127: {  	[tilespmem:v14+s15+$0x0] =	vst.idx.add.f32.msk $0xffff, v2  }
0x128: {  	p0 =	seq.s32 s20, $0x7;
	v10 =	vadd.f32 v18, v10;
	[tilespmem:v16+s15+$0x0] =	vst.idx.add.f32.msk $0xffff, v11  }
0x129: {  	s21 =	sshrl.u32 @!p0 s21, $0x3;
	[tilespmem:v13+s15+$0x0] =	vst.idx.add.f32.msk $0xffff, v2  }
0x12a: {  	s21 =	sadd.s32 @!p0 $0xFA0, s21;
	[tilespmem:v15+s15+$0x0] =	vst.idx.add.f32.msk $0xffff, v10  }
0x12b: {  	s23 =	simm.s32 @!p0 $0x0;
	s22 =	sadd.s32 @!p0 s4, s21;
	[tilespmem:v12+s15+$0x0] =	vst.idx.add.f32.msk $0xffff, v2  }
0x12c: {  	[tilespmem:s23], [sflag:$0x1] =	stream.linear.gather @!p0 [hbm4b:s22+s23], $0x3E80, $0x38;
	[tilespmem:$0xFF00] =	vst v63  }
0x12d: {  	s21 =	sadd.s32 @!p0 s5, s21;
	s22 =	simm.s32 @!p0 $0x3E80  }
0x12e: {  	[tilespmem:s22], [sflag:$0x2] =	stream.linear.gather @!p0 [hbm4b:s21+s23], $0x3E80, $0x38;
	[tilespmem:$0xFF00] =	vst v63  }
0x12f: {  	_ =	swait.ge [sflag:s16], $0x3E80  }
0x130: {  	[sflag:s16] =	ssyncset.done $0x0  }
0x131: {  	[sflag:s16] =	ssyncadd.s32 $0xFFFFC180  }
0x132: {  	_ =	swait.ge [sflag:s17], $0x3E80  }
0x133: {  	[sflag:s17] =	ssyncset.done $0x0  }
0x134: {  	s31 =	simm.s32 $0x7D40;
	[sflag:s17] =	ssyncadd.s32 $0xFFFFC180  }
0x135: {  	s21 =	simm.s32 $0xBBC0;
	v10 =	vld [tilespmem:s31+$0x30]  }
0x136: {  	v11 =	vld [tilespmem:s21+$0x30];
	_ =	sdelay $0x1  }
0x137: {  	v12 =	vld [tilespmem:s31+$0xFFFFFFD0]  }
0x138: {  	v13 =	vld [tilespmem:s31+$0xFFFFFFE0]  }
0x139: {  	v14 =	vld [tilespmem:s31+$0xFFFFFFF0];
	v16 =	vsub.f32 $0.0e+00, v10  }
0x13a: {  	v15 =	vld [tilespmem:s31+$0x0];
	vm0 =	vgt.f32 v11, $5.000000000e-01  }
0x13b: {  	v18 =	vld [tilespmem:s31+$0x10];
	v17 =	vsel vm0, v16, v10  }
0x13c: {  	v10 =	vld [tilespmem:s31+$0xFFFFFFC0];
	v16 =	vand.u32 $0x7FFFFFFF, v17  }
0x13d: {  	v19 =	vld [tilespmem:s21+$0xFFFFFFC0];
	v16 =	vsub.f32 $0.0e+00, v16  }
0x13e: {  	v11 =	vld [tilespmem:s31+$0x20]  }
0x13f: {  	v20 =	vld [tilespmem:s21+$0xFFFFFFD0];
	v16 =	vmul.f32 $1.442695020e+00, v16  }
0x140: {  	v21 =	vld [tilespmem:s21+$0xFFFFFFE0];
	v22 =	vsub.f32 $0.0e+00, v12  }
0x141: {  	v24 =	vld [tilespmem:s21+$0xFFFFFFF0];
	v23 =	vsub.f32 $0.0e+00, v13;
	v26 =	vsub.f32 $0.0e+00, v10;
	(erf) = vpow2.f32 v16  }
0x142: {  	v27 =	vld [tilespmem:s21+$0x0];
	v25 =	vsub.f32 $0.0e+00, v14;
	v28 =	vsub.f32 $0.0e+00, v18;
	vm0 =	vgt.f32 v19, $5.000000000e-01  }
0x143: {  	v19 =	vld [tilespmem:s21+$0x10];
	vm7 =	vge.f32 v17, $0.0e+00;
	v29 =	vsub.f32 $0.0e+00, v11;
	v10 =	vsel vm0, v26, v10  }
0x144: {  	v16 =	vsub.f32 $0.0e+00, v15;
	vm0 =	vgt.f32 v20, $5.000000000e-01;
	v20 =	vld [tilespmem:s21+$0x20];
	v26 =	vand.u32 $0x7FFFFFFF, v10  }
0x145: {  	v12 =	vsel vm0, v22, v12;
	vm0 =	vgt.f32 v21, $5.000000000e-01;
	vm6 =	vge.f32 v10, $0.0e+00  }
0x146: {  	v21 =	vand.u32 $0x7FFFFFFF, v12;
	v13 =	vsel vm0, v23, v13;
	vm0 =	vgt.f32 v24, $5.000000000e-01  }
0x147: {  	v22 =	vand.u32 $0x7FFFFFFF, v13;
	v23 =	vsel vm0, v25, v14;
	vm0 =	vgt.f32 v27, $5.000000000e-01  }
0x148: {  	vm4 =	vge.f32 v12, $0.0e+00;
	v24 =	vsel vm0, v16, v15;
	vm0 =	vgt.f32 v19, $5.000000000e-01  }
0x149: {  	vm2 =	vge.f32 v13, $0.0e+00;
	v18 =	vsel vm0, v28, v18;
	vm0 =	vgt.f32 v20, $5.000000000e-01  }
0x14a: {  	v20 =	vsub.f32 $0.0e+00, v21;
	v21 =	vsel vm0, v29, v11;
	v11 =	vsub.f32 $0.0e+00, v22;
	v22 =	vpop (erf)  }
0x14b: {  	v14 =	vand.u32 $0x7FFFFFFF, v23;
	v16 =	vsub.f32 $0.0e+00, v26;
	v25 =	vadd.f32 $1.000000000e+00, v22  }
0x14c: {  	vm5 =	vge.f32 v23, $0.0e+00;
	v15 =	vand.u32 $0x7FFFFFFF, v24;
	v14 =	vsub.f32 $0.0e+00, v14  }
0x14d: {  	v16 =	vmul.f32 $1.442695020e+00, v16;
	v26 =	vand.u32 $0x7FFFFFFF, v21;
	(erf) = vrcp.f32 v25  }
0x14e: {  	vm3 =	vge.f32 v24, $0.0e+00;
	v25 =	vsub.f32 $0.0e+00, v26;
	v26 =	vmul.f32 $3.044900480e-02, v22  }
0x14f: {  	v19 =	vand.u32 $0x7FFFFFFF, v18;
	v20 =	vmul.f32 $1.442695020e+00, v20;
	(erf) = vpow2.f32 v16  }
0x150: {  	v15 =	vsub.f32 $0.0e+00, v15;
	v11 =	vmul.f32 $1.442695020e+00, v11;
	v16 =	vadd.f32 $-1.315818280e-01, v26  }
0x151: {  	v19 =	vsub.f32 $0.0e+00, v19;
	v14 =	vmul.f32 $1.442695020e+00, v14;
	(erf) = vpow2.f32 v20  }
0x152: {  	vm0 =	vge.f32 v18, $0.0e+00;
	(erf) = vpow2.f32 v11;
	v11 =	vmul.f32 v16, v22  }
0x153: {  	vm1 =	vge.f32 v21, $0.0e+00;
	v15 =	vmul.f32 $1.442695020e+00, v15;
	v19 =	vmul.f32 $1.442695020e+00, v19  }
0x154: {  	(erf) = vpow2.f32 v14;
	v16 =	vmax.f32 v10, $0.0e+00;
	v10 =	vadd.f32 $2.852726880e-01, v11  }
0x155: {  	v25 =	vmul.f32 $1.442695020e+00, v25;
	v14 =	vmax.f32 v13, $0.0e+00;
	(erf) = vpow2.f32 v15  }
0x156: {  	v15 =	vmax.f32 v12, $0.0e+00;
	v11 =	vsel vm7, $0x3F800000, v22;
	v20 =	vmul.f32 v10, v22;
	v12 =	vpop (erf)  }
0x157: {  	v13 =	vmax.f32 v23, $0.0e+00;
	(erf) = vpow2.f32 v19;
	v19 =	vmul.f32 v12, v11  }
0x158: {  	v12 =	vmax.f32 v24, $0.0e+00;
	v11 =	vmax.f32 v18, $0.0e+00;
	v18 =	vpop (erf);
	v24 =	vadd.f32 $-4.902307090e-01, v20  }
0x159: {  	(erf) = vpow2.f32 v25;
	v23 =	vmul.f32 $3.044900480e-02, v18;
	v25 =	vadd.f32 $1.000000000e+00, v18  }
0x15a: {  	v10 =	vmax.f32 v21, $0.0e+00;
	v21 =	vmul.f32 $1.000000000e+01, v19;
	v24 =	vmul.f32 v24, v22  }
0x15b: {  	v17 =	vmax.f32 v17, $0.0e+00;
	(erf) = vrcp.f32 v25;
	v23 =	vadd.f32 $-1.315818280e-01, v23;
	v19 =	vpop (erf)  }
0x15c: {  	v21 =	vtrunc.f32 v21;
	v24 =	vadd.f32 $9.992355100e-01, v24;
	v26 =	vmul.f32 $3.044900480e-02, v19  }
0x15d: {  	v27 =	vadd.f32 $1.000000000e+00, v19;
	v20 =	vpop (erf);
	v21 =	vcvt.f32.s32 v21;
	v23 =	vmul.f32 v23, v18  }
0x15e: {  	v47 =	vsel vm4, $0x3F800000, v19;
	v28 =	vadd.f32 $1.000000000e+00, v20;
	v29 =	vpop (erf);
	v30 =	vmul.f32 $3.044900480e-02, v20  }
0x15f: {  	v22 =	vmul.f32 v24, v22;
	v41 =	vsel vm2, $0x3F800000, v20;
	v31 =	vadd.f32 $1.000000000e+00, v29  }
0x160: {  	v61 =	vmul.f32 $3.044900480e-02, v29;
	vm7 =	vlt.s32 v21, $0x9;
	(erf) = vrcp.f32 v27  }
0x161: {  	v32 =	vpop (erf);
	v26 =	vadd.f32 $-1.315818280e-01, v26;
	v23 =	vadd.f32 $2.852726880e-01, v23;
	v42 =	vsel vm5, $0x3F800000, v29  }
0x162: {  	v62 =	vadd.f32 $1.000000000e+00, v32;
	v36 =	vmul.f32 $3.044900480e-02, v32;
	v21 =	vnsel vm7, $0x9, v21  }
0x163: {  	v35 =	vpop (erf);
	v22 =	vadd.f32 $9.975032300e-06, v22;
	(erf) = vrcp.f32 v28;
	v27 =	vadd.f32 $-1.315818280e-01, v30  }
0x164: {  	v49 =	vsel vm3, $0x3F800000, v32;
	v37 =	vadd.f32 $1.000000000e+00, v35;
	v21 =	vshll.u32 v21, $0x4  }
0x165: {  	v24 =	vmul.f32 $3.044900480e-02, v35;
	(erf) = vrcp.f32 v31;
	v28 =	vadd.f32 $-1.315818280e-01, v61  }
0x166: {  	v38 =	vpop (erf);
	v26 =	vmul.f32 v26, v19;
	v31 =	vsel vm6, $0x3F800000, v18;
	v23 =	vmul.f32 v23, v18  }
0x167: {  	v51 =	vsel vm0, $0x3F800000, v35;
	v39 =	vadd.f32 $1.000000000e+00, v38;
	v25 =	vmul.f32 $3.044900480e-02, v38  }
0x168: {  	v40 =	vadd.s32 v8, v21;
	v30 =	vadd.f32 $-1.315818280e-01, v36;
	(erf) = vrcp.f32 v62  }
0x169: {  	v27 =	vmul.f32 v27, v20;
	v55 =	vadd.s32 v9, v21;
	v24 =	vadd.f32 $-1.315818280e-01, v24  }
0x16a: {  	(erf) = vrcp.f32 v37;
	v28 =	vmul.f32 v28, v29;
	v26 =	vadd.f32 $2.852726880e-01, v26  }
0x16b: {  	v23 =	vadd.f32 $-4.902307090e-01, v23;
	v25 =	vadd.f32 $-1.315818280e-01, v25;
	(erf) = vrcp.f32 v39  }
0x16c: {  	v30 =	vmul.f32 v30, v32;
	v27 =	vadd.f32 $2.852726880e-01, v27;
	v63 =	vpop (erf);
	v24 =	vmul.f32 v24, v35  }
0x16d: {  	v28 =	vadd.f32 $2.852726880e-01, v28;
	v26 =	vmul.f32 v26, v19;
	v31 =	vmul.f32 v63, v31  }
0x16e: {  	v23 =	vmul.f32 v23, v18;
	v25 =	vmul.f32 v25, v38;
	v30 =	vadd.f32 $2.852726880e-01, v30  }
0x16f: {  	v27 =	vmul.f32 v27, v20;
	v24 =	vadd.f32 $2.852726880e-01, v24;
	v28 =	vmul.f32 v28, v29  }
0x170: {  	v26 =	vadd.f32 $-4.902307090e-01, v26;
	v57 =	vadd.f32 $9.992355100e-01, v23;
	v45 =	vpop (erf);
	v30 =	vmul.f32 v30, v32  }
0x171: {  	v25 =	vadd.f32 $2.852726880e-01, v25;
	v24 =	vmul.f32 v24, v35;
	v34 =	vmul.f32 v45, v47  }
0x172: {  	v27 =	vadd.f32 $-4.902307090e-01, v27;
	v46 =	vpop (erf);
	v26 =	vmul.f32 v26, v19;
	v63 =	vmul.f32 v57, v18  }
0x173: {  	v28 =	vadd.f32 $-4.902307090e-01, v28;
	v25 =	vmul.f32 v25, v38;
	v48 =	vpop (erf);
	v36 =	vmul.f32 v46, v41  }
0x174: {  	v30 =	vadd.f32 $-4.902307090e-01, v30;
	v27 =	vmul.f32 v27, v20;
	v43 =	vpop (erf);
	v39 =	vmul.f32 v48, v42  }
0x175: {  	v24 =	vadd.f32 $-4.902307090e-01, v24;
	v28 =	vmul.f32 v28, v29;
	v33 =	vmul.f32 v43, v49  }
0x176: {  	v56 =	vadd.f32 v22, v17;
	v50 =	vpop (erf);
	v30 =	vmul.f32 v30, v32;
	v17 =	vmul.f32 $1.000000000e+01, v36  }
0x177: {  	v26 =	vadd.f32 $9.992355100e-01, v26;
	v37 =	vmul.f32 v50, v51;
	v21 =	vmul.f32 v24, v35  }
0x178: {  	v25 =	vadd.f32 $-4.902307090e-01, v25;
	v24 =	vmul.f32 $1.000000000e+01, v31;
	v31 =	vmul.f32 $1.000000000e+01, v34  }
0x179: {  	v53 =	vsel vm1, $0x3F800000, v38;
	v52 =	vpop (erf);
	v22 =	vmul.f32 $1.000000000e+01, v39;
	v34 =	vmul.f32 v26, v19  }
0x17a: {  	v27 =	vadd.f32 $9.992355100e-01, v27;
	v54 =	vmul.f32 v52, v53;
	v25 =	vmul.f32 v25, v38  }
0x17b: {  	v23 =	vmul.f32 $1.000000000e+01, v33;
	v17 =	vtrunc.f32 v17  }
0x17c: {  	v28 =	vadd.f32 $9.992355100e-01, v28;
	v27 =	vmul.f32 v27, v20;
	v58 =	vmul.f32 $1.000000000e+01, v37  }
0x17d: {  	v24 =	vtrunc.f32 v24;
	v31 =	vtrunc.f32 v31  }
0x17e: {  	v22 =	vtrunc.f32 v22;
	v26 =	vmul.f32 v28, v29  }
0x17f: {  	v59 =	vmul.f32 $1.000000000e+01, v54;
	v60 =	vtrunc.f32 v23  }
0x180: {  	v30 =	vadd.f32 $9.992355100e-01, v30;
	v33 =	vcvt.f32.s32 v24;
	v31 =	vcvt.f32.s32 v31  }
0x181: {  	v62 =	vadd.f32 $9.992355100e-01, v21;
	v24 =	vcvt.f32.s32 v17;
	v23 =	vcvt.f32.s32 v22  }
0x182: {  	v20 =	vmul.f32 v30, v32;
	v61 =	vtrunc.f32 v58  }
0x183: {  	v25 =	vadd.f32 $9.992355100e-01, v25;
	v22 =	vcvt.f32.s32 v60;
	v19 =	vmul.f32 v62, v35  }
0x184: {  	v36 =	vtrunc.f32 v59;
	vm4 =	vlt.s32 v33, $0x9;
	v21 =	vcvt.f32.s32 v61  }
0x185: {  	vm6 =	vlt.s32 v31, $0x9;
	vm5 =	vlt.s32 v24, $0x9;
	v17 =	vcvt.f32.s32 v36  }
0x186: {  	[tilespmem:v40+s15+$0x0] =	vst.idx.add.f32.msk $0xffff, v56;
	vm2 =	vlt.s32 v23, $0x9;
	v18 =	vmul.f32 v25, v38;
	v25 =	vadd.f32 $9.975032300e-06, v63  }
0x187: {  	s22 =	simm.s32 $0x0;
	s23 =	simm.s32 $0x7DC0;
	[tilespmem:v55+s15+$0x0] =	vst.idx.add.f32.msk $0xffff, v2;
	vm1 =	vlt.s32 v22, $0x9;
	vm3 =	vlt.s32 v21, $0x9;
	vm0 =	vlt.s32 v17, $0x9  }
.LBB2_5:
0x188: {  	v28 =	vld [tilespmem:s23+$0x30];
	v29 =	vnsel vm4, $0x9, v33;
	v30 =	vadd.f32 $9.975032300e-06, v34;
	v27 =	vadd.f32 $9.975032300e-06, v27;
	s21 =	sadd.s32 $0x80, s21  }
0x189: {  	s22 =	sadd.s32 $0x8, s22;
	v31 =	vnsel vm6, $0x9, v31;
	v33 =	vadd.f32 $9.975032300e-06, v26;
	v34 =	vadd.f32 $9.975032300e-06, v20;
	v32 =	vld [tilespmem:s21+$0x30]  }
0x18a: {  	v20 =	vnsel vm5, $0x9, v24;
	v19 =	vadd.f32 $9.975032300e-06, v19;
	v36 =	vadd.f32 $9.975032300e-06, v18;
	p0 =	slt.u32 s22, $0x3E0;
	v35 =	vld [tilespmem:s23+$0xFFFFFFD0]  }
0x18b: {  	v18 =	vnsel vm2, $0x9, v23;
	v22 =	vnsel vm1, $0x9, v22;
	v23 =	vnsel vm3, $0x9, v21;
	v37 =	vld [tilespmem:s23+$0xFFFFFFE0]  }
0x18c: {  	v17 =	vnsel vm0, $0x9, v17;
	v24 =	vshll.u32 v29, $0x4;
	v29 =	vshll.u32 v31, $0x4;
	v38 =	vld [tilespmem:s23+$0xFFFFFFF0]  }
0x18d: {  	v26 =	vshll.u32 v20, $0x4;
	v21 =	vshll.u32 v18, $0x4;
	v39 =	vld [tilespmem:s23+$0x0];
	v31 =	vsub.f32 $0.0e+00, v28  }
0x18e: {  	v20 =	vshll.u32 v22, $0x4;
	v18 =	vshll.u32 v23, $0x4;
	v40 =	vld [tilespmem:s23+$0x10];
	vm0 =	vgt.f32 v32, $5.000000000e-01  }
0x18f: {  	v17 =	vshll.u32 v17, $0x4;
	v41 =	vsub.f32 $0.0e+00, v35;
	v42 =	vld [tilespmem:s23+$0x20];
	v31 =	vsel vm0, v31, v28  }
0x190: {  	v16 =	vadd.f32 v25, v16;
	v28 =	vld [tilespmem:s23+$0xFFFFFFC0];
	v43 =	vsub.f32 $0.0e+00, v37;
	v22 =	vand.u32 $0x7FFFFFFF, v31  }
0x191: {  	v45 =	vor.u32 v0, v24;
	v25 =	vld [tilespmem:s21+$0xFFFFFFC0];
	v44 =	vsub.f32 $0.0e+00, v38;
	v22 =	vsub.f32 $0.0e+00, v22  }
0x192: {  	v48 =	vadd.s32 v3, v24;
	v15 =	vadd.f32 v30, v15;
	v46 =	vld [tilespmem:s21+$0xFFFFFFD0];
	v47 =	vsub.f32 $0.0e+00, v39  }
0x193: {  	v32 =	vadd.f32 v27, v14;
	v30 =	vld [tilespmem:s21+$0xFFFFFFE0];
	v49 =	vsub.f32 $0.0e+00, v40;
	v22 =	vmul.f32 $1.442695020e+00, v22  }
0x194: {  	v50 =	vadd.s32 v4, v29;
	v24 =	vadd.f32 v33, v13;
	v14 =	vld [tilespmem:s21+$0xFFFFFFF0];
	v27 =	vsub.f32 $0.0e+00, v42  }
0x195: {  	v23 =	vadd.f32 v34, v12;
	v13 =	vsub.f32 $0.0e+00, v28;
	v33 =	vld [tilespmem:s21+$0x0];
	(erf) = vpow2.f32 v22  }
0x196: {  	v22 =	vadd.f32 v19, v11;
	v19 =	vadd.f32 v36, v10;
	vm0 =	vgt.f32 v25, $5.000000000e-01;
	v12 =	vld [tilespmem:s21+$0x10]  }
0x197: {  	v10 =	vsel vm0, v13, v28;
	vm0 =	vgt.f32 v46, $5.000000000e-01;
	v11 =	vld [tilespmem:s21+$0x20];
	v13 =	vadd.s32 v5, v29  }
0x198: {  	v25 =	vand.u32 $0x7FFFFFFF, v10;
	v28 =	vsel vm0, v41, v35;
	vm0 =	vgt.f32 v30, $5.000000000e-01;
	[tilespmem:v45+s15+$0x0] =	vst.idx.add.f32.msk $0xffff, v16  }
0x199: {  	v16 =	vand.u32 $0x7FFFFFFF, v28;
	v29 =	vsel vm0, v43, v37;
	vm0 =	vgt.f32 v14, $5.000000000e-01;
	[tilespmem:v48+s15+$0x0] =	vst.idx.add.f32.msk $0xffff, v2  }
0x19a: {  	v14 =	vand.u32 $0x7FFFFFFF, v29;
	v30 =	vsel vm0, v44, v38;
	vm0 =	vgt.f32 v33, $5.000000000e-01;
	[tilespmem:v50+s15+$0x0] =	vst.idx.add.f32.msk $0xffff, v15  }
0x19b: {  	v15 =	vand.u32 $0x7FFFFFFF, v30;
	v33 =	vsel vm0, v47, v39;
	vm0 =	vgt.f32 v12, $5.000000000e-01  }
0x19c: {  	v12 =	vand.u32 $0x7FFFFFFF, v33;
	v34 =	vsel vm0, v49, v40;
	vm0 =	vgt.f32 v11, $5.000000000e-01;
	[tilespmem:v13+s15+$0x0] =	vst.idx.add.f32.msk $0xffff, v2  }
0x19d: {  	v11 =	vsub.f32 $0.0e+00, v25;
	v13 =	vand.u32 $0x7FFFFFFF, v34;
	v25 =	vsel vm0, v27, v42  }
0x19e: {  	v16 =	vsub.f32 $0.0e+00, v16;
	v14 =	vsub.f32 $0.0e+00, v14;
	v27 =	vand.u32 $0x7FFFFFFF, v25;
	v35 =	vpop (erf)  }
0x19f: {  	v15 =	vsub.f32 $0.0e+00, v15;
	v11 =	vmul.f32 $1.442695020e+00, v11;
	v36 =	vadd.f32 $1.000000000e+00, v35  }
0x1a0: {  	v16 =	vmul.f32 $1.442695020e+00, v16;
	v12 =	vsub.f32 $0.0e+00, v12;
	v13 =	vsub.f32 $0.0e+00, v13  }
0x1a1: {  	v14 =	vmul.f32 $1.442695020e+00, v14;
	v27 =	vsub.f32 $0.0e+00, v27;
	(erf) = vrcp.f32 v36  }
0x1a2: {  	vm6 =	vge.f32 v10, $0.0e+00;
	v15 =	vmul.f32 $1.442695020e+00, v15;
	v12 =	vmul.f32 $1.442695020e+00, v12  }
0x1a3: {  	vm4 =	vge.f32 v28, $0.0e+00;
	v13 =	vmul.f32 $1.442695020e+00, v13;
	v27 =	vmul.f32 $1.442695020e+00, v27  }
0x1a4: {  	vm3 =	vge.f32 v29, $0.0e+00;
	v36 =	vmul.f32 $3.044900480e-02, v35;
	(erf) = vpow2.f32 v11  }
0x1a5: {  	vm1 =	vge.f32 v30, $0.0e+00;
	vm2 =	vge.f32 v33, $0.0e+00;
	(erf) = vpow2.f32 v16  }
0x1a6: {  	vm0 =	vge.f32 v34, $0.0e+00;
	v11 =	vadd.f32 $-1.315818280e-01, v36;
	(erf) = vpow2.f32 v14  }
0x1a7: {  	vm5 =	vge.f32 v25, $0.0e+00;
	v16 =	vmax.f32 v10, $0.0e+00;
	(erf) = vpow2.f32 v15  }
0x1a8: {  	v10 =	vmul.f32 v11, v35;
	v15 =	vmax.f32 v28, $0.0e+00;
	(erf) = vpow2.f32 v12  }
0x1a9: {  	vm7 =	vge.f32 v31, $0.0e+00;
	v14 =	vmax.f32 v29, $0.0e+00;
	(erf) = vpow2.f32 v13  }
0x1aa: {  	v28 =	vadd.f32 $2.852726880e-01, v10;
	v10 =	vsel vm7, $0x3F800000, v35;
	(erf) = vpow2.f32 v27;
	v11 =	vpop (erf)  }
0x1ab: {  	v12 =	vmax.f32 v33, $0.0e+00;
	v13 =	vmax.f32 v30, $0.0e+00;
	v27 =	vmul.f32 v11, v10  }
0x1ac: {  	v28 =	vmul.f32 v28, v35;
	v11 =	vmax.f32 v34, $0.0e+00;
	v10 =	vmax.f32 v25, $0.0e+00  }
0x1ad: {  	v33 =	vadd.s32 v6, v26;
	v34 =	vadd.s32 v7, v26;
	v30 =	vmul.f32 $1.000000000e+01, v27;
	v25 =	vpop (erf)  }
0x1ae: {  	v42 =	vadd.f32 $-4.902307090e-01, v28;
	v36 =	vmul.f32 $3.044900480e-02, v25;
	v37 =	vadd.f32 $1.000000000e+00, v25;
	v26 =	vpop (erf)  }
0x1af: {  	v38 =	vmul.f32 $3.044900480e-02, v26;
	v39 =	vadd.f32 $1.000000000e+00, v26;
	v45 =	vtrunc.f32 v30;
	v27 =	vpop (erf)  }
0x1b0: {  	v47 =	vmul.f32 v42, v35;
	v40 =	vadd.f32 $1.000000000e+00, v27;
	v41 =	vcvt.f32.s32 v45;
	v28 =	vpop (erf)  }
0x1b1: {  	v42 =	vmul.f32 $3.044900480e-02, v27;
	v43 =	vmul.f32 $3.044900480e-02, v28;
	v44 =	vadd.f32 $1.000000000e+00, v28;
	v29 =	vpop (erf)  }
0x1b2: {  	v46 =	vadd.f32 $9.992355100e-01, v47;
	v45 =	vadd.f32 $1.000000000e+00, v29;
	vm7 =	vlt.s32 v41, $0x9;
	v30 =	vpop (erf);
	[tilespmem:v33+s15+$0x0] =	vst.idx.add.f32.msk $0xffff, v32  }
0x1b3: {  	v33 =	vmul.f32 $3.044900480e-02, v29;
	v47 =	vadd.f32 $1.000000000e+00, v30;
	v41 =	vnsel vm7, $0x9, v41;
	v32 =	vpop (erf);
	[tilespmem:v34+s15+$0x0] =	vst.idx.add.f32.msk $0xffff, v2  }
0x1b4: {  	v35 =	vmul.f32 v46, v35;
	v34 =	vadd.f32 $1.000000000e+00, v32;
	v41 =	vshll.u32 v41, $0x4  }
0x1b5: {  	v46 =	vmul.f32 $3.044900480e-02, v30;
	v48 =	vmul.f32 $3.044900480e-02, v32;
	v49 =	vadd.s32 v8, v41  }
0x1b6: {  	v35 =	vadd.f32 $9.975032300e-06, v35;
	v41 =	vadd.s32 v9, v41;
	(erf) = vrcp.f32 v37  }
0x1b7: {  	v31 =	vmax.f32 v31, $0.0e+00;
	v36 =	vadd.f32 $-1.315818280e-01, v36;
	(erf) = vrcp.f32 v39  }
0x1b8: {  	v37 =	vadd.f32 $-1.315818280e-01, v38;
	v31 =	vadd.f32 v35, v31;
	(erf) = vrcp.f32 v40  }
0x1b9: {  	v35 =	vadd.f32 $-1.315818280e-01, v42;
	v38 =	vadd.f32 $-1.315818280e-01, v43;
	(erf) = vrcp.f32 v44  }
0x1ba: {  	v33 =	vadd.f32 $-1.315818280e-01, v33;
	v39 =	vadd.f32 $-1.315818280e-01, v46;
	[tilespmem:v49+s15+$0x0] =	vst.idx.add.f32.msk $0xffff, v31;
	(erf) = vrcp.f32 v45  }
0x1bb: {  	v31 =	vmul.f32 v36, v25;
	v36 =	vadd.f32 $-1.315818280e-01, v48;
	[tilespmem:v41+s15+$0x0] =	vst.idx.add.f32.msk $0xffff, v2;
	(erf) = vrcp.f32 v47  }
0x1bc: {  	v40 =	vsel vm6, $0x3F800000, v25;
	v37 =	vmul.f32 v37, v26;
	(erf) = vrcp.f32 v34  }
0x1bd: {  	v31 =	vadd.f32 $2.852726880e-01, v31;
	v34 =	vmul.f32 v35, v27;
	v35 =	vmul.f32 v38, v28  }
0x1be: {  	v33 =	vmul.f32 v33, v29;
	v37 =	vadd.f32 $2.852726880e-01, v37;
	v38 =	vmul.f32 v39, v30  }
0x1bf: {  	v36 =	vmul.f32 v36, v32;
	v34 =	vadd.f32 $2.852726880e-01, v34;
	v35 =	vadd.f32 $2.852726880e-01, v35;
	v39 =	vpop (erf)  }
0x1c0: {  	v33 =	vadd.f32 $2.852726880e-01, v33;
	v31 =	vmul.f32 v31, v25;
	v38 =	vadd.f32 $2.852726880e-01, v38;
	v41 =	vpop (erf)  }
0x1c1: {  	v37 =	vmul.f32 v37, v26;
	v36 =	vadd.f32 $2.852726880e-01, v36;
	v34 =	vmul.f32 v34, v27;
	v42 =	vpop (erf)  }
0x1c2: {  	v33 =	vmul.f32 v33, v29;
	v31 =	vadd.f32 $-4.902307090e-01, v31;
	v35 =	vmul.f32 v35, v28;
	v43 =	vpop (erf)  }
0x1c3: {  	v37 =	vadd.f32 $-4.902307090e-01, v37;
	v38 =	vmul.f32 v38, v30;
	v36 =	vmul.f32 v36, v32;
	v44 =	vpop (erf)  }
0x1c4: {  	v45 =	vsel vm4, $0x3F800000, v26;
	v34 =	vadd.f32 $-4.902307090e-01, v34;
	v35 =	vadd.f32 $-4.902307090e-01, v35;
	v46 =	vpop (erf)  }
0x1c5: {  	v47 =	vsel vm3, $0x3F800000, v27;
	v33 =	vadd.f32 $-4.902307090e-01, v33;
	v38 =	vadd.f32 $-4.902307090e-01, v38;
	v48 =	vpop (erf)  }
0x1c6: {  	v50 =	vsel vm2, $0x3F800000, v29;
	v49 =	vsel vm1, $0x3F800000, v28;
	v36 =	vadd.f32 $-4.902307090e-01, v36  }
0x1c7: {  	v51 =	vsel vm5, $0x3F800000, v32;
	v39 =	vmul.f32 v39, v40;
	v40 =	vsel vm0, $0x3F800000, v30  }
0x1c8: {  	v41 =	vmul.f32 v41, v45;
	v45 =	vadd.s32 v8, v21;
	v42 =	vmul.f32 v42, v47  }
0x1c9: {  	v21 =	vadd.s32 v9, v21;
	v43 =	vmul.f32 v43, v49;
	v44 =	vmul.f32 v44, v50  }
0x1ca: {  	v47 =	vor.u32 v0, v20;
	v40 =	vmul.f32 v46, v40;
	v46 =	vmul.f32 v48, v51  }
0x1cb: {  	v37 =	vmul.f32 v37, v26;
	v31 =	vmul.f32 v31, v25;
	v20 =	vadd.s32 v3, v20  }
0x1cc: {  	v34 =	vmul.f32 v34, v27;
	v35 =	vmul.f32 v35, v28;
	v48 =	vadd.s32 v4, v18  }
0x1cd: {  	v49 =	vadd.f32 $9.992355100e-01, v31;
	v31 =	vmul.f32 v33, v29;
	v33 =	vmul.f32 v38, v30;
	[tilespmem:v45+s15+$0x0] =	vst.idx.add.f32.msk $0xffff, v24  }
0x1ce: {  	v37 =	vadd.f32 $9.992355100e-01, v37;
	v36 =	vmul.f32 v36, v32;
	v24 =	vmul.f32 $1.000000000e+01, v39;
	[tilespmem:v21+s15+$0x0] =	vst.idx.add.f32.msk $0xffff, v2  }
0x1cf: {  	v38 =	vadd.f32 $9.992355100e-01, v34;
	v34 =	vmul.f32 $1.000000000e+01, v42;
	v21 =	vmul.f32 $1.000000000e+01, v41;
	[tilespmem:v47+s15+$0x0] =	vst.idx.add.f32.msk $0xffff, v23  }
0x1d0: {  	v35 =	vadd.f32 $9.992355100e-01, v35;
	v39 =	vmul.f32 $1.000000000e+01, v44;
	v23 =	vmul.f32 $1.000000000e+01, v43;
	[tilespmem:v20+s15+$0x0] =	vst.idx.add.f32.msk $0xffff, v2  }
0x1d1: {  	v20 =	vadd.f32 $9.992355100e-01, v31;
	v31 =	vmul.f32 $1.000000000e+01, v40;
	v40 =	vmul.f32 $1.000000000e+01, v46;
	[tilespmem:v48+s15+$0x0] =	vst.idx.add.f32.msk $0xffff, v22  }
0x1d2: {  	v36 =	vadd.f32 $9.992355100e-01, v36;
	v41 =	vadd.f32 $9.992355100e-01, v33;
	v22 =	vtrunc.f32 v24  }
0x1d3: {  	v18 =	vadd.s32 v5, v18;
	v21 =	vtrunc.f32 v21;
	v24 =	vtrunc.f32 v34  }
0x1d4: {  	v23 =	vtrunc.f32 v23;
	v34 =	vtrunc.f32 v39;
	v39 =	vadd.s32 v6, v17  }
0x1d5: {  	v43 =	vadd.s32 v7, v17;
	v42 =	vtrunc.f32 v31;
	v40 =	vtrunc.f32 v40  }
0x1d6: {  	v33 =	vcvt.f32.s32 v22;
	v31 =	vcvt.f32.s32 v21  }
0x1d7: {  	v24 =	vcvt.f32.s32 v24;
	v23 =	vcvt.f32.s32 v23  }
0x1d8: {  	v22 =	vcvt.f32.s32 v34;
	v21 =	vcvt.f32.s32 v42;
	vm4 =	vlt.s32 v33, $0x9;
	[tilespmem:v18+s15+$0x0] =	vst.idx.add.f32.msk $0xffff, v2  }
.Ltmp1:
0x1d9: {  	v25 =	vmul.f32 v49, v25;
	v17 =	vcvt.f32.s32 v40;
	vm6 =	vlt.s32 v31, $0x9;
	[tilespmem:v39+s15+$0x0] =	vst.idx.add.f32.msk $0xffff, v19;
	(pc) =	sbr.rel @p0 .LBB2_5-.Ltmp1, $4  }
0x1da: {  	v27 =	vmul.f32 v38, v27;
	v34 =	vmul.f32 v37, v26;
	vm5 =	vlt.s32 v24, $0x9;
	[tilespmem:v43+s15+$0x0] =	vst.idx.add.f32.msk $0xffff, v2  }
0x1db: {  	v26 =	vmul.f32 v35, v28;
	v20 =	vmul.f32 v20, v29;
	vm2 =	vlt.s32 v23, $0x9  }
0x1dc: {  	vm1 =	vlt.s32 v22, $0x9;
	v18 =	vmul.f32 v36, v32;
	v19 =	vmul.f32 v41, v30  }
0x1dd: {  	s23 =	sadd.s32 $0x80, s23;
	v25 =	vadd.f32 $9.975032300e-06, v25;
	vm3 =	vlt.s32 v21, $0x9;
	vm0 =	vlt.s32 v17, $0x9  }
0x1de: {  	v28 =	vnsel vm4, $0x9, v33;
	v29 =	vnsel vm6, $0x9, v31;
	v47 =	vadd.f32 $9.975032300e-06, v34  }
0x1df: {  	v24 =	vnsel vm5, $0x9, v24;
	v27 =	vadd.f32 $9.975032300e-06, v27;
	v23 =	vnsel vm2, $0x9, v23  }
0x1e0: {  	v52 =	vadd.f32 $9.975032300e-06, v26;
	v22 =	vnsel vm1, $0x9, v22;
	v28 =	vshll.u32 v28, $0x4  }
0x1e1: {  	v55 =	vadd.f32 $9.975032300e-06, v20;
	v29 =	vshll.u32 v29, $0x4;
	v30 =	vor.u32 v0, v28  }
0x1e2: {  	v56 =	vnsel vm3, $0x9, v21;
	v24 =	vshll.u32 v24, $0x4;
	v32 =	vadd.s32 v4, v29  }
0x1e3: {  	v17 =	vnsel vm0, $0x9, v17;
	v50 =	vshll.u32 v23, $0x4;
	v49 =	vadd.s32 v6, v24  }
0x1e4: {  	v16 =	vadd.f32 v25, v16;
	v22 =	vshll.u32 v22, $0x4;
	v53 =	vadd.s32 v8, v50  }
0x1e5: {  	v20 =	vshll.u32 v56, $0x4;
	v15 =	vadd.f32 v47, v15;
	v57 =	vor.u32 v0, v22  }
0x1e6: {  	v17 =	vshll.u32 v17, $0x4;
	v14 =	vadd.f32 v27, v14;
	v59 =	vadd.s32 v4, v20;
	[tilespmem:v30+s15+$0x0] =	vst.idx.add.f32.msk $0xffff, v16  }
0x1e7: {  	v19 =	vadd.f32 $9.975032300e-06, v19;
	v13 =	vadd.f32 v52, v13;
	v61 =	vadd.s32 v6, v17;
	[tilespmem:v32+s15+$0x0] =	vst.idx.add.f32.msk $0xffff, v15  }
0x1e8: {  	v62 =	vadd.f32 $9.975032300e-06, v18;
	v28 =	vadd.s32 v3, v28;
	v12 =	vadd.f32 v55, v12;
	[tilespmem:v49+s15+$0x0] =	vst.idx.add.f32.msk $0xffff, v14  }
0x1e9: {  	v48 =	vadd.s32 v5, v29;
	v11 =	vadd.f32 v19, v11;
	[tilespmem:v53+s15+$0x0] =	vst.idx.add.f32.msk $0xffff, v13  }
0x1ea: {  	v51 =	vadd.s32 v7, v24;
	v10 =	vadd.f32 v62, v10;
	[tilespmem:v57+s15+$0x0] =	vst.idx.add.f32.msk $0xffff, v12  }
0x1eb: {  	v54 =	vadd.s32 v9, v50;
	[tilespmem:v59+s15+$0x0] =	vst.idx.add.f32.msk $0xffff, v11  }
0x1ec: {  	v58 =	vadd.s32 v3, v22;
	[tilespmem:v61+s15+$0x0] =	vst.idx.add.f32.msk $0xffff, v10  }
0x1ed: {  	s20 =	sadd.s32 $0x1, s20;
	v60 =	vadd.s32 v5, v20;
	[tilespmem:v28+s15+$0x0] =	vst.idx.add.f32.msk $0xffff, v2  }
0x1ee: {  	p0 =	sne.s32 s20, $0x8;
	v63 =	vadd.s32 v7, v17;
	[tilespmem:v48+s15+$0x0] =	vst.idx.add.f32.msk $0xffff, v2  }
.Ltmp2:
0x1ef: {  	[tilespmem:v51+s15+$0x0] =	vst.idx.add.f32.msk $0xffff, v2;
	(pc) =	sbr.rel @p0 .LBB2_2-.Ltmp2, $4  }
0x1f0: {  	[tilespmem:v54+s15+$0x0] =	vst.idx.add.f32.msk $0xffff, v2  }
0x1f1: {  	[tilespmem:v58+s15+$0x0] =	vst.idx.add.f32.msk $0xffff, v2  }
0x1f2: {  	[tilespmem:v60+s15+$0x0] =	vst.idx.add.f32.msk $0xffff, v2  }
0x1f3: {  	[tilespmem:v63+s15+$0x0] =	vst.idx.add.f32.msk $0xffff, v2  }
0x1f4: {  	s19 =	sadd.s32 $0x1, s19  }
0x1f5: {  	p0 =	sne.s32 s19, s9  }
.Ltmp3:
0x1f6: {  	_ = 	snop;
	(pc) =	sbr.rel @p0 .LBB2_1-.Ltmp3, $4  }
0x1f7: {  	[hbm4b:s8+s2] =	stream.linear.scatter [tilespmem:s15], [sflag:$0x5], $0x500, $0x38;
	[tilespmem:$0xFF00] =	vst v63  }
0x1f8: {  	_ =	swait.ge [sflag:s18], $0x500  }
0x1f9: {  	[sflag:s18] =	ssyncset.done $0x0  }
0x1fa: {  	[sflag:s18] =	ssyncadd.s32 $0xFFFFFB00  }
0x1fb: {  	_ =	sfence.sel $0x180000  }
0x1fc: {  	[bflag:$0x0] =	sbarrier.arrive $0xFFFF  }
0x1fd: {  	p0 =	sne.s32 s0, $0x0;
	_ =	strace $0x90000047  }
0x1fe: {  	s0 =	sadd.s32 @!p0 $0x100000, s1;
	[bflag:$0x2] =	sbarrier.arrive $0xFFFF  }
0x1ff: {  	[sflag:s0] =	ssyncadd.tile.s32 @!p0 $0x1;
	_ =	shalt  }
.Lfunc_end2:
_tile_overlayer_lowered:
.L_overlay_start_2:
0x200: {  	(tag) =	ssettag $0x2  }
0x201: {  	s0 =	rddreg [dreg:$0x0];
	s2 =	stileid.u32  }
0x202: {  	s1 =	rddreg [dreg:$0x1];
	p0 =	sne.s32 s2, $0x0  }
0x203: {  	s3 =	rddreg [dreg:$0x2];
	[bflag:$0x3] =	sbarrier.arrive $0xFFFF;
	s2 =	simm.s32 @!p0 $0x1C05  }
0x204: {  	[timem:s3], [sflag:s2] =	dma.local @!p0 [hbm:s0], s1  }
0x205: {  	s0 =	simm.s32 @!p0 $0x5  }
0x206: {  	_ =	swait.ge @!p0 [sflag:s0], s1  }
0x207: {  	s1 =	ssub.s32 @!p0 $0x0, s1;
	[sflag:s0] =	ssyncset.done @!p0 $0x0  }
0x208: {  	[sflag:s0] =	ssyncadd.s32 @!p0 s1  }
0x209: {  	[bflag:$0x3] =	sbarrier.arrive $0xFFFF  }
0x20a: {  	_ =	shalt  }

</sc_bundles>
